<compile_context>
chip_gen: v7x
topology: tpu7x:2x2x1
jax: 0.10.2.dev20260603
libtpu: 0.0.44.dev20260713+nightly
codegen_flags: <defaults>
</compile_context>

<pallas_src>
import jax
import jax.numpy as jnp
from jax import lax
from jax.experimental import pallas as pl
from jax.experimental.pallas import tpu as pltpu
from jax.experimental.pallas import tpu_sc as plsc

_N_NODES = 100000
_N_EDGES = 3200000
_OUT_DIM = 16
_CUTOFF = 5.0
_NW = 32
_CHUNK = 1280
_NCH_TOT = _N_EDGES // _CHUNK
_ROUNDS = -(-_NCH_TOT // _NW)
_PAIRS = (_ROUNDS + 1) // 2
_GROUPS = _CHUNK // 16
_WIDTH = _CUTOFF / (_OUT_DIM - 1)
_NEG_I2W2 = -1.0 / (2.0 * _WIDTH * _WIDTH)
_CENTERS = [_CUTOFF * k / (_OUT_DIM - 1) for k in range(_OUT_DIM)]
_BAND = _N_EDGES * 8


def _sc_body(px_hbm, py_hbm, pz_hbm, src_hbm, dst_hbm, out_hbm,
             shx, shy, shz,
             src_idx0, dst_idx0, xs0, ys0, zs0, xd0, yd0, zd0, b00, b10,
             src_idx1, dst_idx1, xs1, ys1, zs1, xd1, yd1, zd1, b01, b11,
             gsem0, gsem1, osem0, osem1, isem0, isem1):
    sid = lax.axis_index("s")
    wid = sid * 2 + lax.axis_index("c")
    slots = (
        (src_idx0, dst_idx0, (xs0, ys0, zs0), (xd0, yd0, zd0),
         b00, b10, gsem0, osem0, isem0),
        (src_idx1, dst_idx1, (xs1, ys1, zs1), (xd1, yd1, zd1),
         b01, b11, gsem1, osem1, isem1),
    )

    @pl.when(sid == 0)
    def _stage_planes():
        pltpu.sync_copy(px_hbm, shx)
        pltpu.sync_copy(py_hbm, shy)
        pltpu.sync_copy(pz_hbm, shz)

    plsc.subcore_barrier()

    def _gathers(slot):
        src_idx, dst_idx, svs, dvs = slot[0], slot[1], slot[2], slot[3]
        return ([(sh.at[src_idx], v) for sh, v in zip((shx, shy, shz), svs)]
                + [(sh.at[dst_idx], v) for sh, v in zip((shx, shy, shz), dvs)])

    def _idx_copies(slot, ebase):
        return ((src_hbm.at[pl.ds(ebase, _CHUNK)], slot[0]),
                (dst_hbm.at[pl.ds(ebase, _CHUNK)], slot[1]))

    def fire_idx(slot, r):
        ci = r * _NW + wid

        @pl.when(ci < _NCH_TOT)
        def _():
            for s, d in _idx_copies(slot, ci * _CHUNK):
                pltpu.async_copy(s, d, slot[8])

    def fire_gather(slot, r):
        ci = r * _NW + wid

        @pl.when(ci < _NCH_TOT)
        def _():
            for s, d in _idx_copies(slot, ci * _CHUNK):
                pltpu.make_async_copy(s, d, slot[8]).wait()
            for s, d in _gathers(slot):
                pltpu.async_copy(s, d, slot[6])

    def wait_out(slot, r):
        ci = r * _NW + wid

        @pl.when(jnp.logical_and(r >= 0, ci < _NCH_TOT))
        def _():
            ebase = ci * _CHUNK
            b0, b1, osem = slot[4], slot[5], slot[7]
            pltpu.make_async_copy(
                b0, out_hbm.at[pl.ds(ebase * 8, _CHUNK * 8)], osem).wait()
            pltpu.make_async_copy(
                b1, out_hbm.at[pl.ds(_BAND + ebase * 8, _CHUNK * 8)],
                osem).wait()

    def consume(slot, r):
        ci = r * _NW + wid

        @pl.when(ci < _NCH_TOT)
        def _():
            ebase = ci * _CHUNK
            _, _, svs, dvs, b0, b1, gsem, osem, _ = slot
            for s, d in _gathers(slot):
                pltpu.make_async_copy(s, d, gsem).wait()
            fire_idx(slot, r + 2)
            xs, ys, zs = svs
            xd, yd, zd = dvs

            def group_body(gh, inner):
                for half in range(4):
                    gi = gh * 4 + half
                    o = pl.ds(gi * 16, 16)
                    dx = xs[o] - xd[o]
                    dy = ys[o] - yd[o]
                    dz = zs[o] - zd[o]
                    s = jnp.maximum(dx * dx + dy * dy + dz * dz, 1e-30)
                    bits = plsc.bitcast(s, jnp.int32)
                    bits = 0x5F3759DF - lax.shift_right_arithmetic(bits, 1)
                    y = plsc.bitcast(bits, jnp.float32)
                    for _ in range(3):
                        y = y * (1.5 - 0.5 * s * y * y)
                    r_ = s * y
                    base = (gi >> 3) * 1024 + (gi & 7) * 16
                    for k in range(_OUT_DIM):
                        t = r_ - _CENTERS[k]
                        v = jnp.exp(t * t * _NEG_I2W2)
                        band = b0 if k < 8 else b1
                        band[pl.ds(base + (k % 8) * 128, 16)] = v
                return inner

            lax.fori_loop(0, _GROUPS // 4, group_body, 0)
            pltpu.async_copy(
                b0, out_hbm.at[pl.ds(ebase * 8, _CHUNK * 8)], osem)
            pltpu.async_copy(
                b1, out_hbm.at[pl.ds(_BAND + ebase * 8, _CHUNK * 8)], osem)

    fire_idx(slots[0], 0)
    fire_gather(slots[0], 0)
    fire_idx(slots[1], 1)

    def pair_body(p, carry):
        r0 = p * 2
        fire_gather(slots[1], r0 + 1)
        wait_out(slots[0], r0 - 2)
        consume(slots[0], r0)
        fire_gather(slots[0], r0 + 2)
        wait_out(slots[1], r0 - 1)
        consume(slots[1], r0 + 1)
        return carry

    lax.fori_loop(0, _PAIRS, pair_body, 0)
    wait_out(slots[0], _PAIRS * 2 - 2)
    wait_out(slots[1], _PAIRS * 2 - 1)


@jax.jit
def _radial(px, py, pz, src, dst):
    slot_scratch = [
        pltpu.VMEM((_CHUNK,), jnp.int32),
        pltpu.VMEM((_CHUNK,), jnp.int32),
        pltpu.VMEM((_CHUNK,), jnp.float32),
        pltpu.VMEM((_CHUNK,), jnp.float32),
        pltpu.VMEM((_CHUNK,), jnp.float32),
        pltpu.VMEM((_CHUNK,), jnp.float32),
        pltpu.VMEM((_CHUNK,), jnp.float32),
        pltpu.VMEM((_CHUNK,), jnp.float32),
        pltpu.VMEM((_CHUNK * 8,), jnp.float32),
        pltpu.VMEM((_CHUNK * 8,), jnp.float32),
    ]
    f = pl.kernel(
        _sc_body,
        out_type=jax.ShapeDtypeStruct((_N_EDGES * _OUT_DIM,), jnp.float32),
        mesh=plsc.VectorSubcoreMesh(core_axis_name="c", subcore_axis_name="s"),
        scratch_types=(
            [pltpu.VMEM_SHARED((_N_NODES,), jnp.float32)] * 3
            + slot_scratch + slot_scratch
            + [pltpu.SemaphoreType.DMA] * 6
        ),
        compiler_params=pltpu.CompilerParams(
            use_tc_tiling_on_sc=False, needs_layout_passes=False),
    )
    return f(px, py, pz, src, dst)


def kernel(pos, edge_index):
    px, py, pz = pos[:, 0], pos[:, 1], pos[:, 2]
    flat = _radial(px, py, pz, edge_index[0], edge_index[1])
    return (flat.reshape(2, _N_EDGES // 128, 8, 128)
            .transpose(1, 3, 0, 2).reshape(_N_EDGES, _OUT_DIM))

# --- scband reference (transcript-rebuilt; emitter-appended) ---
"""Pipeline reference for scband-radial-embedding-1675037245794 (READ-ONLY COPY).

The authoritative reference and input builder live on the scoring server;
editing this copy changes nothing except your own understanding.
"""

import jax, jax.numpy as jnp
import numpy as np

N_NODES = 100000
N_EDGES = 3200000
OUT_DIM = 16
CUTOFF = 5.0


def setup_inputs(seed: int = 0) -> dict:
    key = jax.random.key(seed)
    k1, k2 = jax.random.split(key)
    pos = jax.random.normal(k1, (N_NODES, 3), dtype=jnp.float32)
    # int32 used in jax for portability (values < N_NODES); torch harness uses int64
    edge_index = jax.random.randint(k2, (2, N_EDGES), 0, N_NODES, dtype=jnp.int32)
    return {"pos": pos, "edge_index": edge_index}


def reference(pos, edge_index):
    # compute_edge_vec with lframes=None: edge_vec = pos_j - pos_i
    src = edge_index[0]
    dst = edge_index[1]
    pos_j = jnp.take(pos, src, axis=0)
    pos_i = jnp.take(pos, dst, axis=0)
    edge_vec = pos_j - pos_i
    norm = jnp.linalg.norm(edge_vec, axis=-1, keepdims=True)  # [E, 1]
    # Concrete compute_embedding: Gaussian radial basis over OUT_DIM centers
    centers = jnp.linspace(0.0, CUTOFF, OUT_DIM, dtype=jnp.float32)  # [OUT_DIM]
    width = CUTOFF / (OUT_DIM - 1)
    emb = jnp.exp(-((norm - centers) ** 2) / (2.0 * width * width))  # [E, OUT_DIM]
    return emb

if __name__ == "__main__":
    import jax
    _d = setup_inputs()
    print(jax.jit(kernel)(*tuple(_d.values())))

</pallas_src>

<mosaic_0001>
#map = affine_map<(d0, d1) -> (0)>
module attributes {stable_mosaic.version = 14 : i64} {
  func.func @_sc_body(%arg0: i32, %arg1: i32, %arg2: memref<100000xf32, #tpu.memory_space<hbm>>, %arg3: memref<100000xf32, #tpu.memory_space<hbm>>, %arg4: memref<100000xf32, #tpu.memory_space<hbm>>, %arg5: memref<3200000xi32, #tpu.memory_space<hbm>>, %arg6: memref<3200000xi32, #tpu.memory_space<hbm>>, %arg7: memref<51200000xf32, #tpu.memory_space<hbm>>, %arg8: memref<100000xf32, #tpu.memory_space<vmem_shared>>, %arg9: memref<100000xf32, #tpu.memory_space<vmem_shared>>, %arg10: memref<100000xf32, #tpu.memory_space<vmem_shared>>, %arg11: memref<1280xi32, #tpu.memory_space<vmem>>, %arg12: memref<1280xi32, #tpu.memory_space<vmem>>, %arg13: memref<1280xf32, #tpu.memory_space<vmem>>, %arg14: memref<1280xf32, #tpu.memory_space<vmem>>, %arg15: memref<1280xf32, #tpu.memory_space<vmem>>, %arg16: memref<1280xf32, #tpu.memory_space<vmem>>, %arg17: memref<1280xf32, #tpu.memory_space<vmem>>, %arg18: memref<1280xf32, #tpu.memory_space<vmem>>, %arg19: memref<10240xf32, #tpu.memory_space<vmem>>, %arg20: memref<10240xf32, #tpu.memory_space<vmem>>, %arg21: memref<1280xi32, #tpu.memory_space<vmem>>, %arg22: memref<1280xi32, #tpu.memory_space<vmem>>, %arg23: memref<1280xf32, #tpu.memory_space<vmem>>, %arg24: memref<1280xf32, #tpu.memory_space<vmem>>, %arg25: memref<1280xf32, #tpu.memory_space<vmem>>, %arg26: memref<1280xf32, #tpu.memory_space<vmem>>, %arg27: memref<1280xf32, #tpu.memory_space<vmem>>, %arg28: memref<1280xf32, #tpu.memory_space<vmem>>, %arg29: memref<10240xf32, #tpu.memory_space<vmem>>, %arg30: memref<10240xf32, #tpu.memory_space<vmem>>, %arg31: memref<!tpu.dma_semaphore, #tpu.memory_space<semaphore_mem>>, %arg32: memref<!tpu.dma_semaphore, #tpu.memory_space<semaphore_mem>>, %arg33: memref<!tpu.dma_semaphore, #tpu.memory_space<semaphore_mem>>, %arg34: memref<!tpu.dma_semaphore, #tpu.memory_space<semaphore_mem>>, %arg35: memref<!tpu.dma_semaphore, #tpu.memory_space<semaphore_mem>>, %arg36: memref<!tpu.dma_semaphore, #tpu.memory_space<semaphore_mem>>) attributes {dimension_semantics = [#tpu.dimension_semantics<core_parallel>, #tpu.dimension_semantics<subcore_parallel>], iteration_bounds = array<i64: 2, 16>, scalar_prefetch = 0 : i64, scratch_operands = 29 : i64, tpu.core_type = #tpu.core_type<sc_vector_subcore>, window_params = [{transform_indices = #map}, {transform_indices = #map}, {transform_indices = #map}, {transform_indices = #map}, {transform_indices = #map}, {transform_indices = #map}]} {
    %mul3A = arith.constant 2 : i32
    %mul3A_0 = arith.muli %arg1, %mul3A : i32
    %add3A = arith.addi %mul3A_0, %arg0 : i32
    %eq3A = arith.constant 0 : i32
    %eq3A_1 = arith.cmpi eq, %arg1, %eq3A : i32
    %convert_element_type3A = arith.extui %eq3A_1 : i1 to i32
    %cond3A = arith.constant 0 : i32
    %cond3A_2 = arith.cmpi ne, %convert_element_type3A, %cond3A : i32
    scf.if %cond3A_2 {
      "tpu.region"() ({
        %run_scoped3A = tpu.sem_alloc : memref<!tpu.dma_semaphore, #tpu.memory_space<semaphore_mem>>
        tpu.enqueue_dma source(%arg2 : memref<100000xf32, #tpu.memory_space<hbm>>) target(%arg8 : memref<100000xf32, #tpu.memory_space<vmem_shared>>) target_semaphore(%run_scoped3A : memref<!tpu.dma_semaphore, #tpu.memory_space<semaphore_mem>>)
        tpu.wait_dma2 semaphore(%run_scoped3A : memref<!tpu.dma_semaphore, #tpu.memory_space<semaphore_mem>>) src(%arg2 : memref<100000xf32, #tpu.memory_space<hbm>>) dst(%arg8 : memref<100000xf32, #tpu.memory_space<vmem_shared>>)
        tpu.yield
      }) : () -> ()
      "tpu.region"() ({
        %run_scoped3A = tpu.sem_alloc : memref<!tpu.dma_semaphore, #tpu.memory_space<semaphore_mem>>
        tpu.enqueue_dma source(%arg3 : memref<100000xf32, #tpu.memory_space<hbm>>) target(%arg9 : memref<100000xf32, #tpu.memory_space<vmem_shared>>) target_semaphore(%run_scoped3A : memref<!tpu.dma_semaphore, #tpu.memory_space<semaphore_mem>>)
        tpu.wait_dma2 semaphore(%run_scoped3A : memref<!tpu.dma_semaphore, #tpu.memory_space<semaphore_mem>>) src(%arg3 : memref<100000xf32, #tpu.memory_space<hbm>>) dst(%arg9 : memref<100000xf32, #tpu.memory_space<vmem_shared>>)
        tpu.yield
      }) : () -> ()
      "tpu.region"() ({
        %run_scoped3A = tpu.sem_alloc : memref<!tpu.dma_semaphore, #tpu.memory_space<semaphore_mem>>
        tpu.enqueue_dma source(%arg4 : memref<100000xf32, #tpu.memory_space<hbm>>) target(%arg10 : memref<100000xf32, #tpu.memory_space<vmem_shared>>) target_semaphore(%run_scoped3A : memref<!tpu.dma_semaphore, #tpu.memory_space<semaphore_mem>>)
        tpu.wait_dma2 semaphore(%run_scoped3A : memref<!tpu.dma_semaphore, #tpu.memory_space<semaphore_mem>>) src(%arg4 : memref<100000xf32, #tpu.memory_space<hbm>>) dst(%arg10 : memref<100000xf32, #tpu.memory_space<vmem_shared>>)
        tpu.yield
      }) : () -> ()
    } else {
    }
    %barrier3A = arith.constant 0 : index
    tpu.barrier barrier_id(%barrier3A)
    %add3A_3 = arith.constant 0 : i32
    %add3A_4 = arith.addi %add3A_3, %add3A : i32
    %lt3A = arith.constant 2500 : i32
    %lt3A_5 = arith.cmpi slt, %add3A_4, %lt3A : i32
    %convert_element_type3A_6 = arith.extui %lt3A_5 : i1 to i32
    %cond3A_7 = arith.constant 0 : i32
    %cond3A_8 = arith.cmpi ne, %convert_element_type3A_6, %cond3A_7 : i32
    scf.if %cond3A_8 {
      %mul3A_45 = arith.constant 1280 : i32
      %mul3A_46 = arith.muli %add3A_4, %mul3A_45 : i32
      %dma_start3A = tpu.memref_slice %arg5[%mul3A_46] : memref<3200000xi32, #tpu.memory_space<hbm>> -> memref<1280xi32, #tpu.memory_space<hbm>>
      %dma_start3A_47 = tpu.memref_slice %arg5[%mul3A_46] : memref<3200000xi32, #tpu.memory_space<hbm>> -> memref<1280xi32, #tpu.memory_space<hbm>>
      tpu.enqueue_dma source(%dma_start3A_47 : memref<1280xi32, #tpu.memory_space<hbm>>) target(%arg11 : memref<1280xi32, #tpu.memory_space<vmem>>) target_semaphore(%arg35 : memref<!tpu.dma_semaphore, #tpu.memory_space<semaphore_mem>>)
      %dma_start3A_48 = tpu.memref_slice %arg6[%mul3A_46] : memref<3200000xi32, #tpu.memory_space<hbm>> -> memref<1280xi32, #tpu.memory_space<hbm>>
      %dma_start3A_49 = tpu.memref_slice %arg6[%mul3A_46] : memref<3200000xi32, #tpu.memory_space<hbm>> -> memref<1280xi32, #tpu.memory_space<hbm>>
      tpu.enqueue_dma source(%dma_start3A_49 : memref<1280xi32, #tpu.memory_space<hbm>>) target(%arg12 : memref<1280xi32, #tpu.memory_space<vmem>>) target_semaphore(%arg35 : memref<!tpu.dma_semaphore, #tpu.memory_space<semaphore_mem>>)
    } else {
    }
    %add3A_9 = arith.constant 0 : i32
    %add3A_10 = arith.addi %add3A_9, %add3A : i32
    %lt3A_11 = arith.constant 2500 : i32
    %lt3A_12 = arith.cmpi slt, %add3A_10, %lt3A_11 : i32
    %convert_element_type3A_13 = arith.extui %lt3A_12 : i1 to i32
    %cond3A_14 = arith.constant 0 : i32
    %cond3A_15 = arith.cmpi ne, %convert_element_type3A_13, %cond3A_14 : i32
    scf.if %cond3A_15 {
      %mul3A_45 = arith.constant 1280 : i32
      %mul3A_46 = arith.muli %add3A_10, %mul3A_45 : i32
      %dma_wait3A = tpu.memref_slice %arg5[%mul3A_46] : memref<3200000xi32, #tpu.memory_space<hbm>> -> memref<1280xi32, #tpu.memory_space<hbm>>
      %dma_wait3A_47 = tpu.memref_slice %arg5[%mul3A_46] : memref<3200000xi32, #tpu.memory_space<hbm>> -> memref<1280xi32, #tpu.memory_space<hbm>>
      tpu.wait_dma2 semaphore(%arg35 : memref<!tpu.dma_semaphore, #tpu.memory_space<semaphore_mem>>) src(%dma_wait3A_47 : memref<1280xi32, #tpu.memory_space<hbm>>) dst(%arg11 : memref<1280xi32, #tpu.memory_space<vmem>>)
      %dma_wait3A_48 = tpu.memref_slice %arg6[%mul3A_46] : memref<3200000xi32, #tpu.memory_space<hbm>> -> memref<1280xi32, #tpu.memory_space<hbm>>
      %dma_wait3A_49 = tpu.memref_slice %arg6[%mul3A_46] : memref<3200000xi32, #tpu.memory_space<hbm>> -> memref<1280xi32, #tpu.memory_space<hbm>>
      tpu.wait_dma2 semaphore(%arg35 : memref<!tpu.dma_semaphore, #tpu.memory_space<semaphore_mem>>) src(%dma_wait3A_49 : memref<1280xi32, #tpu.memory_space<hbm>>) dst(%arg12 : memref<1280xi32, #tpu.memory_space<vmem>>)
      %dma_start3A = arith.constant 0 : i32
      %dma_start3A_50 = tpu.memref_slice %arg8[%dma_start3A] : memref<100000xf32, #tpu.memory_space<vmem_shared>> -> memref<100000xf32, #tpu.memory_space<vmem_shared>>
      tpu.enqueue_indirect_dma source(%dma_start3A_50 : memref<100000xf32, #tpu.memory_space<vmem_shared>>) target(%arg13 : memref<1280xf32, #tpu.memory_space<vmem>>) offsets(%arg11 : memref<1280xi32, #tpu.memory_space<vmem>>) semaphore(%arg31 : memref<!tpu.dma_semaphore, #tpu.memory_space<semaphore_mem>>)
      %dma_start3A_51 = arith.constant 0 : i32
      %dma_start3A_52 = tpu.memref_slice %arg9[%dma_start3A_51] : memref<100000xf32, #tpu.memory_space<vmem_shared>> -> memref<100000xf32, #tpu.memory_space<vmem_shared>>
      tpu.enqueue_indirect_dma source(%dma_start3A_52 : memref<100000xf32, #tpu.memory_space<vmem_shared>>) target(%arg14 : memref<1280xf32, #tpu.memory_space<vmem>>) offsets(%arg11 : memref<1280xi32, #tpu.memory_space<vmem>>) semaphore(%arg31 : memref<!tpu.dma_semaphore, #tpu.memory_space<semaphore_mem>>)
      %dma_start3A_53 = arith.constant 0 : i32
      %dma_start3A_54 = tpu.memref_slice %arg10[%dma_start3A_53] : memref<100000xf32, #tpu.memory_space<vmem_shared>> -> memref<100000xf32, #tpu.memory_space<vmem_shared>>
      tpu.enqueue_indirect_dma source(%dma_start3A_54 : memref<100000xf32, #tpu.memory_space<vmem_shared>>) target(%arg15 : memref<1280xf32, #tpu.memory_space<vmem>>) offsets(%arg11 : memref<1280xi32, #tpu.memory_space<vmem>>) semaphore(%arg31 : memref<!tpu.dma_semaphore, #tpu.memory_space<semaphore_mem>>)
      %dma_start3A_55 = arith.constant 0 : i32
      %dma_start3A_56 = tpu.memref_slice %arg8[%dma_start3A_55] : memref<100000xf32, #tpu.memory_space<vmem_shared>> -> memref<100000xf32, #tpu.memory_space<vmem_shared>>
      tpu.enqueue_indirect_dma source(%dma_start3A_56 : memref<100000xf32, #tpu.memory_space<vmem_shared>>) target(%arg16 : memref<1280xf32, #tpu.memory_space<vmem>>) offsets(%arg12 : memref<1280xi32, #tpu.memory_space<vmem>>) semaphore(%arg31 : memref<!tpu.dma_semaphore, #tpu.memory_space<semaphore_mem>>)
      %dma_start3A_57 = arith.constant 0 : i32
      %dma_start3A_58 = tpu.memref_slice %arg9[%dma_start3A_57] : memref<100000xf32, #tpu.memory_space<vmem_shared>> -> memref<100000xf32, #tpu.memory_space<vmem_shared>>
      tpu.enqueue_indirect_dma source(%dma_start3A_58 : memref<100000xf32, #tpu.memory_space<vmem_shared>>) target(%arg17 : memref<1280xf32, #tpu.memory_space<vmem>>) offsets(%arg12 : memref<1280xi32, #tpu.memory_space<vmem>>) semaphore(%arg31 : memref<!tpu.dma_semaphore, #tpu.memory_space<semaphore_mem>>)
      %dma_start3A_59 = arith.constant 0 : i32
      %dma_start3A_60 = tpu.memref_slice %arg10[%dma_start3A_59] : memref<100000xf32, #tpu.memory_space<vmem_shared>> -> memref<100000xf32, #tpu.memory_space<vmem_shared>>
      tpu.enqueue_indirect_dma source(%dma_start3A_60 : memref<100000xf32, #tpu.memory_space<vmem_shared>>) target(%arg18 : memref<1280xf32, #tpu.memory_space<vmem>>) offsets(%arg12 : memref<1280xi32, #tpu.memory_space<vmem>>) semaphore(%arg31 : memref<!tpu.dma_semaphore, #tpu.memory_space<semaphore_mem>>)
    } else {
    }
    %add3A_16 = arith.constant 32 : i32
    %add3A_17 = arith.addi %add3A_16, %add3A : i32
    %lt3A_18 = arith.constant 2500 : i32
    %lt3A_19 = arith.cmpi slt, %add3A_17, %lt3A_18 : i32
    %convert_element_type3A_20 = arith.extui %lt3A_19 : i1 to i32
    %cond3A_21 = arith.constant 0 : i32
    %cond3A_22 = arith.cmpi ne, %convert_element_type3A_20, %cond3A_21 : i32
    scf.if %cond3A_22 {
      %mul3A_45 = arith.constant 1280 : i32
      %mul3A_46 = arith.muli %add3A_17, %mul3A_45 : i32
      %dma_start3A = tpu.memref_slice %arg5[%mul3A_46] : memref<3200000xi32, #tpu.memory_space<hbm>> -> memref<1280xi32, #tpu.memory_space<hbm>>
      %dma_start3A_47 = tpu.memref_slice %arg5[%mul3A_46] : memref<3200000xi32, #tpu.memory_space<hbm>> -> memref<1280xi32, #tpu.memory_space<hbm>>
      tpu.enqueue_dma source(%dma_start3A_47 : memref<1280xi32, #tpu.memory_space<hbm>>) target(%arg21 : memref<1280xi32, #tpu.memory_space<vmem>>) target_semaphore(%arg36 : memref<!tpu.dma_semaphore, #tpu.memory_space<semaphore_mem>>)
      %dma_start3A_48 = tpu.memref_slice %arg6[%mul3A_46] : memref<3200000xi32, #tpu.memory_space<hbm>> -> memref<1280xi32, #tpu.memory_space<hbm>>
      %dma_start3A_49 = tpu.memref_slice %arg6[%mul3A_46] : memref<3200000xi32, #tpu.memory_space<hbm>> -> memref<1280xi32, #tpu.memory_space<hbm>>
      tpu.enqueue_dma source(%dma_start3A_49 : memref<1280xi32, #tpu.memory_space<hbm>>) target(%arg22 : memref<1280xi32, #tpu.memory_space<vmem>>) target_semaphore(%arg36 : memref<!tpu.dma_semaphore, #tpu.memory_space<semaphore_mem>>)
    } else {
    }
    %scan3A = arith.constant 0 : i32
    %scan3A_23 = arith.constant 0 : i32
    %scan3A_24 = arith.constant 40 : i32
    %scan3A_25 = arith.addi %scan3A_23, %scan3A_24 : i32
    %scan3A_26 = arith.constant 1 : i32
    scf.for %scan3A_45 = %scan3A_23 to %scan3A_25 step %scan3A_26  : i32 {
      %mul3A_46 = arith.constant 2 : i32
      %mul3A_47 = arith.muli %scan3A_45, %mul3A_46 : i32
      %add3A_48 = arith.constant 1 : i32
      %add3A_49 = arith.addi %mul3A_47, %add3A_48 : i32
      %mul3A_50 = arith.constant 32 : i32
      %mul3A_51 = arith.muli %add3A_49, %mul3A_50 : i32
      %add3A_52 = arith.addi %mul3A_51, %add3A : i32
      %lt3A_53 = arith.constant 2500 : i32
      %lt3A_54 = arith.cmpi slt, %add3A_52, %lt3A_53 : i32
      %convert_element_type3A_55 = arith.extui %lt3A_54 : i1 to i32
      %cond3A_56 = arith.constant 0 : i32
      %cond3A_57 = arith.cmpi ne, %convert_element_type3A_55, %cond3A_56 : i32
      scf.if %cond3A_57 {
        %mul3A_110 = arith.constant 1280 : i32
        %mul3A_111 = arith.muli %add3A_52, %mul3A_110 : i32
        %dma_wait3A = tpu.memref_slice %arg5[%mul3A_111] : memref<3200000xi32, #tpu.memory_space<hbm>> -> memref<1280xi32, #tpu.memory_space<hbm>>
        %dma_wait3A_112 = tpu.memref_slice %arg5[%mul3A_111] : memref<3200000xi32, #tpu.memory_space<hbm>> -> memref<1280xi32, #tpu.memory_space<hbm>>
        tpu.wait_dma2 semaphore(%arg36 : memref<!tpu.dma_semaphore, #tpu.memory_space<semaphore_mem>>) src(%dma_wait3A_112 : memref<1280xi32, #tpu.memory_space<hbm>>) dst(%arg21 : memref<1280xi32, #tpu.memory_space<vmem>>)
        %dma_wait3A_113 = tpu.memref_slice %arg6[%mul3A_111] : memref<3200000xi32, #tpu.memory_space<hbm>> -> memref<1280xi32, #tpu.memory_space<hbm>>
        %dma_wait3A_114 = tpu.memref_slice %arg6[%mul3A_111] : memref<3200000xi32, #tpu.memory_space<hbm>> -> memref<1280xi32, #tpu.memory_space<hbm>>
        tpu.wait_dma2 semaphore(%arg36 : memref<!tpu.dma_semaphore, #tpu.memory_space<semaphore_mem>>) src(%dma_wait3A_114 : memref<1280xi32, #tpu.memory_space<hbm>>) dst(%arg22 : memref<1280xi32, #tpu.memory_space<vmem>>)
        %dma_start3A = arith.constant 0 : i32
        %dma_start3A_115 = tpu.memref_slice %arg8[%dma_start3A] : memref<100000xf32, #tpu.memory_space<vmem_shared>> -> memref<100000xf32, #tpu.memory_space<vmem_shared>>
        tpu.enqueue_indirect_dma source(%dma_start3A_115 : memref<100000xf32, #tpu.memory_space<vmem_shared>>) target(%arg23 : memref<1280xf32, #tpu.memory_space<vmem>>) offsets(%arg21 : memref<1280xi32, #tpu.memory_space<vmem>>) semaphore(%arg32 : memref<!tpu.dma_semaphore, #tpu.memory_space<semaphore_mem>>)
        %dma_start3A_116 = arith.constant 0 : i32
        %dma_start3A_117 = tpu.memref_slice %arg9[%dma_start3A_116] : memref<100000xf32, #tpu.memory_space<vmem_shared>> -> memref<100000xf32, #tpu.memory_space<vmem_shared>>
        tpu.enqueue_indirect_dma source(%dma_start3A_117 : memref<100000xf32, #tpu.memory_space<vmem_shared>>) target(%arg24 : memref<1280xf32, #tpu.memory_space<vmem>>) offsets(%arg21 : memref<1280xi32, #tpu.memory_space<vmem>>) semaphore(%arg32 : memref<!tpu.dma_semaphore, #tpu.memory_space<semaphore_mem>>)
        %dma_start3A_118 = arith.constant 0 : i32
        %dma_start3A_119 = tpu.memref_slice %arg10[%dma_start3A_118] : memref<100000xf32, #tpu.memory_space<vmem_shared>> -> memref<100000xf32, #tpu.memory_space<vmem_shared>>
        tpu.enqueue_indirect_dma source(%dma_start3A_119 : memref<100000xf32, #tpu.memory_space<vmem_shared>>) target(%arg25 : memref<1280xf32, #tpu.memory_space<vmem>>) offsets(%arg21 : memref<1280xi32, #tpu.memory_space<vmem>>) semaphore(%arg32 : memref<!tpu.dma_semaphore, #tpu.memory_space<semaphore_mem>>)
        %dma_start3A_120 = arith.constant 0 : i32
        %dma_start3A_121 = tpu.memref_slice %arg8[%dma_start3A_120] : memref<100000xf32, #tpu.memory_space<vmem_shared>> -> memref<100000xf32, #tpu.memory_space<vmem_shared>>
        tpu.enqueue_indirect_dma source(%dma_start3A_121 : memref<100000xf32, #tpu.memory_space<vmem_shared>>) target(%arg26 : memref<1280xf32, #tpu.memory_space<vmem>>) offsets(%arg22 : memref<1280xi32, #tpu.memory_space<vmem>>) semaphore(%arg32 : memref<!tpu.dma_semaphore, #tpu.memory_space<semaphore_mem>>)
        %dma_start3A_122 = arith.constant 0 : i32
        %dma_start3A_123 = tpu.memref_slice %arg9[%dma_start3A_122] : memref<100000xf32, #tpu.memory_space<vmem_shared>> -> memref<100000xf32, #tpu.memory_space<vmem_shared>>
        tpu.enqueue_indirect_dma source(%dma_start3A_123 : memref<100000xf32, #tpu.memory_space<vmem_shared>>) target(%arg27 : memref<1280xf32, #tpu.memory_space<vmem>>) offsets(%arg22 : memref<1280xi32, #tpu.memory_space<vmem>>) semaphore(%arg32 : memref<!tpu.dma_semaphore, #tpu.memory_space<semaphore_mem>>)
        %dma_start3A_124 = arith.constant 0 : i32
        %dma_start3A_125 = tpu.memref_slice %arg10[%dma_start3A_124] : memref<100000xf32, #tpu.memory_space<vmem_shared>> -> memref<100000xf32, #tpu.memory_space<vmem_shared>>
        tpu.enqueue_indirect_dma source(%dma_start3A_125 : memref<100000xf32, #tpu.memory_space<vmem_shared>>) target(%arg28 : memref<1280xf32, #tpu.memory_space<vmem>>) offsets(%arg22 : memref<1280xi32, #tpu.memory_space<vmem>>) semaphore(%arg32 : memref<!tpu.dma_semaphore, #tpu.memory_space<semaphore_mem>>)
      } else {
      }
      %sub3A = arith.constant 2 : i32
      %sub3A_58 = arith.subi %mul3A_47, %sub3A : i32
      %mul3A_59 = arith.constant 32 : i32
      %mul3A_60 = arith.muli %sub3A_58, %mul3A_59 : i32
      %add3A_61 = arith.addi %mul3A_60, %add3A : i32
      %ge3A = arith.constant 0 : i32
      %ge3A_62 = arith.cmpi sge, %sub3A_58, %ge3A : i32
      %lt3A_63 = arith.constant 2500 : i32
      %lt3A_64 = arith.cmpi slt, %add3A_61, %lt3A_63 : i32
      %and3A_65 = arith.andi %ge3A_62, %lt3A_64 : i1
      %convert_element_type3A_66 = arith.extui %and3A_65 : i1 to i32
      %cond3A_67 = arith.constant 0 : i32
      %cond3A_68 = arith.cmpi ne, %convert_element_type3A_66, %cond3A_67 : i32
      scf.if %cond3A_68 {
        %mul3A_110 = arith.constant 1280 : i32
        %mul3A_111 = arith.muli %add3A_61, %mul3A_110 : i32
        %mul3A_112 = arith.constant 8 : i32
        %mul3A_113 = arith.muli %mul3A_111, %mul3A_112 : i32
        %dma_wait3A = tpu.memref_slice %arg7[%mul3A_113] : memref<51200000xf32, #tpu.memory_space<hbm>> -> memref<10240xf32, #tpu.memory_space<hbm>>
        %dma_wait3A_114 = tpu.memref_slice %arg7[%mul3A_113] : memref<51200000xf32, #tpu.memory_space<hbm>> -> memref<10240xf32, #tpu.memory_space<hbm>>
        tpu.wait_dma2 semaphore(%arg33 : memref<!tpu.dma_semaphore, #tpu.memory_space<semaphore_mem>>) src(%arg19 : memref<10240xf32, #tpu.memory_space<vmem>>) dst(%dma_wait3A_114 : memref<10240xf32, #tpu.memory_space<hbm>>)
        %mul3A_115 = arith.constant 8 : i32
        %mul3A_116 = arith.muli %mul3A_111, %mul3A_115 : i32
        %add3A_117 = arith.constant 25600000 : i32
        %add3A_118 = arith.addi %add3A_117, %mul3A_116 : i32
        %dma_wait3A_119 = tpu.memref_slice %arg7[%add3A_118] : memref<51200000xf32, #tpu.memory_space<hbm>> -> memref<10240xf32, #tpu.memory_space<hbm>>
        %dma_wait3A_120 = tpu.memref_slice %arg7[%add3A_118] : memref<51200000xf32, #tpu.memory_space<hbm>> -> memref<10240xf32, #tpu.memory_space<hbm>>
        tpu.wait_dma2 semaphore(%arg33 : memref<!tpu.dma_semaphore, #tpu.memory_space<semaphore_mem>>) src(%arg20 : memref<10240xf32, #tpu.memory_space<vmem>>) dst(%dma_wait3A_120 : memref<10240xf32, #tpu.memory_space<hbm>>)
      } else {
      }
      %mul3A_69 = arith.constant 32 : i32
      %mul3A_70 = arith.muli %mul3A_47, %mul3A_69 : i32
      %add3A_71 = arith.addi %mul3A_70, %add3A : i32
      %lt3A_72 = arith.constant 2500 : i32
      %lt3A_73 = arith.cmpi slt, %add3A_71, %lt3A_72 : i32
      %convert_element_type3A_74 = arith.extui %lt3A_73 : i1 to i32
      %cond3A_75 = arith.constant 0 : i32
      %cond3A_76 = arith.cmpi ne, %convert_element_type3A_74, %cond3A_75 : i32
      scf.if %cond3A_76 {
        %mul3A_110 = arith.constant 1280 : i32
        %mul3A_111 = arith.muli %add3A_71, %mul3A_110 : i32
        %dma_wait3A = arith.constant 0 : i32
        %dma_wait3A_112 = tpu.memref_slice %arg8[%dma_wait3A] : memref<100000xf32, #tpu.memory_space<vmem_shared>> -> memref<100000xf32, #tpu.memory_space<vmem_shared>>
        tpu.wait_indirect_dma semaphore(%arg31 : memref<!tpu.dma_semaphore, #tpu.memory_space<semaphore_mem>>) src(%dma_wait3A_112 : memref<100000xf32, #tpu.memory_space<vmem_shared>>) dst(%arg13 : memref<1280xf32, #tpu.memory_space<vmem>>)
        %dma_wait3A_113 = arith.constant 0 : i32
        %dma_wait3A_114 = tpu.memref_slice %arg9[%dma_wait3A_113] : memref<100000xf32, #tpu.memory_space<vmem_shared>> -> memref<100000xf32, #tpu.memory_space<vmem_shared>>
        tpu.wait_indirect_dma semaphore(%arg31 : memref<!tpu.dma_semaphore, #tpu.memory_space<semaphore_mem>>) src(%dma_wait3A_114 : memref<100000xf32, #tpu.memory_space<vmem_shared>>) dst(%arg14 : memref<1280xf32, #tpu.memory_space<vmem>>)
        %dma_wait3A_115 = arith.constant 0 : i32
        %dma_wait3A_116 = tpu.memref_slice %arg10[%dma_wait3A_115] : memref<100000xf32, #tpu.memory_space<vmem_shared>> -> memref<100000xf32, #tpu.memory_space<vmem_shared>>
        tpu.wait_indirect_dma semaphore(%arg31 : memref<!tpu.dma_semaphore, #tpu.memory_space<semaphore_mem>>) src(%dma_wait3A_116 : memref<100000xf32, #tpu.memory_space<vmem_shared>>) dst(%arg15 : memref<1280xf32, #tpu.memory_space<vmem>>)
        %dma_wait3A_117 = arith.constant 0 : i32
        %dma_wait3A_118 = tpu.memref_slice %arg8[%dma_wait3A_117] : memref<100000xf32, #tpu.memory_space<vmem_shared>> -> memref<100000xf32, #tpu.memory_space<vmem_shared>>
        tpu.wait_indirect_dma semaphore(%arg31 : memref<!tpu.dma_semaphore, #tpu.memory_space<semaphore_mem>>) src(%dma_wait3A_118 : memref<100000xf32, #tpu.memory_space<vmem_shared>>) dst(%arg16 : memref<1280xf32, #tpu.memory_space<vmem>>)
        %dma_wait3A_119 = arith.constant 0 : i32
        %dma_wait3A_120 = tpu.memref_slice %arg9[%dma_wait3A_119] : memref<100000xf32, #tpu.memory_space<vmem_shared>> -> memref<100000xf32, #tpu.memory_space<vmem_shared>>
        tpu.wait_indirect_dma semaphore(%arg31 : memref<!tpu.dma_semaphore, #tpu.memory_space<semaphore_mem>>) src(%dma_wait3A_120 : memref<100000xf32, #tpu.memory_space<vmem_shared>>) dst(%arg17 : memref<1280xf32, #tpu.memory_space<vmem>>)
        %dma_wait3A_121 = arith.constant 0 : i32
        %dma_wait3A_122 = tpu.memref_slice %arg10[%dma_wait3A_121] : memref<100000xf32, #tpu.memory_space<vmem_shared>> -> memref<100000xf32, #tpu.memory_space<vmem_shared>>
        tpu.wait_indirect_dma semaphore(%arg31 : memref<!tpu.dma_semaphore, #tpu.memory_space<semaphore_mem>>) src(%dma_wait3A_122 : memref<100000xf32, #tpu.memory_space<vmem_shared>>) dst(%arg18 : memref<1280xf32, #tpu.memory_space<vmem>>)
        %add3A_123 = arith.constant 2 : i32
        %add3A_124 = arith.addi %mul3A_47, %add3A_123 : i32
        %mul3A_125 = arith.constant 32 : i32
        %mul3A_126 = arith.muli %add3A_124, %mul3A_125 : i32
        %add3A_127 = arith.addi %mul3A_126, %add3A : i32
        %lt3A_128 = arith.constant 2500 : i32
        %lt3A_129 = arith.cmpi slt, %add3A_127, %lt3A_128 : i32
        %convert_element_type3A_130 = arith.extui %lt3A_129 : i1 to i32
        %cond3A_131 = arith.constant 0 : i32
        %cond3A_132 = arith.cmpi ne, %convert_element_type3A_130, %cond3A_131 : i32
        scf.if %cond3A_132 {
          %mul3A_148 = arith.constant 1280 : i32
          %mul3A_149 = arith.muli %add3A_127, %mul3A_148 : i32
          %dma_start3A_150 = tpu.memref_slice %arg5[%mul3A_149] : memref<3200000xi32, #tpu.memory_space<hbm>> -> memref<1280xi32, #tpu.memory_space<hbm>>
          %dma_start3A_151 = tpu.memref_slice %arg5[%mul3A_149] : memref<3200000xi32, #tpu.memory_space<hbm>> -> memref<1280xi32, #tpu.memory_space<hbm>>
          tpu.enqueue_dma source(%dma_start3A_151 : memref<1280xi32, #tpu.memory_space<hbm>>) target(%arg11 : memref<1280xi32, #tpu.memory_space<vmem>>) target_semaphore(%arg35 : memref<!tpu.dma_semaphore, #tpu.memory_space<semaphore_mem>>)
          %dma_start3A_152 = tpu.memref_slice %arg6[%mul3A_149] : memref<3200000xi32, #tpu.memory_space<hbm>> -> memref<1280xi32, #tpu.memory_space<hbm>>
          %dma_start3A_153 = tpu.memref_slice %arg6[%mul3A_149] : memref<3200000xi32, #tpu.memory_space<hbm>> -> memref<1280xi32, #tpu.memory_space<hbm>>
          tpu.enqueue_dma source(%dma_start3A_153 : memref<1280xi32, #tpu.memory_space<hbm>>) target(%arg12 : memref<1280xi32, #tpu.memory_space<vmem>>) target_semaphore(%arg35 : memref<!tpu.dma_semaphore, #tpu.memory_space<semaphore_mem>>)
        } else {
        }
        %scan3A_133 = arith.constant 0 : i32
        %scan3A_134 = arith.constant 0 : i32
        %scan3A_135 = arith.constant 20 : i32
        %scan3A_136 = arith.addi %scan3A_134, %scan3A_135 : i32
        %scan3A_137 = arith.constant 1 : i32
        scf.for %scan3A_148 = %scan3A_134 to %scan3A_136 step %scan3A_137  : i32 {
          %mul3A_149 = arith.constant 4 : i32
          %mul3A_150 = arith.muli %scan3A_148, %mul3A_149 : i32
          %add3A_151 = arith.constant 0 : i32
          %add3A_152 = arith.addi %mul3A_150, %add3A_151 : i32
          %mul3A_153 = arith.constant 16 : i32
          %mul3A_154 = arith.muli %add3A_152, %mul3A_153 : i32
          %get3A = arith.index_cast %mul3A_154 : i32 to index
          %get3A_155 = tpu.vector_load %arg13[%get3A] {strides = array<i32>} : memref<1280xf32, #tpu.memory_space<vmem>>, vector<16xf32>,
          %get3A_156 = arith.index_cast %mul3A_154 : i32 to index
          %get3A_157 = tpu.vector_load %arg16[%get3A_156] {strides = array<i32>} : memref<1280xf32, #tpu.memory_space<vmem>>, vector<16xf32>,
          %sub3A_158 = arith.subf %get3A_155, %get3A_157 : vector<16xf32>
          %get3A_159 = arith.index_cast %mul3A_154 : i32 to index
          %get3A_160 = tpu.vector_load %arg14[%get3A_159] {strides = array<i32>} : memref<1280xf32, #tpu.memory_space<vmem>>, vector<16xf32>,
          %get3A_161 = arith.index_cast %mul3A_154 : i32 to index
          %get3A_162 = tpu.vector_load %arg17[%get3A_161] {strides = array<i32>} : memref<1280xf32, #tpu.memory_space<vmem>>, vector<16xf32>,
          %sub3A_163 = arith.subf %get3A_160, %get3A_162 : vector<16xf32>
          %get3A_164 = arith.index_cast %mul3A_154 : i32 to index
          %get3A_165 = tpu.vector_load %arg15[%get3A_164] {strides = array<i32>} : memref<1280xf32, #tpu.memory_space<vmem>>, vector<16xf32>,
          %get3A_166 = arith.index_cast %mul3A_154 : i32 to index
          %get3A_167 = tpu.vector_load %arg18[%get3A_166] {strides = array<i32>} : memref<1280xf32, #tpu.memory_space<vmem>>, vector<16xf32>,
          %sub3A_168 = arith.subf %get3A_165, %get3A_167 : vector<16xf32>
          %mul3A_169 = arith.mulf %sub3A_158, %sub3A_158 : vector<16xf32>
          %mul3A_170 = arith.mulf %sub3A_163, %sub3A_163 : vector<16xf32>
          %add3A_171 = arith.addf %mul3A_169, %mul3A_170 : vector<16xf32>
          %mul3A_172 = arith.mulf %sub3A_168, %sub3A_168 : vector<16xf32>
          %add3A_173 = arith.addf %add3A_171, %mul3A_172 : vector<16xf32>
          %max3A = arith.constant 1.000000e-30 : f32
          %max3A_174 = vector.broadcast %max3A : f32 to vector<16xf32>
          %max3A_175 = arith.maximumf %add3A_173, %max3A_174 : vector<16xf32>
          %bitcast3A = vector.bitcast %max3A_175 : vector<16xf32> to vector<16xi32>
          %shift_right_arithmetic3A = arith.constant 1 : i32
          %shift_right_arithmetic3A_176 = vector.broadcast %shift_right_arithmetic3A : i32 to vector<16xi32>
          %shift_right_arithmetic3A_177 = arith.shrsi %bitcast3A, %shift_right_arithmetic3A_176 : vector<16xi32>
          %sub3A_178 = arith.constant 1597463007 : i32
          %sub3A_179 = vector.broadcast %sub3A_178 : i32 to vector<16xi32>
          %sub3A_180 = arith.subi %sub3A_179, %shift_right_arithmetic3A_177 : vector<16xi32>
          %bitcast3A_181 = vector.bitcast %sub3A_180 : vector<16xi32> to vector<16xf32>
          %mul3A_182 = arith.constant 5.000000e-01 : f32
          %mul3A_183 = vector.broadcast %mul3A_182 : f32 to vector<16xf32>
          %mul3A_184 = arith.mulf %mul3A_183, %max3A_175 : vector<16xf32>
          %mul3A_185 = arith.mulf %mul3A_184, %bitcast3A_181 : vector<16xf32>
          %mul3A_186 = arith.mulf %mul3A_185, %bitcast3A_181 : vector<16xf32>
          %sub3A_187 = arith.constant 1.500000e+00 : f32
          %sub3A_188 = vector.broadcast %sub3A_187 : f32 to vector<16xf32>
          %sub3A_189 = arith.subf %sub3A_188, %mul3A_186 : vector<16xf32>
          %mul3A_190 = arith.mulf %bitcast3A_181, %sub3A_189 : vector<16xf32>
          %mul3A_191 = arith.constant 5.000000e-01 : f32
          %mul3A_192 = vector.broadcast %mul3A_191 : f32 to vector<16xf32>
          %mul3A_193 = arith.mulf %mul3A_192, %max3A_175 : vector<16xf32>
          %mul3A_194 = arith.mulf %mul3A_193, %mul3A_190 : vector<16xf32>
          %mul3A_195 = arith.mulf %mul3A_194, %mul3A_190 : vector<16xf32>
          %sub3A_196 = arith.constant 1.500000e+00 : f32
          %sub3A_197 = vector.broadcast %sub3A_196 : f32 to vector<16xf32>
          %sub3A_198 = arith.subf %sub3A_197, %mul3A_195 : vector<16xf32>
          %mul3A_199 = arith.mulf %mul3A_190, %sub3A_198 : vector<16xf32>
          %mul3A_200 = arith.constant 5.000000e-01 : f32
          %mul3A_201 = vector.broadcast %mul3A_200 : f32 to vector<16xf32>
          %mul3A_202 = arith.mulf %mul3A_201, %max3A_175 : vector<16xf32>
          %mul3A_203 = arith.mulf %mul3A_202, %mul3A_199 : vector<16xf32>
          %mul3A_204 = arith.mulf %mul3A_203, %mul3A_199 : vector<16xf32>
          %sub3A_205 = arith.constant 1.500000e+00 : f32
          %sub3A_206 = vector.broadcast %sub3A_205 : f32 to vector<16xf32>
          %sub3A_207 = arith.subf %sub3A_206, %mul3A_204 : vector<16xf32>
          %mul3A_208 = arith.mulf %mul3A_199, %sub3A_207 : vector<16xf32>
          %mul3A_209 = arith.mulf %max3A_175, %mul3A_208 : vector<16xf32>
          %shift_right_arithmetic3A_210 = arith.constant 3 : i32
          %shift_right_arithmetic3A_211 = arith.shrsi %add3A_152, %shift_right_arithmetic3A_210 : i32
          %mul3A_212 = arith.constant 1024 : i32
          %mul3A_213 = arith.muli %shift_right_arithmetic3A_211, %mul3A_212 : i32
          %and3A_214 = arith.constant 7 : i32
          %and3A_215 = arith.andi %add3A_152, %and3A_214 : i32
          %mul3A_216 = arith.constant 16 : i32
          %mul3A_217 = arith.muli %and3A_215, %mul3A_216 : i32
          %add3A_218 = arith.addi %mul3A_213, %mul3A_217 : i32
          %sub3A_219 = arith.constant 0.000000e+00 : f32
          %sub3A_220 = vector.broadcast %sub3A_219 : f32 to vector<16xf32>
          %sub3A_221 = arith.subf %mul3A_209, %sub3A_220 : vector<16xf32>
          %mul3A_222 = arith.mulf %sub3A_221, %sub3A_221 : vector<16xf32>
          %mul3A_223 = arith.constant -4.500000e+00 : f32
          %mul3A_224 = vector.broadcast %mul3A_223 : f32 to vector<16xf32>
          %mul3A_225 = arith.mulf %mul3A_222, %mul3A_224 : vector<16xf32>
          %exp3A = math.exp %mul3A_225 : vector<16xf32>
          %add3A_226 = arith.constant 0 : i32
          %add3A_227 = arith.addi %add3A_218, %add3A_226 : i32
          %swap3A = arith.index_cast %add3A_227 : i32 to index
          %swap3A_228 = tpu.vector_load %arg19[%swap3A] {strides = array<i32>} : memref<10240xf32, #tpu.memory_space<vmem>>, vector<16xf32>,
          tpu.vector_store %arg19[%swap3A], %exp3A {strides = array<i32>} : memref<10240xf32, #tpu.memory_space<vmem>>, vector<16xf32>,
          %sub3A_229 = arith.constant 0.333333343 : f32
          %sub3A_230 = vector.broadcast %sub3A_229 : f32 to vector<16xf32>
          %sub3A_231 = arith.subf %mul3A_209, %sub3A_230 : vector<16xf32>
          %mul3A_232 = arith.mulf %sub3A_231, %sub3A_231 : vector<16xf32>
          %mul3A_233 = arith.constant -4.500000e+00 : f32
          %mul3A_234 = vector.broadcast %mul3A_233 : f32 to vector<16xf32>
          %mul3A_235 = arith.mulf %mul3A_232, %mul3A_234 : vector<16xf32>
          %exp3A_236 = math.exp %mul3A_235 : vector<16xf32>
          %add3A_237 = arith.constant 128 : i32
          %add3A_238 = arith.addi %add3A_218, %add3A_237 : i32
          %swap3A_239 = arith.index_cast %add3A_238 : i32 to index
          %swap3A_240 = tpu.vector_load %arg19[%swap3A_239] {strides = array<i32>} : memref<10240xf32, #tpu.memory_space<vmem>>, vector<16xf32>,
          tpu.vector_store %arg19[%swap3A_239], %exp3A_236 {strides = array<i32>} : memref<10240xf32, #tpu.memory_space<vmem>>, vector<16xf32>,
          %sub3A_241 = arith.constant 0.666666686 : f32
          %sub3A_242 = vector.broadcast %sub3A_241 : f32 to vector<16xf32>
          %sub3A_243 = arith.subf %mul3A_209, %sub3A_242 : vector<16xf32>
          %mul3A_244 = arith.mulf %sub3A_243, %sub3A_243 : vector<16xf32>
          %mul3A_245 = arith.constant -4.500000e+00 : f32
          %mul3A_246 = vector.broadcast %mul3A_245 : f32 to vector<16xf32>
          %mul3A_247 = arith.mulf %mul3A_244, %mul3A_246 : vector<16xf32>
          %exp3A_248 = math.exp %mul3A_247 : vector<16xf32>
          %add3A_249 = arith.constant 256 : i32
          %add3A_250 = arith.addi %add3A_218, %add3A_249 : i32
          %swap3A_251 = arith.index_cast %add3A_250 : i32 to index
          %swap3A_252 = tpu.vector_load %arg19[%swap3A_251] {strides = array<i32>} : memref<10240xf32, #tpu.memory_space<vmem>>, vector<16xf32>,
          tpu.vector_store %arg19[%swap3A_251], %exp3A_248 {strides = array<i32>} : memref<10240xf32, #tpu.memory_space<vmem>>, vector<16xf32>,
          %sub3A_253 = arith.constant 1.000000e+00 : f32
          %sub3A_254 = vector.broadcast %sub3A_253 : f32 to vector<16xf32>
          %sub3A_255 = arith.subf %mul3A_209, %sub3A_254 : vector<16xf32>
          %mul3A_256 = arith.mulf %sub3A_255, %sub3A_255 : vector<16xf32>
          %mul3A_257 = arith.constant -4.500000e+00 : f32
          %mul3A_258 = vector.broadcast %mul3A_257 : f32 to vector<16xf32>
          %mul3A_259 = arith.mulf %mul3A_256, %mul3A_258 : vector<16xf32>
          %exp3A_260 = math.exp %mul3A_259 : vector<16xf32>
          %add3A_261 = arith.constant 384 : i32
          %add3A_262 = arith.addi %add3A_218, %add3A_261 : i32
          %swap3A_263 = arith.index_cast %add3A_262 : i32 to index
          %swap3A_264 = tpu.vector_load %arg19[%swap3A_263] {strides = array<i32>} : memref<10240xf32, #tpu.memory_space<vmem>>, vector<16xf32>,
          tpu.vector_store %arg19[%swap3A_263], %exp3A_260 {strides = array<i32>} : memref<10240xf32, #tpu.memory_space<vmem>>, vector<16xf32>,
          %sub3A_265 = arith.constant 1.33333337 : f32
          %sub3A_266 = vector.broadcast %sub3A_265 : f32 to vector<16xf32>
          %sub3A_267 = arith.subf %mul3A_209, %sub3A_266 : vector<16xf32>
          %mul3A_268 = arith.mulf %sub3A_267, %sub3A_267 : vector<16xf32>
          %mul3A_269 = arith.constant -4.500000e+00 : f32
          %mul3A_270 = vector.broadcast %mul3A_269 : f32 to vector<16xf32>
          %mul3A_271 = arith.mulf %mul3A_268, %mul3A_270 : vector<16xf32>
          %exp3A_272 = math.exp %mul3A_271 : vector<16xf32>
          %add3A_273 = arith.constant 512 : i32
          %add3A_274 = arith.addi %add3A_218, %add3A_273 : i32
          %swap3A_275 = arith.index_cast %add3A_274 : i32 to index
          %swap3A_276 = tpu.vector_load %arg19[%swap3A_275] {strides = array<i32>} : memref<10240xf32, #tpu.memory_space<vmem>>, vector<16xf32>,
          tpu.vector_store %arg19[%swap3A_275], %exp3A_272 {strides = array<i32>} : memref<10240xf32, #tpu.memory_space<vmem>>, vector<16xf32>,
          %sub3A_277 = arith.constant 1.66666663 : f32
          %sub3A_278 = vector.broadcast %sub3A_277 : f32 to vector<16xf32>
          %sub3A_279 = arith.subf %mul3A_209, %sub3A_278 : vector<16xf32>
          %mul3A_280 = arith.mulf %sub3A_279, %sub3A_279 : vector<16xf32>
          %mul3A_281 = arith.constant -4.500000e+00 : f32
          %mul3A_282 = vector.broadcast %mul3A_281 : f32 to vector<16xf32>
          %mul3A_283 = arith.mulf %mul3A_280, %mul3A_282 : vector<16xf32>
          %exp3A_284 = math.exp %mul3A_283 : vector<16xf32>
          %add3A_285 = arith.constant 640 : i32
          %add3A_286 = arith.addi %add3A_218, %add3A_285 : i32
          %swap3A_287 = arith.index_cast %add3A_286 : i32 to index
          %swap3A_288 = tpu.vector_load %arg19[%swap3A_287] {strides = array<i32>} : memref<10240xf32, #tpu.memory_space<vmem>>, vector<16xf32>,
          tpu.vector_store %arg19[%swap3A_287], %exp3A_284 {strides = array<i32>} : memref<10240xf32, #tpu.memory_space<vmem>>, vector<16xf32>,
          %sub3A_289 = arith.constant 2.000000e+00 : f32
          %sub3A_290 = vector.broadcast %sub3A_289 : f32 to vector<16xf32>
          %sub3A_291 = arith.subf %mul3A_209, %sub3A_290 : vector<16xf32>
          %mul3A_292 = arith.mulf %sub3A_291, %sub3A_291 : vector<16xf32>
          %mul3A_293 = arith.constant -4.500000e+00 : f32
          %mul3A_294 = vector.broadcast %mul3A_293 : f32 to vector<16xf32>
          %mul3A_295 = arith.mulf %mul3A_292, %mul3A_294 : vector<16xf32>
          %exp3A_296 = math.exp %mul3A_295 : vector<16xf32>
          %add3A_297 = arith.constant 768 : i32
          %add3A_298 = arith.addi %add3A_218, %add3A_297 : i32
          %swap3A_299 = arith.index_cast %add3A_298 : i32 to index
          %swap3A_300 = tpu.vector_load %arg19[%swap3A_299] {strides = array<i32>} : memref<10240xf32, #tpu.memory_space<vmem>>, vector<16xf32>,
          tpu.vector_store %arg19[%swap3A_299], %exp3A_296 {strides = array<i32>} : memref<10240xf32, #tpu.memory_space<vmem>>, vector<16xf32>,
          %sub3A_301 = arith.constant 2.33333325 : f32
          %sub3A_302 = vector.broadcast %sub3A_301 : f32 to vector<16xf32>
          %sub3A_303 = arith.subf %mul3A_209, %sub3A_302 : vector<16xf32>
          %mul3A_304 = arith.mulf %sub3A_303, %sub3A_303 : vector<16xf32>
          %mul3A_305 = arith.constant -4.500000e+00 : f32
          %mul3A_306 = vector.broadcast %mul3A_305 : f32 to vector<16xf32>
          %mul3A_307 = arith.mulf %mul3A_304, %mul3A_306 : vector<16xf32>
          %exp3A_308 = math.exp %mul3A_307 : vector<16xf32>
          %add3A_309 = arith.constant 896 : i32
          %add3A_310 = arith.addi %add3A_218, %add3A_309 : i32
          %swap3A_311 = arith.index_cast %add3A_310 : i32 to index
          %swap3A_312 = tpu.vector_load %arg19[%swap3A_311] {strides = array<i32>} : memref<10240xf32, #tpu.memory_space<vmem>>, vector<16xf32>,
          tpu.vector_store %arg19[%swap3A_311], %exp3A_308 {strides = array<i32>} : memref<10240xf32, #tpu.memory_space<vmem>>, vector<16xf32>,
          %sub3A_313 = arith.constant 2.66666675 : f32
          %sub3A_314 = vector.broadcast %sub3A_313 : f32 to vector<16xf32>
          %sub3A_315 = arith.subf %mul3A_209, %sub3A_314 : vector<16xf32>
          %mul3A_316 = arith.mulf %sub3A_315, %sub3A_315 : vector<16xf32>
          %mul3A_317 = arith.constant -4.500000e+00 : f32
          %mul3A_318 = vector.broadcast %mul3A_317 : f32 to vector<16xf32>
          %mul3A_319 = arith.mulf %mul3A_316, %mul3A_318 : vector<16xf32>
          %exp3A_320 = math.exp %mul3A_319 : vector<16xf32>
          %add3A_321 = arith.constant 0 : i32
          %add3A_322 = arith.addi %add3A_218, %add3A_321 : i32
          %swap3A_323 = arith.index_cast %add3A_322 : i32 to index
          %swap3A_324 = tpu.vector_load %arg20[%swap3A_323] {strides = array<i32>} : memref<10240xf32, #tpu.memory_space<vmem>>, vector<16xf32>,
          tpu.vector_store %arg20[%swap3A_323], %exp3A_320 {strides = array<i32>} : memref<10240xf32, #tpu.memory_space<vmem>>, vector<16xf32>,
          %sub3A_325 = arith.constant 3.000000e+00 : f32
          %sub3A_326 = vector.broadcast %sub3A_325 : f32 to vector<16xf32>
          %sub3A_327 = arith.subf %mul3A_209, %sub3A_326 : vector<16xf32>
          %mul3A_328 = arith.mulf %sub3A_327, %sub3A_327 : vector<16xf32>
          %mul3A_329 = arith.constant -4.500000e+00 : f32
          %mul3A_330 = vector.broadcast %mul3A_329 : f32 to vector<16xf32>
          %mul3A_331 = arith.mulf %mul3A_328, %mul3A_330 : vector<16xf32>
          %exp3A_332 = math.exp %mul3A_331 : vector<16xf32>
          %add3A_333 = arith.constant 128 : i32
          %add3A_334 = arith.addi %add3A_218, %add3A_333 : i32
          %swap3A_335 = arith.index_cast %add3A_334 : i32 to index
          %swap3A_336 = tpu.vector_load %arg20[%swap3A_335] {strides = array<i32>} : memref<10240xf32, #tpu.memory_space<vmem>>, vector<16xf32>,
          tpu.vector_store %arg20[%swap3A_335], %exp3A_332 {strides = array<i32>} : memref<10240xf32, #tpu.memory_space<vmem>>, vector<16xf32>,
          %sub3A_337 = arith.constant 3.33333325 : f32
          %sub3A_338 = vector.broadcast %sub3A_337 : f32 to vector<16xf32>
          %sub3A_339 = arith.subf %mul3A_209, %sub3A_338 : vector<16xf32>
          %mul3A_340 = arith.mulf %sub3A_339, %sub3A_339 : vector<16xf32>
          %mul3A_341 = arith.constant -4.500000e+00 : f32
          %mul3A_342 = vector.broadcast %mul3A_341 : f32 to vector<16xf32>
          %mul3A_343 = arith.mulf %mul3A_340, %mul3A_342 : vector<16xf32>
          %exp3A_344 = math.exp %mul3A_343 : vector<16xf32>
          %add3A_345 = arith.constant 256 : i32
          %add3A_346 = arith.addi %add3A_218, %add3A_345 : i32
          %swap3A_347 = arith.index_cast %add3A_346 : i32 to index
          %swap3A_348 = tpu.vector_load %arg20[%swap3A_347] {strides = array<i32>} : memref<10240xf32, #tpu.memory_space<vmem>>, vector<16xf32>,
          tpu.vector_store %arg20[%swap3A_347], %exp3A_344 {strides = array<i32>} : memref<10240xf32, #tpu.memory_space<vmem>>, vector<16xf32>,
          %sub3A_349 = arith.constant 3.66666675 : f32
          %sub3A_350 = vector.broadcast %sub3A_349 : f32 to vector<16xf32>
          %sub3A_351 = arith.subf %mul3A_209, %sub3A_350 : vector<16xf32>
          %mul3A_352 = arith.mulf %sub3A_351, %sub3A_351 : vector<16xf32>
          %mul3A_353 = arith.constant -4.500000e+00 : f32
          %mul3A_354 = vector.broadcast %mul3A_353 : f32 to vector<16xf32>
          %mul3A_355 = arith.mulf %mul3A_352, %mul3A_354 : vector<16xf32>
          %exp3A_356 = math.exp %mul3A_355 : vector<16xf32>
          %add3A_357 = arith.constant 384 : i32
          %add3A_358 = arith.addi %add3A_218, %add3A_357 : i32
          %swap3A_359 = arith.index_cast %add3A_358 : i32 to index
          %swap3A_360 = tpu.vector_load %arg20[%swap3A_359] {strides = array<i32>} : memref<10240xf32, #tpu.memory_space<vmem>>, vector<16xf32>,
          tpu.vector_store %arg20[%swap3A_359], %exp3A_356 {strides = array<i32>} : memref<10240xf32, #tpu.memory_space<vmem>>, vector<16xf32>,
          %sub3A_361 = arith.constant 4.000000e+00 : f32
          %sub3A_362 = vector.broadcast %sub3A_361 : f32 to vector<16xf32>
          %sub3A_363 = arith.subf %mul3A_209, %sub3A_362 : vector<16xf32>
          %mul3A_364 = arith.mulf %sub3A_363, %sub3A_363 : vector<16xf32>
          %mul3A_365 = arith.constant -4.500000e+00 : f32
          %mul3A_366 = vector.broadcast %mul3A_365 : f32 to vector<16xf32>
          %mul3A_367 = arith.mulf %mul3A_364, %mul3A_366 : vector<16xf32>
          %exp3A_368 = math.exp %mul3A_367 : vector<16xf32>
          %add3A_369 = arith.constant 512 : i32
          %add3A_370 = arith.addi %add3A_218, %add3A_369 : i32
          %swap3A_371 = arith.index_cast %add3A_370 : i32 to index
          %swap3A_372 = tpu.vector_load %arg20[%swap3A_371] {strides = array<i32>} : memref<10240xf32, #tpu.memory_space<vmem>>, vector<16xf32>,
          tpu.vector_store %arg20[%swap3A_371], %exp3A_368 {strides = array<i32>} : memref<10240xf32, #tpu.memory_space<vmem>>, vector<16xf32>,
          %sub3A_373 = arith.constant 4.33333349 : f32
          %sub3A_374 = vector.broadcast %sub3A_373 : f32 to vector<16xf32>
          %sub3A_375 = arith.subf %mul3A_209, %sub3A_374 : vector<16xf32>
          %mul3A_376 = arith.mulf %sub3A_375, %sub3A_375 : vector<16xf32>
          %mul3A_377 = arith.constant -4.500000e+00 : f32
          %mul3A_378 = vector.broadcast %mul3A_377 : f32 to vector<16xf32>
          %mul3A_379 = arith.mulf %mul3A_376, %mul3A_378 : vector<16xf32>
          %exp3A_380 = math.exp %mul3A_379 : vector<16xf32>
          %add3A_381 = arith.constant 640 : i32
          %add3A_382 = arith.addi %add3A_218, %add3A_381 : i32
          %swap3A_383 = arith.index_cast %add3A_382 : i32 to index
          %swap3A_384 = tpu.vector_load %arg20[%swap3A_383] {strides = array<i32>} : memref<10240xf32, #tpu.memory_space<vmem>>, vector<16xf32>,
          tpu.vector_store %arg20[%swap3A_383], %exp3A_380 {strides = array<i32>} : memref<10240xf32, #tpu.memory_space<vmem>>, vector<16xf32>,
          %sub3A_385 = arith.constant 4.66666651 : f32
          %sub3A_386 = vector.broadcast %sub3A_385 : f32 to vector<16xf32>
          %sub3A_387 = arith.subf %mul3A_209, %sub3A_386 : vector<16xf32>
          %mul3A_388 = arith.mulf %sub3A_387, %sub3A_387 : vector<16xf32>
          %mul3A_389 = arith.constant -4.500000e+00 : f32
          %mul3A_390 = vector.broadcast %mul3A_389 : f32 to vector<16xf32>
          %mul3A_391 = arith.mulf %mul3A_388, %mul3A_390 : vector<16xf32>
          %exp3A_392 = math.exp %mul3A_391 : vector<16xf32>
          %add3A_393 = arith.constant 768 : i32
          %add3A_394 = arith.addi %add3A_218, %add3A_393 : i32
          %swap3A_395 = arith.index_cast %add3A_394 : i32 to index
          %swap3A_396 = tpu.vector_load %arg20[%swap3A_395] {strides = array<i32>} : memref<10240xf32, #tpu.memory_space<vmem>>, vector<16xf32>,
          tpu.vector_store %arg20[%swap3A_395], %exp3A_392 {strides = array<i32>} : memref<10240xf32, #tpu.memory_space<vmem>>, vector<16xf32>,
          %sub3A_397 = arith.constant 5.000000e+00 : f32
          %sub3A_398 = vector.broadcast %sub3A_397 : f32 to vector<16xf32>
          %sub3A_399 = arith.subf %mul3A_209, %sub3A_398 : vector<16xf32>
          %mul3A_400 = arith.mulf %sub3A_399, %sub3A_399 : vector<16xf32>
          %mul3A_401 = arith.constant -4.500000e+00 : f32
          %mul3A_402 = vector.broadcast %mul3A_401 : f32 to vector<16xf32>
          %mul3A_403 = arith.mulf %mul3A_400, %mul3A_402 : vector<16xf32>
          %exp3A_404 = math.exp %mul3A_403 : vector<16xf32>
          %add3A_405 = arith.constant 896 : i32
          %add3A_406 = arith.addi %add3A_218, %add3A_405 : i32
          %swap3A_407 = arith.index_cast %add3A_406 : i32 to index
          %swap3A_408 = tpu.vector_load %arg20[%swap3A_407] {strides = array<i32>} : memref<10240xf32, #tpu.memory_space<vmem>>, vector<16xf32>,
          tpu.vector_store %arg20[%swap3A_407], %exp3A_404 {strides = array<i32>} : memref<10240xf32, #tpu.memory_space<vmem>>, vector<16xf32>,
          %mul3A_409 = arith.constant 4 : i32
          %mul3A_410 = arith.muli %scan3A_148, %mul3A_409 : i32
          %add3A_411 = arith.constant 1 : i32
          %add3A_412 = arith.addi %mul3A_410, %add3A_411 : i32
          %mul3A_413 = arith.constant 16 : i32
          %mul3A_414 = arith.muli %add3A_412, %mul3A_413 : i32
          %get3A_415 = arith.index_cast %mul3A_414 : i32 to index
          %get3A_416 = tpu.vector_load %arg13[%get3A_415] {strides = array<i32>} : memref<1280xf32, #tpu.memory_space<vmem>>, vector<16xf32>,
          %get3A_417 = arith.index_cast %mul3A_414 : i32 to index
          %get3A_418 = tpu.vector_load %arg16[%get3A_417] {strides = array<i32>} : memref<1280xf32, #tpu.memory_space<vmem>>, vector<16xf32>,
          %sub3A_419 = arith.subf %get3A_416, %get3A_418 : vector<16xf32>
          %get3A_420 = arith.index_cast %mul3A_414 : i32 to index
          %get3A_421 = tpu.vector_load %arg14[%get3A_420] {strides = array<i32>} : memref<1280xf32, #tpu.memory_space<vmem>>, vector<16xf32>,
          %get3A_422 = arith.index_cast %mul3A_414 : i32 to index
          %get3A_423 = tpu.vector_load %arg17[%get3A_422] {strides = array<i32>} : memref<1280xf32, #tpu.memory_space<vmem>>, vector<16xf32>,
          %sub3A_424 = arith.subf %get3A_421, %get3A_423 : vector<16xf32>
          %get3A_425 = arith.index_cast %mul3A_414 : i32 to index
          %get3A_426 = tpu.vector_load %arg15[%get3A_425] {strides = array<i32>} : memref<1280xf32, #tpu.memory_space<vmem>>, vector<16xf32>,
          %get3A_427 = arith.index_cast %mul3A_414 : i32 to index
          %get3A_428 = tpu.vector_load %arg18[%get3A_427] {strides = array<i32>} : memref<1280xf32, #tpu.memory_space<vmem>>, vector<16xf32>,
          %sub3A_429 = arith.subf %get3A_426, %get3A_428 : vector<16xf32>
          %mul3A_430 = arith.mulf %sub3A_419, %sub3A_419 : vector<16xf32>
          %mul3A_431 = arith.mulf %sub3A_424, %sub3A_424 : vector<16xf32>
          %add3A_432 = arith.addf %mul3A_430, %mul3A_431 : vector<16xf32>
          %mul3A_433 = arith.mulf %sub3A_429, %sub3A_429 : vector<16xf32>
          %add3A_434 = arith.addf %add3A_432, %mul3A_433 : vector<16xf32>
          %max3A_435 = arith.constant 1.000000e-30 : f32
          %max3A_436 = vector.broadcast %max3A_435 : f32 to vector<16xf32>
          %max3A_437 = arith.maximumf %add3A_434, %max3A_436 : vector<16xf32>
          %bitcast3A_438 = vector.bitcast %max3A_437 : vector<16xf32> to vector<16xi32>
          %shift_right_arithmetic3A_439 = arith.constant 1 : i32
          %shift_right_arithmetic3A_440 = vector.broadcast %shift_right_arithmetic3A_439 : i32 to vector<16xi32>
          %shift_right_arithmetic3A_441 = arith.shrsi %bitcast3A_438, %shift_right_arithmetic3A_440 : vector<16xi32>
          %sub3A_442 = arith.constant 1597463007 : i32
          %sub3A_443 = vector.broadcast %sub3A_442 : i32 to vector<16xi32>
          %sub3A_444 = arith.subi %sub3A_443, %shift_right_arithmetic3A_441 : vector<16xi32>
          %bitcast3A_445 = vector.bitcast %sub3A_444 : vector<16xi32> to vector<16xf32>
          %mul3A_446 = arith.constant 5.000000e-01 : f32
          %mul3A_447 = vector.broadcast %mul3A_446 : f32 to vector<16xf32>
          %mul3A_448 = arith.mulf %mul3A_447, %max3A_437 : vector<16xf32>
          %mul3A_449 = arith.mulf %mul3A_448, %bitcast3A_445 : vector<16xf32>
          %mul3A_450 = arith.mulf %mul3A_449, %bitcast3A_445 : vector<16xf32>
          %sub3A_451 = arith.constant 1.500000e+00 : f32
          %sub3A_452 = vector.broadcast %sub3A_451 : f32 to vector<16xf32>
          %sub3A_453 = arith.subf %sub3A_452, %mul3A_450 : vector<16xf32>
          %mul3A_454 = arith.mulf %bitcast3A_445, %sub3A_453 : vector<16xf32>
          %mul3A_455 = arith.constant 5.000000e-01 : f32
          %mul3A_456 = vector.broadcast %mul3A_455 : f32 to vector<16xf32>
          %mul3A_457 = arith.mulf %mul3A_456, %max3A_437 : vector<16xf32>
          %mul3A_458 = arith.mulf %mul3A_457, %mul3A_454 : vector<16xf32>
          %mul3A_459 = arith.mulf %mul3A_458, %mul3A_454 : vector<16xf32>
          %sub3A_460 = arith.constant 1.500000e+00 : f32
          %sub3A_461 = vector.broadcast %sub3A_460 : f32 to vector<16xf32>
          %sub3A_462 = arith.subf %sub3A_461, %mul3A_459 : vector<16xf32>
          %mul3A_463 = arith.mulf %mul3A_454, %sub3A_462 : vector<16xf32>
          %mul3A_464 = arith.constant 5.000000e-01 : f32
          %mul3A_465 = vector.broadcast %mul3A_464 : f32 to vector<16xf32>
          %mul3A_466 = arith.mulf %mul3A_465, %max3A_437 : vector<16xf32>
          %mul3A_467 = arith.mulf %mul3A_466, %mul3A_463 : vector<16xf32>
          %mul3A_468 = arith.mulf %mul3A_467, %mul3A_463 : vector<16xf32>
          %sub3A_469 = arith.constant 1.500000e+00 : f32
          %sub3A_470 = vector.broadcast %sub3A_469 : f32 to vector<16xf32>
          %sub3A_471 = arith.subf %sub3A_470, %mul3A_468 : vector<16xf32>
          %mul3A_472 = arith.mulf %mul3A_463, %sub3A_471 : vector<16xf32>
          %mul3A_473 = arith.mulf %max3A_437, %mul3A_472 : vector<16xf32>
          %shift_right_arithmetic3A_474 = arith.constant 3 : i32
          %shift_right_arithmetic3A_475 = arith.shrsi %add3A_412, %shift_right_arithmetic3A_474 : i32
          %mul3A_476 = arith.constant 1024 : i32
          %mul3A_477 = arith.muli %shift_right_arithmetic3A_475, %mul3A_476 : i32
          %and3A_478 = arith.constant 7 : i32
          %and3A_479 = arith.andi %add3A_412, %and3A_478 : i32
          %mul3A_480 = arith.constant 16 : i32
          %mul3A_481 = arith.muli %and3A_479, %mul3A_480 : i32
          %add3A_482 = arith.addi %mul3A_477, %mul3A_481 : i32
          %sub3A_483 = arith.constant 0.000000e+00 : f32
          %sub3A_484 = vector.broadcast %sub3A_483 : f32 to vector<16xf32>
          %sub3A_485 = arith.subf %mul3A_473, %sub3A_484 : vector<16xf32>
          %mul3A_486 = arith.mulf %sub3A_485, %sub3A_485 : vector<16xf32>
          %mul3A_487 = arith.constant -4.500000e+00 : f32
          %mul3A_488 = vector.broadcast %mul3A_487 : f32 to vector<16xf32>
          %mul3A_489 = arith.mulf %mul3A_486, %mul3A_488 : vector<16xf32>
          %exp3A_490 = math.exp %mul3A_489 : vector<16xf32>
          %add3A_491 = arith.constant 0 : i32
          %add3A_492 = arith.addi %add3A_482, %add3A_491 : i32
          %swap3A_493 = arith.index_cast %add3A_492 : i32 to index
          %swap3A_494 = tpu.vector_load %arg19[%swap3A_493] {strides = array<i32>} : memref<10240xf32, #tpu.memory_space<vmem>>, vector<16xf32>,
          tpu.vector_store %arg19[%swap3A_493], %exp3A_490 {strides = array<i32>} : memref<10240xf32, #tpu.memory_space<vmem>>, vector<16xf32>,
          %sub3A_495 = arith.constant 0.333333343 : f32
          %sub3A_496 = vector.broadcast %sub3A_495 : f32 to vector<16xf32>
          %sub3A_497 = arith.subf %mul3A_473, %sub3A_496 : vector<16xf32>
          %mul3A_498 = arith.mulf %sub3A_497, %sub3A_497 : vector<16xf32>
          %mul3A_499 = arith.constant -4.500000e+00 : f32
          %mul3A_500 = vector.broadcast %mul3A_499 : f32 to vector<16xf32>
          %mul3A_501 = arith.mulf %mul3A_498, %mul3A_500 : vector<16xf32>
          %exp3A_502 = math.exp %mul3A_501 : vector<16xf32>
          %add3A_503 = arith.constant 128 : i32
          %add3A_504 = arith.addi %add3A_482, %add3A_503 : i32
          %swap3A_505 = arith.index_cast %add3A_504 : i32 to index
          %swap3A_506 = tpu.vector_load %arg19[%swap3A_505] {strides = array<i32>} : memref<10240xf32, #tpu.memory_space<vmem>>, vector<16xf32>,
          tpu.vector_store %arg19[%swap3A_505], %exp3A_502 {strides = array<i32>} : memref<10240xf32, #tpu.memory_space<vmem>>, vector<16xf32>,
          %sub3A_507 = arith.constant 0.666666686 : f32
          %sub3A_508 = vector.broadcast %sub3A_507 : f32 to vector<16xf32>
          %sub3A_509 = arith.subf %mul3A_473, %sub3A_508 : vector<16xf32>
          %mul3A_510 = arith.mulf %sub3A_509, %sub3A_509 : vector<16xf32>
          %mul3A_511 = arith.constant -4.500000e+00 : f32
          %mul3A_512 = vector.broadcast %mul3A_511 : f32 to vector<16xf32>
          %mul3A_513 = arith.mulf %mul3A_510, %mul3A_512 : vector<16xf32>
          %exp3A_514 = math.exp %mul3A_513 : vector<16xf32>
          %add3A_515 = arith.constant 256 : i32
          %add3A_516 = arith.addi %add3A_482, %add3A_515 : i32
          %swap3A_517 = arith.index_cast %add3A_516 : i32 to index
          %swap3A_518 = tpu.vector_load %arg19[%swap3A_517] {strides = array<i32>} : memref<10240xf32, #tpu.memory_space<vmem>>, vector<16xf32>,
          tpu.vector_store %arg19[%swap3A_517], %exp3A_514 {strides = array<i32>} : memref<10240xf32, #tpu.memory_space<vmem>>, vector<16xf32>,
          %sub3A_519 = arith.constant 1.000000e+00 : f32
          %sub3A_520 = vector.broadcast %sub3A_519 : f32 to vector<16xf32>
          %sub3A_521 = arith.subf %mul3A_473, %sub3A_520 : vector<16xf32>
          %mul3A_522 = arith.mulf %sub3A_521, %sub3A_521 : vector<16xf32>
          %mul3A_523 = arith.constant -4.500000e+00 : f32
          %mul3A_524 = vector.broadcast %mul3A_523 : f32 to vector<16xf32>
          %mul3A_525 = arith.mulf %mul3A_522, %mul3A_524 : vector<16xf32>
          %exp3A_526 = math.exp %mul3A_525 : vector<16xf32>
          %add3A_527 = arith.constant 384 : i32
          %add3A_528 = arith.addi %add3A_482, %add3A_527 : i32
          %swap3A_529 = arith.index_cast %add3A_528 : i32 to index
          %swap3A_530 = tpu.vector_load %arg19[%swap3A_529] {strides = array<i32>} : memref<10240xf32, #tpu.memory_space<vmem>>, vector<16xf32>,
          tpu.vector_store %arg19[%swap3A_529], %exp3A_526 {strides = array<i32>} : memref<10240xf32, #tpu.memory_space<vmem>>, vector<16xf32>,
          %sub3A_531 = arith.constant 1.33333337 : f32
          %sub3A_532 = vector.broadcast %sub3A_531 : f32 to vector<16xf32>
          %sub3A_533 = arith.subf %mul3A_473, %sub3A_532 : vector<16xf32>
          %mul3A_534 = arith.mulf %sub3A_533, %sub3A_533 : vector<16xf32>
          %mul3A_535 = arith.constant -4.500000e+00 : f32
          %mul3A_536 = vector.broadcast %mul3A_535 : f32 to vector<16xf32>
          %mul3A_537 = arith.mulf %mul3A_534, %mul3A_536 : vector<16xf32>
          %exp3A_538 = math.exp %mul3A_537 : vector<16xf32>
          %add3A_539 = arith.constant 512 : i32
          %add3A_540 = arith.addi %add3A_482, %add3A_539 : i32
          %swap3A_541 = arith.index_cast %add3A_540 : i32 to index
          %swap3A_542 = tpu.vector_load %arg19[%swap3A_541] {strides = array<i32>} : memref<10240xf32, #tpu.memory_space<vmem>>, vector<16xf32>,
          tpu.vector_store %arg19[%swap3A_541], %exp3A_538 {strides = array<i32>} : memref<10240xf32, #tpu.memory_space<vmem>>, vector<16xf32>,
          %sub3A_543 = arith.constant 1.66666663 : f32
          %sub3A_544 = vector.broadcast %sub3A_543 : f32 to vector<16xf32>
          %sub3A_545 = arith.subf %mul3A_473, %sub3A_544 : vector<16xf32>
          %mul3A_546 = arith.mulf %sub3A_545, %sub3A_545 : vector<16xf32>
          %mul3A_547 = arith.constant -4.500000e+00 : f32
          %mul3A_548 = vector.broadcast %mul3A_547 : f32 to vector<16xf32>
          %mul3A_549 = arith.mulf %mul3A_546, %mul3A_548 : vector<16xf32>
          %exp3A_550 = math.exp %mul3A_549 : vector<16xf32>
          %add3A_551 = arith.constant 640 : i32
          %add3A_552 = arith.addi %add3A_482, %add3A_551 : i32
          %swap3A_553 = arith.index_cast %add3A_552 : i32 to index
          %swap3A_554 = tpu.vector_load %arg19[%swap3A_553] {strides = array<i32>} : memref<10240xf32, #tpu.memory_space<vmem>>, vector<16xf32>,
          tpu.vector_store %arg19[%swap3A_553], %exp3A_550 {strides = array<i32>} : memref<10240xf32, #tpu.memory_space<vmem>>, vector<16xf32>,
          %sub3A_555 = arith.constant 2.000000e+00 : f32
          %sub3A_556 = vector.broadcast %sub3A_555 : f32 to vector<16xf32>
          %sub3A_557 = arith.subf %mul3A_473, %sub3A_556 : vector<16xf32>
          %mul3A_558 = arith.mulf %sub3A_557, %sub3A_557 : vector<16xf32>
          %mul3A_559 = arith.constant -4.500000e+00 : f32
          %mul3A_560 = vector.broadcast %mul3A_559 : f32 to vector<16xf32>
          %mul3A_561 = arith.mulf %mul3A_558, %mul3A_560 : vector<16xf32>
          %exp3A_562 = math.exp %mul3A_561 : vector<16xf32>
          %add3A_563 = arith.constant 768 : i32
          %add3A_564 = arith.addi %add3A_482, %add3A_563 : i32
          %swap3A_565 = arith.index_cast %add3A_564 : i32 to index
          %swap3A_566 = tpu.vector_load %arg19[%swap3A_565] {strides = array<i32>} : memref<10240xf32, #tpu.memory_space<vmem>>, vector<16xf32>,
          tpu.vector_store %arg19[%swap3A_565], %exp3A_562 {strides = array<i32>} : memref<10240xf32, #tpu.memory_space<vmem>>, vector<16xf32>,
          %sub3A_567 = arith.constant 2.33333325 : f32
          %sub3A_568 = vector.broadcast %sub3A_567 : f32 to vector<16xf32>
          %sub3A_569 = arith.subf %mul3A_473, %sub3A_568 : vector<16xf32>
          %mul3A_570 = arith.mulf %sub3A_569, %sub3A_569 : vector<16xf32>
          %mul3A_571 = arith.constant -4.500000e+00 : f32
          %mul3A_572 = vector.broadcast %mul3A_571 : f32 to vector<16xf32>
          %mul3A_573 = arith.mulf %mul3A_570, %mul3A_572 : vector<16xf32>
          %exp3A_574 = math.exp %mul3A_573 : vector<16xf32>
          %add3A_575 = arith.constant 896 : i32
          %add3A_576 = arith.addi %add3A_482, %add3A_575 : i32
          %swap3A_577 = arith.index_cast %add3A_576 : i32 to index
          %swap3A_578 = tpu.vector_load %arg19[%swap3A_577] {strides = array<i32>} : memref<10240xf32, #tpu.memory_space<vmem>>, vector<16xf32>,
          tpu.vector_store %arg19[%swap3A_577], %exp3A_574 {strides = array<i32>} : memref<10240xf32, #tpu.memory_space<vmem>>, vector<16xf32>,
          %sub3A_579 = arith.constant 2.66666675 : f32
          %sub3A_580 = vector.broadcast %sub3A_579 : f32 to vector<16xf32>
          %sub3A_581 = arith.subf %mul3A_473, %sub3A_580 : vector<16xf32>
          %mul3A_582 = arith.mulf %sub3A_581, %sub3A_581 : vector<16xf32>
          %mul3A_583 = arith.constant -4.500000e+00 : f32
          %mul3A_584 = vector.broadcast %mul3A_583 : f32 to vector<16xf32>
          %mul3A_585 = arith.mulf %mul3A_582, %mul3A_584 : vector<16xf32>
          %exp3A_586 = math.exp %mul3A_585 : vector<16xf32>
          %add3A_587 = arith.constant 0 : i32
          %add3A_588 = arith.addi %add3A_482, %add3A_587 : i32
          %swap3A_589 = arith.index_cast %add3A_588 : i32 to index
          %swap3A_590 = tpu.vector_load %arg20[%swap3A_589] {strides = array<i32>} : memref<10240xf32, #tpu.memory_space<vmem>>, vector<16xf32>,
          tpu.vector_store %arg20[%swap3A_589], %exp3A_586 {strides = array<i32>} : memref<10240xf32, #tpu.memory_space<vmem>>, vector<16xf32>,
          %sub3A_591 = arith.constant 3.000000e+00 : f32
          %sub3A_592 = vector.broadcast %sub3A_591 : f32 to vector<16xf32>
          %sub3A_593 = arith.subf %mul3A_473, %sub3A_592 : vector<16xf32>
          %mul3A_594 = arith.mulf %sub3A_593, %sub3A_593 : vector<16xf32>
          %mul3A_595 = arith.constant -4.500000e+00 : f32
          %mul3A_596 = vector.broadcast %mul3A_595 : f32 to vector<16xf32>
          %mul3A_597 = arith.mulf %mul3A_594, %mul3A_596 : vector<16xf32>
          %exp3A_598 = math.exp %mul3A_597 : vector<16xf32>
          %add3A_599 = arith.constant 128 : i32
          %add3A_600 = arith.addi %add3A_482, %add3A_599 : i32
          %swap3A_601 = arith.index_cast %add3A_600 : i32 to index
          %swap3A_602 = tpu.vector_load %arg20[%swap3A_601] {strides = array<i32>} : memref<10240xf32, #tpu.memory_space<vmem>>, vector<16xf32>,
          tpu.vector_store %arg20[%swap3A_601], %exp3A_598 {strides = array<i32>} : memref<10240xf32, #tpu.memory_space<vmem>>, vector<16xf32>,
          %sub3A_603 = arith.constant 3.33333325 : f32
          %sub3A_604 = vector.broadcast %sub3A_603 : f32 to vector<16xf32>
          %sub3A_605 = arith.subf %mul3A_473, %sub3A_604 : vector<16xf32>
          %mul3A_606 = arith.mulf %sub3A_605, %sub3A_605 : vector<16xf32>
          %mul3A_607 = arith.constant -4.500000e+00 : f32
          %mul3A_608 = vector.broadcast %mul3A_607 : f32 to vector<16xf32>
          %mul3A_609 = arith.mulf %mul3A_606, %mul3A_608 : vector<16xf32>
          %exp3A_610 = math.exp %mul3A_609 : vector<16xf32>
          %add3A_611 = arith.constant 256 : i32
          %add3A_612 = arith.addi %add3A_482, %add3A_611 : i32
          %swap3A_613 = arith.index_cast %add3A_612 : i32 to index
          %swap3A_614 = tpu.vector_load %arg20[%swap3A_613] {strides = array<i32>} : memref<10240xf32, #tpu.memory_space<vmem>>, vector<16xf32>,
          tpu.vector_store %arg20[%swap3A_613], %exp3A_610 {strides = array<i32>} : memref<10240xf32, #tpu.memory_space<vmem>>, vector<16xf32>,
          %sub3A_615 = arith.constant 3.66666675 : f32
          %sub3A_616 = vector.broadcast %sub3A_615 : f32 to vector<16xf32>
          %sub3A_617 = arith.subf %mul3A_473, %sub3A_616 : vector<16xf32>
          %mul3A_618 = arith.mulf %sub3A_617, %sub3A_617 : vector<16xf32>
          %mul3A_619 = arith.constant -4.500000e+00 : f32
          %mul3A_620 = vector.broadcast %mul3A_619 : f32 to vector<16xf32>
          %mul3A_621 = arith.mulf %mul3A_618, %mul3A_620 : vector<16xf32>
          %exp3A_622 = math.exp %mul3A_621 : vector<16xf32>
          %add3A_623 = arith.constant 384 : i32
          %add3A_624 = arith.addi %add3A_482, %add3A_623 : i32
          %swap3A_625 = arith.index_cast %add3A_624 : i32 to index
          %swap3A_626 = tpu.vector_load %arg20[%swap3A_625] {strides = array<i32>} : memref<10240xf32, #tpu.memory_space<vmem>>, vector<16xf32>,
          tpu.vector_store %arg20[%swap3A_625], %exp3A_622 {strides = array<i32>} : memref<10240xf32, #tpu.memory_space<vmem>>, vector<16xf32>,
          %sub3A_627 = arith.constant 4.000000e+00 : f32
          %sub3A_628 = vector.broadcast %sub3A_627 : f32 to vector<16xf32>
          %sub3A_629 = arith.subf %mul3A_473, %sub3A_628 : vector<16xf32>
          %mul3A_630 = arith.mulf %sub3A_629, %sub3A_629 : vector<16xf32>
          %mul3A_631 = arith.constant -4.500000e+00 : f32
          %mul3A_632 = vector.broadcast %mul3A_631 : f32 to vector<16xf32>
          %mul3A_633 = arith.mulf %mul3A_630, %mul3A_632 : vector<16xf32>
          %exp3A_634 = math.exp %mul3A_633 : vector<16xf32>
          %add3A_635 = arith.constant 512 : i32
          %add3A_636 = arith.addi %add3A_482, %add3A_635 : i32
          %swap3A_637 = arith.index_cast %add3A_636 : i32 to index
          %swap3A_638 = tpu.vector_load %arg20[%swap3A_637] {strides = array<i32>} : memref<10240xf32, #tpu.memory_space<vmem>>, vector<16xf32>,
          tpu.vector_store %arg20[%swap3A_637], %exp3A_634 {strides = array<i32>} : memref<10240xf32, #tpu.memory_space<vmem>>, vector<16xf32>,
          %sub3A_639 = arith.constant 4.33333349 : f32
          %sub3A_640 = vector.broadcast %sub3A_639 : f32 to vector<16xf32>
          %sub3A_641 = arith.subf %mul3A_473, %sub3A_640 : vector<16xf32>
          %mul3A_642 = arith.mulf %sub3A_641, %sub3A_641 : vector<16xf32>
          %mul3A_643 = arith.constant -4.500000e+00 : f32
          %mul3A_644 = vector.broadcast %mul3A_643 : f32 to vector<16xf32>
          %mul3A_645 = arith.mulf %mul3A_642, %mul3A_644 : vector<16xf32>
          %exp3A_646 = math.exp %mul3A_645 : vector<16xf32>
          %add3A_647 = arith.constant 640 : i32
          %add3A_648 = arith.addi %add3A_482, %add3A_647 : i32
          %swap3A_649 = arith.index_cast %add3A_648 : i32 to index
          %swap3A_650 = tpu.vector_load %arg20[%swap3A_649] {strides = array<i32>} : memref<10240xf32, #tpu.memory_space<vmem>>, vector<16xf32>,
          tpu.vector_store %arg20[%swap3A_649], %exp3A_646 {strides = array<i32>} : memref<10240xf32, #tpu.memory_space<vmem>>, vector<16xf32>,
          %sub3A_651 = arith.constant 4.66666651 : f32
          %sub3A_652 = vector.broadcast %sub3A_651 : f32 to vector<16xf32>
          %sub3A_653 = arith.subf %mul3A_473, %sub3A_652 : vector<16xf32>
          %mul3A_654 = arith.mulf %sub3A_653, %sub3A_653 : vector<16xf32>
          %mul3A_655 = arith.constant -4.500000e+00 : f32
          %mul3A_656 = vector.broadcast %mul3A_655 : f32 to vector<16xf32>
          %mul3A_657 = arith.mulf %mul3A_654, %mul3A_656 : vector<16xf32>
          %exp3A_658 = math.exp %mul3A_657 : vector<16xf32>
          %add3A_659 = arith.constant 768 : i32
          %add3A_660 = arith.addi %add3A_482, %add3A_659 : i32
          %swap3A_661 = arith.index_cast %add3A_660 : i32 to index
          %swap3A_662 = tpu.vector_load %arg20[%swap3A_661] {strides = array<i32>} : memref<10240xf32, #tpu.memory_space<vmem>>, vector<16xf32>,
          tpu.vector_store %arg20[%swap3A_661], %exp3A_658 {strides = array<i32>} : memref<10240xf32, #tpu.memory_space<vmem>>, vector<16xf32>,
          %sub3A_663 = arith.constant 5.000000e+00 : f32
          %sub3A_664 = vector.broadcast %sub3A_663 : f32 to vector<16xf32>
          %sub3A_665 = arith.subf %mul3A_473, %sub3A_664 : vector<16xf32>
          %mul3A_666 = arith.mulf %sub3A_665, %sub3A_665 : vector<16xf32>
          %mul3A_667 = arith.constant -4.500000e+00 : f32
          %mul3A_668 = vector.broadcast %mul3A_667 : f32 to vector<16xf32>
          %mul3A_669 = arith.mulf %mul3A_666, %mul3A_668 : vector<16xf32>
          %exp3A_670 = math.exp %mul3A_669 : vector<16xf32>
          %add3A_671 = arith.constant 896 : i32
          %add3A_672 = arith.addi %add3A_482, %add3A_671 : i32
          %swap3A_673 = arith.index_cast %add3A_672 : i32 to index
          %swap3A_674 = tpu.vector_load %arg20[%swap3A_673] {strides = array<i32>} : memref<10240xf32, #tpu.memory_space<vmem>>, vector<16xf32>,
          tpu.vector_store %arg20[%swap3A_673], %exp3A_670 {strides = array<i32>} : memref<10240xf32, #tpu.memory_space<vmem>>, vector<16xf32>,
          %mul3A_675 = arith.constant 4 : i32
          %mul3A_676 = arith.muli %scan3A_148, %mul3A_675 : i32
          %add3A_677 = arith.constant 2 : i32
          %add3A_678 = arith.addi %mul3A_676, %add3A_677 : i32
          %mul3A_679 = arith.constant 16 : i32
          %mul3A_680 = arith.muli %add3A_678, %mul3A_679 : i32
          %get3A_681 = arith.index_cast %mul3A_680 : i32 to index
          %get3A_682 = tpu.vector_load %arg13[%get3A_681] {strides = array<i32>} : memref<1280xf32, #tpu.memory_space<vmem>>, vector<16xf32>,
          %get3A_683 = arith.index_cast %mul3A_680 : i32 to index
          %get3A_684 = tpu.vector_load %arg16[%get3A_683] {strides = array<i32>} : memref<1280xf32, #tpu.memory_space<vmem>>, vector<16xf32>,
          %sub3A_685 = arith.subf %get3A_682, %get3A_684 : vector<16xf32>
          %get3A_686 = arith.index_cast %mul3A_680 : i32 to index
          %get3A_687 = tpu.vector_load %arg14[%get3A_686] {strides = array<i32>} : memref<1280xf32, #tpu.memory_space<vmem>>, vector<16xf32>,
          %get3A_688 = arith.index_cast %mul3A_680 : i32 to index
          %get3A_689 = tpu.vector_load %arg17[%get3A_688] {strides = array<i32>} : memref<1280xf32, #tpu.memory_space<vmem>>, vector<16xf32>,
          %sub3A_690 = arith.subf %get3A_687, %get3A_689 : vector<16xf32>
          %get3A_691 = arith.index_cast %mul3A_680 : i32 to index
          %get3A_692 = tpu.vector_load %arg15[%get3A_691] {strides = array<i32>} : memref<1280xf32, #tpu.memory_space<vmem>>, vector<16xf32>,
          %get3A_693 = arith.index_cast %mul3A_680 : i32 to index
          %get3A_694 = tpu.vector_load %arg18[%get3A_693] {strides = array<i32>} : memref<1280xf32, #tpu.memory_space<vmem>>, vector<16xf32>,
          %sub3A_695 = arith.subf %get3A_692, %get3A_694 : vector<16xf32>
          %mul3A_696 = arith.mulf %sub3A_685, %sub3A_685 : vector<16xf32>
          %mul3A_697 = arith.mulf %sub3A_690, %sub3A_690 : vector<16xf32>
          %add3A_698 = arith.addf %mul3A_696, %mul3A_697 : vector<16xf32>
          %mul3A_699 = arith.mulf %sub3A_695, %sub3A_695 : vector<16xf32>
          %add3A_700 = arith.addf %add3A_698, %mul3A_699 : vector<16xf32>
          %max3A_701 = arith.constant 1.000000e-30 : f32
          %max3A_702 = vector.broadcast %max3A_701 : f32 to vector<16xf32>
          %max3A_703 = arith.maximumf %add3A_700, %max3A_702 : vector<16xf32>
          %bitcast3A_704 = vector.bitcast %max3A_703 : vector<16xf32> to vector<16xi32>
          %shift_right_arithmetic3A_705 = arith.constant 1 : i32
          %shift_right_arithmetic3A_706 = vector.broadcast %shift_right_arithmetic3A_705 : i32 to vector<16xi32>
          %shift_right_arithmetic3A_707 = arith.shrsi %bitcast3A_704, %shift_right_arithmetic3A_706 : vector<16xi32>
          %sub3A_708 = arith.constant 1597463007 : i32
          %sub3A_709 = vector.broadcast %sub3A_708 : i32 to vector<16xi32>
          %sub3A_710 = arith.subi %sub3A_709, %shift_right_arithmetic3A_707 : vector<16xi32>
          %bitcast3A_711 = vector.bitcast %sub3A_710 : vector<16xi32> to vector<16xf32>
          %mul3A_712 = arith.constant 5.000000e-01 : f32
          %mul3A_713 = vector.broadcast %mul3A_712 : f32 to vector<16xf32>
          %mul3A_714 = arith.mulf %mul3A_713, %max3A_703 : vector<16xf32>
          %mul3A_715 = arith.mulf %mul3A_714, %bitcast3A_711 : vector<16xf32>
          %mul3A_716 = arith.mulf %mul3A_715, %bitcast3A_711 : vector<16xf32>
          %sub3A_717 = arith.constant 1.500000e+00 : f32
          %sub3A_718 = vector.broadcast %sub3A_717 : f32 to vector<16xf32>
          %sub3A_719 = arith.subf %sub3A_718, %mul3A_716 : vector<16xf32>
          %mul3A_720 = arith.mulf %bitcast3A_711, %sub3A_719 : vector<16xf32>
          %mul3A_721 = arith.constant 5.000000e-01 : f32
          %mul3A_722 = vector.broadcast %mul3A_721 : f32 to vector<16xf32>
          %mul3A_723 = arith.mulf %mul3A_722, %max3A_703 : vector<16xf32>
          %mul3A_724 = arith.mulf %mul3A_723, %mul3A_720 : vector<16xf32>
          %mul3A_725 = arith.mulf %mul3A_724, %mul3A_720 : vector<16xf32>
          %sub3A_726 = arith.constant 1.500000e+00 : f32
          %sub3A_727 = vector.broadcast %sub3A_726 : f32 to vector<16xf32>
          %sub3A_728 = arith.subf %sub3A_727, %mul3A_725 : vector<16xf32>
          %mul3A_729 = arith.mulf %mul3A_720, %sub3A_728 : vector<16xf32>
          %mul3A_730 = arith.constant 5.000000e-01 : f32
          %mul3A_731 = vector.broadcast %mul3A_730 : f32 to vector<16xf32>
          %mul3A_732 = arith.mulf %mul3A_731, %max3A_703 : vector<16xf32>
          %mul3A_733 = arith.mulf %mul3A_732, %mul3A_729 : vector<16xf32>
          %mul3A_734 = arith.mulf %mul3A_733, %mul3A_729 : vector<16xf32>
          %sub3A_735 = arith.constant 1.500000e+00 : f32
          %sub3A_736 = vector.broadcast %sub3A_735 : f32 to vector<16xf32>
          %sub3A_737 = arith.subf %sub3A_736, %mul3A_734 : vector<16xf32>
          %mul3A_738 = arith.mulf %mul3A_729, %sub3A_737 : vector<16xf32>
          %mul3A_739 = arith.mulf %max3A_703, %mul3A_738 : vector<16xf32>
          %shift_right_arithmetic3A_740 = arith.constant 3 : i32
          %shift_right_arithmetic3A_741 = arith.shrsi %add3A_678, %shift_right_arithmetic3A_740 : i32
          %mul3A_742 = arith.constant 1024 : i32
          %mul3A_743 = arith.muli %shift_right_arithmetic3A_741, %mul3A_742 : i32
          %and3A_744 = arith.constant 7 : i32
          %and3A_745 = arith.andi %add3A_678, %and3A_744 : i32
          %mul3A_746 = arith.constant 16 : i32
          %mul3A_747 = arith.muli %and3A_745, %mul3A_746 : i32
          %add3A_748 = arith.addi %mul3A_743, %mul3A_747 : i32
          %sub3A_749 = arith.constant 0.000000e+00 : f32
          %sub3A_750 = vector.broadcast %sub3A_749 : f32 to vector<16xf32>
          %sub3A_751 = arith.subf %mul3A_739, %sub3A_750 : vector<16xf32>
          %mul3A_752 = arith.mulf %sub3A_751, %sub3A_751 : vector<16xf32>
          %mul3A_753 = arith.constant -4.500000e+00 : f32
          %mul3A_754 = vector.broadcast %mul3A_753 : f32 to vector<16xf32>
          %mul3A_755 = arith.mulf %mul3A_752, %mul3A_754 : vector<16xf32>
          %exp3A_756 = math.exp %mul3A_755 : vector<16xf32>
          %add3A_757 = arith.constant 0 : i32
          %add3A_758 = arith.addi %add3A_748, %add3A_757 : i32
          %swap3A_759 = arith.index_cast %add3A_758 : i32 to index
          %swap3A_760 = tpu.vector_load %arg19[%swap3A_759] {strides = array<i32>} : memref<10240xf32, #tpu.memory_space<vmem>>, vector<16xf32>,
          tpu.vector_store %arg19[%swap3A_759], %exp3A_756 {strides = array<i32>} : memref<10240xf32, #tpu.memory_space<vmem>>, vector<16xf32>,
          %sub3A_761 = arith.constant 0.333333343 : f32
          %sub3A_762 = vector.broadcast %sub3A_761 : f32 to vector<16xf32>
          %sub3A_763 = arith.subf %mul3A_739, %sub3A_762 : vector<16xf32>
          %mul3A_764 = arith.mulf %sub3A_763, %sub3A_763 : vector<16xf32>
          %mul3A_765 = arith.constant -4.500000e+00 : f32
          %mul3A_766 = vector.broadcast %mul3A_765 : f32 to vector<16xf32>
          %mul3A_767 = arith.mulf %mul3A_764, %mul3A_766 : vector<16xf32>
          %exp3A_768 = math.exp %mul3A_767 : vector<16xf32>
          %add3A_769 = arith.constant 128 : i32
          %add3A_770 = arith.addi %add3A_748, %add3A_769 : i32
          %swap3A_771 = arith.index_cast %add3A_770 : i32 to index
          %swap3A_772 = tpu.vector_load %arg19[%swap3A_771] {strides = array<i32>} : memref<10240xf32, #tpu.memory_space<vmem>>, vector<16xf32>,
          tpu.vector_store %arg19[%swap3A_771], %exp3A_768 {strides = array<i32>} : memref<10240xf32, #tpu.memory_space<vmem>>, vector<16xf32>,
          %sub3A_773 = arith.constant 0.666666686 : f32
          %sub3A_774 = vector.broadcast %sub3A_773 : f32 to vector<16xf32>
          %sub3A_775 = arith.subf %mul3A_739, %sub3A_774 : vector<16xf32>
          %mul3A_776 = arith.mulf %sub3A_775, %sub3A_775 : vector<16xf32>
          %mul3A_777 = arith.constant -4.500000e+00 : f32
          %mul3A_778 = vector.broadcast %mul3A_777 : f32 to vector<16xf32>
          %mul3A_779 = arith.mulf %mul3A_776, %mul3A_778 : vector<16xf32>
          %exp3A_780 = math.exp %mul3A_779 : vector<16xf32>
          %add3A_781 = arith.constant 256 : i32
          %add3A_782 = arith.addi %add3A_748, %add3A_781 : i32
          %swap3A_783 = arith.index_cast %add3A_782 : i32 to index
          %swap3A_784 = tpu.vector_load %arg19[%swap3A_783] {strides = array<i32>} : memref<10240xf32, #tpu.memory_space<vmem>>, vector<16xf32>,
          tpu.vector_store %arg19[%swap3A_783], %exp3A_780 {strides = array<i32>} : memref<10240xf32, #tpu.memory_space<vmem>>, vector<16xf32>,
          %sub3A_785 = arith.constant 1.000000e+00 : f32
          %sub3A_786 = vector.broadcast %sub3A_785 : f32 to vector<16xf32>
          %sub3A_787 = arith.subf %mul3A_739, %sub3A_786 : vector<16xf32>
          %mul3A_788 = arith.mulf %sub3A_787, %sub3A_787 : vector<16xf32>
          %mul3A_789 = arith.constant -4.500000e+00 : f32
          %mul3A_790 = vector.broadcast %mul3A_789 : f32 to vector<16xf32>
          %mul3A_791 = arith.mulf %mul3A_788, %mul3A_790 : vector<16xf32>
          %exp3A_792 = math.exp %mul3A_791 : vector<16xf32>
          %add3A_793 = arith.constant 384 : i32
          %add3A_794 = arith.addi %add3A_748, %add3A_793 : i32
          %swap3A_795 = arith.index_cast %add3A_794 : i32 to index
          %swap3A_796 = tpu.vector_load %arg19[%swap3A_795] {strides = array<i32>} : memref<10240xf32, #tpu.memory_space<vmem>>, vector<16xf32>,
          tpu.vector_store %arg19[%swap3A_795], %exp3A_792 {strides = array<i32>} : memref<10240xf32, #tpu.memory_space<vmem>>, vector<16xf32>,
          %sub3A_797 = arith.constant 1.33333337 : f32
          %sub3A_798 = vector.broadcast %sub3A_797 : f32 to vector<16xf32>
          %sub3A_799 = arith.subf %mul3A_739, %sub3A_798 : vector<16xf32>
          %mul3A_800 = arith.mulf %sub3A_799, %sub3A_799 : vector<16xf32>
          %mul3A_801 = arith.constant -4.500000e+00 : f32
          %mul3A_802 = vector.broadcast %mul3A_801 : f32 to vector<16xf32>
          %mul3A_803 = arith.mulf %mul3A_800, %mul3A_802 : vector<16xf32>
          %exp3A_804 = math.exp %mul3A_803 : vector<16xf32>
          %add3A_805 = arith.constant 512 : i32
          %add3A_806 = arith.addi %add3A_748, %add3A_805 : i32
          %swap3A_807 = arith.index_cast %add3A_806 : i32 to index
          %swap3A_808 = tpu.vector_load %arg19[%swap3A_807] {strides = array<i32>} : memref<10240xf32, #tpu.memory_space<vmem>>, vector<16xf32>,
          tpu.vector_store %arg19[%swap3A_807], %exp3A_804 {strides = array<i32>} : memref<10240xf32, #tpu.memory_space<vmem>>, vector<16xf32>,
          %sub3A_809 = arith.constant 1.66666663 : f32
          %sub3A_810 = vector.broadcast %sub3A_809 : f32 to vector<16xf32>
          %sub3A_811 = arith.subf %mul3A_739, %sub3A_810 : vector<16xf32>
          %mul3A_812 = arith.mulf %sub3A_811, %sub3A_811 : vector<16xf32>
          %mul3A_813 = arith.constant -4.500000e+00 : f32
          %mul3A_814 = vector.broadcast %mul3A_813 : f32 to vector<16xf32>
          %mul3A_815 = arith.mulf %mul3A_812, %mul3A_814 : vector<16xf32>
          %exp3A_816 = math.exp %mul3A_815 : vector<16xf32>
          %add3A_817 = arith.constant 640 : i32
          %add3A_818 = arith.addi %add3A_748, %add3A_817 : i32
          %swap3A_819 = arith.index_cast %add3A_818 : i32 to index
          %swap3A_820 = tpu.vector_load %arg19[%swap3A_819] {strides = array<i32>} : memref<10240xf32, #tpu.memory_space<vmem>>, vector<16xf32>,
          tpu.vector_store %arg19[%swap3A_819], %exp3A_816 {strides = array<i32>} : memref<10240xf32, #tpu.memory_space<vmem>>, vector<16xf32>,
          %sub3A_821 = arith.constant 2.000000e+00 : f32
          %sub3A_822 = vector.broadcast %sub3A_821 : f32 to vector<16xf32>
          %sub3A_823 = arith.subf %mul3A_739, %sub3A_822 : vector<16xf32>
          %mul3A_824 = arith.mulf %sub3A_823, %sub3A_823 : vector<16xf32>
          %mul3A_825 = arith.constant -4.500000e+00 : f32
          %mul3A_826 = vector.broadcast %mul3A_825 : f32 to vector<16xf32>
          %mul3A_827 = arith.mulf %mul3A_824, %mul3A_826 : vector<16xf32>
          %exp3A_828 = math.exp %mul3A_827 : vector<16xf32>
          %add3A_829 = arith.constant 768 : i32
          %add3A_830 = arith.addi %add3A_748, %add3A_829 : i32
          %swap3A_831 = arith.index_cast %add3A_830 : i32 to index
          %swap3A_832 = tpu.vector_load %arg19[%swap3A_831] {strides = array<i32>} : memref<10240xf32, #tpu.memory_space<vmem>>, vector<16xf32>,
          tpu.vector_store %arg19[%swap3A_831], %exp3A_828 {strides = array<i32>} : memref<10240xf32, #tpu.memory_space<vmem>>, vector<16xf32>,
          %sub3A_833 = arith.constant 2.33333325 : f32
          %sub3A_834 = vector.broadcast %sub3A_833 : f32 to vector<16xf32>
          %sub3A_835 = arith.subf %mul3A_739, %sub3A_834 : vector<16xf32>
          %mul3A_836 = arith.mulf %sub3A_835, %sub3A_835 : vector<16xf32>
          %mul3A_837 = arith.constant -4.500000e+00 : f32
          %mul3A_838 = vector.broadcast %mul3A_837 : f32 to vector<16xf32>
          %mul3A_839 = arith.mulf %mul3A_836, %mul3A_838 : vector<16xf32>
          %exp3A_840 = math.exp %mul3A_839 : vector<16xf32>
          %add3A_841 = arith.constant 896 : i32
          %add3A_842 = arith.addi %add3A_748, %add3A_841 : i32
          %swap3A_843 = arith.index_cast %add3A_842 : i32 to index
          %swap3A_844 = tpu.vector_load %arg19[%swap3A_843] {strides = array<i32>} : memref<10240xf32, #tpu.memory_space<vmem>>, vector<16xf32>,
          tpu.vector_store %arg19[%swap3A_843], %exp3A_840 {strides = array<i32>} : memref<10240xf32, #tpu.memory_space<vmem>>, vector<16xf32>,
          %sub3A_845 = arith.constant 2.66666675 : f32
          %sub3A_846 = vector.broadcast %sub3A_845 : f32 to vector<16xf32>
          %sub3A_847 = arith.subf %mul3A_739, %sub3A_846 : vector<16xf32>
          %mul3A_848 = arith.mulf %sub3A_847, %sub3A_847 : vector<16xf32>
          %mul3A_849 = arith.constant -4.500000e+00 : f32
          %mul3A_850 = vector.broadcast %mul3A_849 : f32 to vector<16xf32>
          %mul3A_851 = arith.mulf %mul3A_848, %mul3A_850 : vector<16xf32>
          %exp3A_852 = math.exp %mul3A_851 : vector<16xf32>
          %add3A_853 = arith.constant 0 : i32
          %add3A_854 = arith.addi %add3A_748, %add3A_853 : i32
          %swap3A_855 = arith.index_cast %add3A_854 : i32 to index
          %swap3A_856 = tpu.vector_load %arg20[%swap3A_855] {strides = array<i32>} : memref<10240xf32, #tpu.memory_space<vmem>>, vector<16xf32>,
          tpu.vector_store %arg20[%swap3A_855], %exp3A_852 {strides = array<i32>} : memref<10240xf32, #tpu.memory_space<vmem>>, vector<16xf32>,
          %sub3A_857 = arith.constant 3.000000e+00 : f32
          %sub3A_858 = vector.broadcast %sub3A_857 : f32 to vector<16xf32>
          %sub3A_859 = arith.subf %mul3A_739, %sub3A_858 : vector<16xf32>
          %mul3A_860 = arith.mulf %sub3A_859, %sub3A_859 : vector<16xf32>
          %mul3A_861 = arith.constant -4.500000e+00 : f32
          %mul3A_862 = vector.broadcast %mul3A_861 : f32 to vector<16xf32>
          %mul3A_863 = arith.mulf %mul3A_860, %mul3A_862 : vector<16xf32>
          %exp3A_864 = math.exp %mul3A_863 : vector<16xf32>
          %add3A_865 = arith.constant 128 : i32
          %add3A_866 = arith.addi %add3A_748, %add3A_865 : i32
          %swap3A_867 = arith.index_cast %add3A_866 : i32 to index
          %swap3A_868 = tpu.vector_load %arg20[%swap3A_867] {strides = array<i32>} : memref<10240xf32, #tpu.memory_space<vmem>>, vector<16xf32>,
          tpu.vector_store %arg20[%swap3A_867], %exp3A_864 {strides = array<i32>} : memref<10240xf32, #tpu.memory_space<vmem>>, vector<16xf32>,
          %sub3A_869 = arith.constant 3.33333325 : f32
          %sub3A_870 = vector.broadcast %sub3A_869 : f32 to vector<16xf32>
          %sub3A_871 = arith.subf %mul3A_739, %sub3A_870 : vector<16xf32>
          %mul3A_872 = arith.mulf %sub3A_871, %sub3A_871 : vector<16xf32>
          %mul3A_873 = arith.constant -4.500000e+00 : f32
          %mul3A_874 = vector.broadcast %mul3A_873 : f32 to vector<16xf32>
          %mul3A_875 = arith.mulf %mul3A_872, %mul3A_874 : vector<16xf32>
          %exp3A_876 = math.exp %mul3A_875 : vector<16xf32>
          %add3A_877 = arith.constant 256 : i32
          %add3A_878 = arith.addi %add3A_748, %add3A_877 : i32
          %swap3A_879 = arith.index_cast %add3A_878 : i32 to index
          %swap3A_880 = tpu.vector_load %arg20[%swap3A_879] {strides = array<i32>} : memref<10240xf32, #tpu.memory_space<vmem>>, vector<16xf32>,
          tpu.vector_store %arg20[%swap3A_879], %exp3A_876 {strides = array<i32>} : memref<10240xf32, #tpu.memory_space<vmem>>, vector<16xf32>,
          %sub3A_881 = arith.constant 3.66666675 : f32
          %sub3A_882 = vector.broadcast %sub3A_881 : f32 to vector<16xf32>
          %sub3A_883 = arith.subf %mul3A_739, %sub3A_882 : vector<16xf32>
          %mul3A_884 = arith.mulf %sub3A_883, %sub3A_883 : vector<16xf32>
          %mul3A_885 = arith.constant -4.500000e+00 : f32
          %mul3A_886 = vector.broadcast %mul3A_885 : f32 to vector<16xf32>
          %mul3A_887 = arith.mulf %mul3A_884, %mul3A_886 : vector<16xf32>
          %exp3A_888 = math.exp %mul3A_887 : vector<16xf32>
          %add3A_889 = arith.constant 384 : i32
          %add3A_890 = arith.addi %add3A_748, %add3A_889 : i32
          %swap3A_891 = arith.index_cast %add3A_890 : i32 to index
          %swap3A_892 = tpu.vector_load %arg20[%swap3A_891] {strides = array<i32>} : memref<10240xf32, #tpu.memory_space<vmem>>, vector<16xf32>,
          tpu.vector_store %arg20[%swap3A_891], %exp3A_888 {strides = array<i32>} : memref<10240xf32, #tpu.memory_space<vmem>>, vector<16xf32>,
          %sub3A_893 = arith.constant 4.000000e+00 : f32
          %sub3A_894 = vector.broadcast %sub3A_893 : f32 to vector<16xf32>
          %sub3A_895 = arith.subf %mul3A_739, %sub3A_894 : vector<16xf32>
          %mul3A_896 = arith.mulf %sub3A_895, %sub3A_895 : vector<16xf32>
          %mul3A_897 = arith.constant -4.500000e+00 : f32
          %mul3A_898 = vector.broadcast %mul3A_897 : f32 to vector<16xf32>
          %mul3A_899 = arith.mulf %mul3A_896, %mul3A_898 : vector<16xf32>
          %exp3A_900 = math.exp %mul3A_899 : vector<16xf32>
          %add3A_901 = arith.constant 512 : i32
          %add3A_902 = arith.addi %add3A_748, %add3A_901 : i32
          %swap3A_903 = arith.index_cast %add3A_902 : i32 to index
          %swap3A_904 = tpu.vector_load %arg20[%swap3A_903] {strides = array<i32>} : memref<10240xf32, #tpu.memory_space<vmem>>, vector<16xf32>,
          tpu.vector_store %arg20[%swap3A_903], %exp3A_900 {strides = array<i32>} : memref<10240xf32, #tpu.memory_space<vmem>>, vector<16xf32>,
          %sub3A_905 = arith.constant 4.33333349 : f32
          %sub3A_906 = vector.broadcast %sub3A_905 : f32 to vector<16xf32>
          %sub3A_907 = arith.subf %mul3A_739, %sub3A_906 : vector<16xf32>
          %mul3A_908 = arith.mulf %sub3A_907, %sub3A_907 : vector<16xf32>
          %mul3A_909 = arith.constant -4.500000e+00 : f32
          %mul3A_910 = vector.broadcast %mul3A_909 : f32 to vector<16xf32>
          %mul3A_911 = arith.mulf %mul3A_908, %mul3A_910 : vector<16xf32>
          %exp3A_912 = math.exp %mul3A_911 : vector<16xf32>
          %add3A_913 = arith.constant 640 : i32
          %add3A_914 = arith.addi %add3A_748, %add3A_913 : i32
          %swap3A_915 = arith.index_cast %add3A_914 : i32 to index
          %swap3A_916 = tpu.vector_load %arg20[%swap3A_915] {strides = array<i32>} : memref<10240xf32, #tpu.memory_space<vmem>>, vector<16xf32>,
          tpu.vector_store %arg20[%swap3A_915], %exp3A_912 {strides = array<i32>} : memref<10240xf32, #tpu.memory_space<vmem>>, vector<16xf32>,
          %sub3A_917 = arith.constant 4.66666651 : f32
          %sub3A_918 = vector.broadcast %sub3A_917 : f32 to vector<16xf32>
          %sub3A_919 = arith.subf %mul3A_739, %sub3A_918 : vector<16xf32>
          %mul3A_920 = arith.mulf %sub3A_919, %sub3A_919 : vector<16xf32>
          %mul3A_921 = arith.constant -4.500000e+00 : f32
          %mul3A_922 = vector.broadcast %mul3A_921 : f32 to vector<16xf32>
          %mul3A_923 = arith.mulf %mul3A_920, %mul3A_922 : vector<16xf32>
          %exp3A_924 = math.exp %mul3A_923 : vector<16xf32>
          %add3A_925 = arith.constant 768 : i32
          %add3A_926 = arith.addi %add3A_748, %add3A_925 : i32
          %swap3A_927 = arith.index_cast %add3A_926 : i32 to index
          %swap3A_928 = tpu.vector_load %arg20[%swap3A_927] {strides = array<i32>} : memref<10240xf32, #tpu.memory_space<vmem>>, vector<16xf32>,
          tpu.vector_store %arg20[%swap3A_927], %exp3A_924 {strides = array<i32>} : memref<10240xf32, #tpu.memory_space<vmem>>, vector<16xf32>,
          %sub3A_929 = arith.constant 5.000000e+00 : f32
          %sub3A_930 = vector.broadcast %sub3A_929 : f32 to vector<16xf32>
          %sub3A_931 = arith.subf %mul3A_739, %sub3A_930 : vector<16xf32>
          %mul3A_932 = arith.mulf %sub3A_931, %sub3A_931 : vector<16xf32>
          %mul3A_933 = arith.constant -4.500000e+00 : f32
          %mul3A_934 = vector.broadcast %mul3A_933 : f32 to vector<16xf32>
          %mul3A_935 = arith.mulf %mul3A_932, %mul3A_934 : vector<16xf32>
          %exp3A_936 = math.exp %mul3A_935 : vector<16xf32>
          %add3A_937 = arith.constant 896 : i32
          %add3A_938 = arith.addi %add3A_748, %add3A_937 : i32
          %swap3A_939 = arith.index_cast %add3A_938 : i32 to index
          %swap3A_940 = tpu.vector_load %arg20[%swap3A_939] {strides = array<i32>} : memref<10240xf32, #tpu.memory_space<vmem>>, vector<16xf32>,
          tpu.vector_store %arg20[%swap3A_939], %exp3A_936 {strides = array<i32>} : memref<10240xf32, #tpu.memory_space<vmem>>, vector<16xf32>,
          %mul3A_941 = arith.constant 4 : i32
          %mul3A_942 = arith.muli %scan3A_148, %mul3A_941 : i32
          %add3A_943 = arith.constant 3 : i32
          %add3A_944 = arith.addi %mul3A_942, %add3A_943 : i32
          %mul3A_945 = arith.constant 16 : i32
          %mul3A_946 = arith.muli %add3A_944, %mul3A_945 : i32
          %get3A_947 = arith.index_cast %mul3A_946 : i32 to index
          %get3A_948 = tpu.vector_load %arg13[%get3A_947] {strides = array<i32>} : memref<1280xf32, #tpu.memory_space<vmem>>, vector<16xf32>,
          %get3A_949 = arith.index_cast %mul3A_946 : i32 to index
          %get3A_950 = tpu.vector_load %arg16[%get3A_949] {strides = array<i32>} : memref<1280xf32, #tpu.memory_space<vmem>>, vector<16xf32>,
          %sub3A_951 = arith.subf %get3A_948, %get3A_950 : vector<16xf32>
          %get3A_952 = arith.index_cast %mul3A_946 : i32 to index
          %get3A_953 = tpu.vector_load %arg14[%get3A_952] {strides = array<i32>} : memref<1280xf32, #tpu.memory_space<vmem>>, vector<16xf32>,
          %get3A_954 = arith.index_cast %mul3A_946 : i32 to index
          %get3A_955 = tpu.vector_load %arg17[%get3A_954] {strides = array<i32>} : memref<1280xf32, #tpu.memory_space<vmem>>, vector<16xf32>,
          %sub3A_956 = arith.subf %get3A_953, %get3A_955 : vector<16xf32>
          %get3A_957 = arith.index_cast %mul3A_946 : i32 to index
          %get3A_958 = tpu.vector_load %arg15[%get3A_957] {strides = array<i32>} : memref<1280xf32, #tpu.memory_space<vmem>>, vector<16xf32>,
          %get3A_959 = arith.index_cast %mul3A_946 : i32 to index
          %get3A_960 = tpu.vector_load %arg18[%get3A_959] {strides = array<i32>} : memref<1280xf32, #tpu.memory_space<vmem>>, vector<16xf32>,
          %sub3A_961 = arith.subf %get3A_958, %get3A_960 : vector<16xf32>
          %mul3A_962 = arith.mulf %sub3A_951, %sub3A_951 : vector<16xf32>
          %mul3A_963 = arith.mulf %sub3A_956, %sub3A_956 : vector<16xf32>
          %add3A_964 = arith.addf %mul3A_962, %mul3A_963 : vector<16xf32>
          %mul3A_965 = arith.mulf %sub3A_961, %sub3A_961 : vector<16xf32>
          %add3A_966 = arith.addf %add3A_964, %mul3A_965 : vector<16xf32>
          %max3A_967 = arith.constant 1.000000e-30 : f32
          %max3A_968 = vector.broadcast %max3A_967 : f32 to vector<16xf32>
          %max3A_969 = arith.maximumf %add3A_966, %max3A_968 : vector<16xf32>
          %bitcast3A_970 = vector.bitcast %max3A_969 : vector<16xf32> to vector<16xi32>
          %shift_right_arithmetic3A_971 = arith.constant 1 : i32
          %shift_right_arithmetic3A_972 = vector.broadcast %shift_right_arithmetic3A_971 : i32 to vector<16xi32>
          %shift_right_arithmetic3A_973 = arith.shrsi %bitcast3A_970, %shift_right_arithmetic3A_972 : vector<16xi32>
          %sub3A_974 = arith.constant 1597463007 : i32
          %sub3A_975 = vector.broadcast %sub3A_974 : i32 to vector<16xi32>
          %sub3A_976 = arith.subi %sub3A_975, %shift_right_arithmetic3A_973 : vector<16xi32>
          %bitcast3A_977 = vector.bitcast %sub3A_976 : vector<16xi32> to vector<16xf32>
          %mul3A_978 = arith.constant 5.000000e-01 : f32
          %mul3A_979 = vector.broadcast %mul3A_978 : f32 to vector<16xf32>
          %mul3A_980 = arith.mulf %mul3A_979, %max3A_969 : vector<16xf32>
          %mul3A_981 = arith.mulf %mul3A_980, %bitcast3A_977 : vector<16xf32>
          %mul3A_982 = arith.mulf %mul3A_981, %bitcast3A_977 : vector<16xf32>
          %sub3A_983 = arith.constant 1.500000e+00 : f32
          %sub3A_984 = vector.broadcast %sub3A_983 : f32 to vector<16xf32>
          %sub3A_985 = arith.subf %sub3A_984, %mul3A_982 : vector<16xf32>
          %mul3A_986 = arith.mulf %bitcast3A_977, %sub3A_985 : vector<16xf32>
          %mul3A_987 = arith.constant 5.000000e-01 : f32
          %mul3A_988 = vector.broadcast %mul3A_987 : f32 to vector<16xf32>
          %mul3A_989 = arith.mulf %mul3A_988, %max3A_969 : vector<16xf32>
          %mul3A_990 = arith.mulf %mul3A_989, %mul3A_986 : vector<16xf32>
          %mul3A_991 = arith.mulf %mul3A_990, %mul3A_986 : vector<16xf32>
          %sub3A_992 = arith.constant 1.500000e+00 : f32
          %sub3A_993 = vector.broadcast %sub3A_992 : f32 to vector<16xf32>
          %sub3A_994 = arith.subf %sub3A_993, %mul3A_991 : vector<16xf32>
          %mul3A_995 = arith.mulf %mul3A_986, %sub3A_994 : vector<16xf32>
          %mul3A_996 = arith.constant 5.000000e-01 : f32
          %mul3A_997 = vector.broadcast %mul3A_996 : f32 to vector<16xf32>
          %mul3A_998 = arith.mulf %mul3A_997, %max3A_969 : vector<16xf32>
          %mul3A_999 = arith.mulf %mul3A_998, %mul3A_995 : vector<16xf32>
          %mul3A_1000 = arith.mulf %mul3A_999, %mul3A_995 : vector<16xf32>
          %sub3A_1001 = arith.constant 1.500000e+00 : f32
          %sub3A_1002 = vector.broadcast %sub3A_1001 : f32 to vector<16xf32>
          %sub3A_1003 = arith.subf %sub3A_1002, %mul3A_1000 : vector<16xf32>
          %mul3A_1004 = arith.mulf %mul3A_995, %sub3A_1003 : vector<16xf32>
          %mul3A_1005 = arith.mulf %max3A_969, %mul3A_1004 : vector<16xf32>
          %shift_right_arithmetic3A_1006 = arith.constant 3 : i32
          %shift_right_arithmetic3A_1007 = arith.shrsi %add3A_944, %shift_right_arithmetic3A_1006 : i32
          %mul3A_1008 = arith.constant 1024 : i32
          %mul3A_1009 = arith.muli %shift_right_arithmetic3A_1007, %mul3A_1008 : i32
          %and3A_1010 = arith.constant 7 : i32
          %and3A_1011 = arith.andi %add3A_944, %and3A_1010 : i32
          %mul3A_1012 = arith.constant 16 : i32
          %mul3A_1013 = arith.muli %and3A_1011, %mul3A_1012 : i32
          %add3A_1014 = arith.addi %mul3A_1009, %mul3A_1013 : i32
          %sub3A_1015 = arith.constant 0.000000e+00 : f32
          %sub3A_1016 = vector.broadcast %sub3A_1015 : f32 to vector<16xf32>
          %sub3A_1017 = arith.subf %mul3A_1005, %sub3A_1016 : vector<16xf32>
          %mul3A_1018 = arith.mulf %sub3A_1017, %sub3A_1017 : vector<16xf32>
          %mul3A_1019 = arith.constant -4.500000e+00 : f32
          %mul3A_1020 = vector.broadcast %mul3A_1019 : f32 to vector<16xf32>
          %mul3A_1021 = arith.mulf %mul3A_1018, %mul3A_1020 : vector<16xf32>
          %exp3A_1022 = math.exp %mul3A_1021 : vector<16xf32>
          %add3A_1023 = arith.constant 0 : i32
          %add3A_1024 = arith.addi %add3A_1014, %add3A_1023 : i32
          %swap3A_1025 = arith.index_cast %add3A_1024 : i32 to index
          %swap3A_1026 = tpu.vector_load %arg19[%swap3A_1025] {strides = array<i32>} : memref<10240xf32, #tpu.memory_space<vmem>>, vector<16xf32>,
          tpu.vector_store %arg19[%swap3A_1025], %exp3A_1022 {strides = array<i32>} : memref<10240xf32, #tpu.memory_space<vmem>>, vector<16xf32>,
          %sub3A_1027 = arith.constant 0.333333343 : f32
          %sub3A_1028 = vector.broadcast %sub3A_1027 : f32 to vector<16xf32>
          %sub3A_1029 = arith.subf %mul3A_1005, %sub3A_1028 : vector<16xf32>
          %mul3A_1030 = arith.mulf %sub3A_1029, %sub3A_1029 : vector<16xf32>
          %mul3A_1031 = arith.constant -4.500000e+00 : f32
          %mul3A_1032 = vector.broadcast %mul3A_1031 : f32 to vector<16xf32>
          %mul3A_1033 = arith.mulf %mul3A_1030, %mul3A_1032 : vector<16xf32>
          %exp3A_1034 = math.exp %mul3A_1033 : vector<16xf32>
          %add3A_1035 = arith.constant 128 : i32
          %add3A_1036 = arith.addi %add3A_1014, %add3A_1035 : i32
          %swap3A_1037 = arith.index_cast %add3A_1036 : i32 to index
          %swap3A_1038 = tpu.vector_load %arg19[%swap3A_1037] {strides = array<i32>} : memref<10240xf32, #tpu.memory_space<vmem>>, vector<16xf32>,
          tpu.vector_store %arg19[%swap3A_1037], %exp3A_1034 {strides = array<i32>} : memref<10240xf32, #tpu.memory_space<vmem>>, vector<16xf32>,
          %sub3A_1039 = arith.constant 0.666666686 : f32
          %sub3A_1040 = vector.broadcast %sub3A_1039 : f32 to vector<16xf32>
          %sub3A_1041 = arith.subf %mul3A_1005, %sub3A_1040 : vector<16xf32>
          %mul3A_1042 = arith.mulf %sub3A_1041, %sub3A_1041 : vector<16xf32>
          %mul3A_1043 = arith.constant -4.500000e+00 : f32
          %mul3A_1044 = vector.broadcast %mul3A_1043 : f32 to vector<16xf32>
          %mul3A_1045 = arith.mulf %mul3A_1042, %mul3A_1044 : vector<16xf32>
          %exp3A_1046 = math.exp %mul3A_1045 : vector<16xf32>
          %add3A_1047 = arith.constant 256 : i32
          %add3A_1048 = arith.addi %add3A_1014, %add3A_1047 : i32
          %swap3A_1049 = arith.index_cast %add3A_1048 : i32 to index
          %swap3A_1050 = tpu.vector_load %arg19[%swap3A_1049] {strides = array<i32>} : memref<10240xf32, #tpu.memory_space<vmem>>, vector<16xf32>,
          tpu.vector_store %arg19[%swap3A_1049], %exp3A_1046 {strides = array<i32>} : memref<10240xf32, #tpu.memory_space<vmem>>, vector<16xf32>,
          %sub3A_1051 = arith.constant 1.000000e+00 : f32
          %sub3A_1052 = vector.broadcast %sub3A_1051 : f32 to vector<16xf32>
          %sub3A_1053 = arith.subf %mul3A_1005, %sub3A_1052 : vector<16xf32>
          %mul3A_1054 = arith.mulf %sub3A_1053, %sub3A_1053 : vector<16xf32>
          %mul3A_1055 = arith.constant -4.500000e+00 : f32
          %mul3A_1056 = vector.broadcast %mul3A_1055 : f32 to vector<16xf32>
          %mul3A_1057 = arith.mulf %mul3A_1054, %mul3A_1056 : vector<16xf32>
          %exp3A_1058 = math.exp %mul3A_1057 : vector<16xf32>
          %add3A_1059 = arith.constant 384 : i32
          %add3A_1060 = arith.addi %add3A_1014, %add3A_1059 : i32
          %swap3A_1061 = arith.index_cast %add3A_1060 : i32 to index
          %swap3A_1062 = tpu.vector_load %arg19[%swap3A_1061] {strides = array<i32>} : memref<10240xf32, #tpu.memory_space<vmem>>, vector<16xf32>,
          tpu.vector_store %arg19[%swap3A_1061], %exp3A_1058 {strides = array<i32>} : memref<10240xf32, #tpu.memory_space<vmem>>, vector<16xf32>,
          %sub3A_1063 = arith.constant 1.33333337 : f32
          %sub3A_1064 = vector.broadcast %sub3A_1063 : f32 to vector<16xf32>
          %sub3A_1065 = arith.subf %mul3A_1005, %sub3A_1064 : vector<16xf32>
          %mul3A_1066 = arith.mulf %sub3A_1065, %sub3A_1065 : vector<16xf32>
          %mul3A_1067 = arith.constant -4.500000e+00 : f32
          %mul3A_1068 = vector.broadcast %mul3A_1067 : f32 to vector<16xf32>
          %mul3A_1069 = arith.mulf %mul3A_1066, %mul3A_1068 : vector<16xf32>
          %exp3A_1070 = math.exp %mul3A_1069 : vector<16xf32>
          %add3A_1071 = arith.constant 512 : i32
          %add3A_1072 = arith.addi %add3A_1014, %add3A_1071 : i32
          %swap3A_1073 = arith.index_cast %add3A_1072 : i32 to index
          %swap3A_1074 = tpu.vector_load %arg19[%swap3A_1073] {strides = array<i32>} : memref<10240xf32, #tpu.memory_space<vmem>>, vector<16xf32>,
          tpu.vector_store %arg19[%swap3A_1073], %exp3A_1070 {strides = array<i32>} : memref<10240xf32, #tpu.memory_space<vmem>>, vector<16xf32>,
          %sub3A_1075 = arith.constant 1.66666663 : f32
          %sub3A_1076 = vector.broadcast %sub3A_1075 : f32 to vector<16xf32>
          %sub3A_1077 = arith.subf %mul3A_1005, %sub3A_1076 : vector<16xf32>
          %mul3A_1078 = arith.mulf %sub3A_1077, %sub3A_1077 : vector<16xf32>
          %mul3A_1079 = arith.constant -4.500000e+00 : f32
          %mul3A_1080 = vector.broadcast %mul3A_1079 : f32 to vector<16xf32>
          %mul3A_1081 = arith.mulf %mul3A_1078, %mul3A_1080 : vector<16xf32>
          %exp3A_1082 = math.exp %mul3A_1081 : vector<16xf32>
          %add3A_1083 = arith.constant 640 : i32
          %add3A_1084 = arith.addi %add3A_1014, %add3A_1083 : i32
          %swap3A_1085 = arith.index_cast %add3A_1084 : i32 to index
          %swap3A_1086 = tpu.vector_load %arg19[%swap3A_1085] {strides = array<i32>} : memref<10240xf32, #tpu.memory_space<vmem>>, vector<16xf32>,
          tpu.vector_store %arg19[%swap3A_1085], %exp3A_1082 {strides = array<i32>} : memref<10240xf32, #tpu.memory_space<vmem>>, vector<16xf32>,
          %sub3A_1087 = arith.constant 2.000000e+00 : f32
          %sub3A_1088 = vector.broadcast %sub3A_1087 : f32 to vector<16xf32>
          %sub3A_1089 = arith.subf %mul3A_1005, %sub3A_1088 : vector<16xf32>
          %mul3A_1090 = arith.mulf %sub3A_1089, %sub3A_1089 : vector<16xf32>
          %mul3A_1091 = arith.constant -4.500000e+00 : f32
          %mul3A_1092 = vector.broadcast %mul3A_1091 : f32 to vector<16xf32>
          %mul3A_1093 = arith.mulf %mul3A_1090, %mul3A_1092 : vector<16xf32>
          %exp3A_1094 = math.exp %mul3A_1093 : vector<16xf32>
          %add3A_1095 = arith.constant 768 : i32
          %add3A_1096 = arith.addi %add3A_1014, %add3A_1095 : i32
          %swap3A_1097 = arith.index_cast %add3A_1096 : i32 to index
          %swap3A_1098 = tpu.vector_load %arg19[%swap3A_1097] {strides = array<i32>} : memref<10240xf32, #tpu.memory_space<vmem>>, vector<16xf32>,
          tpu.vector_store %arg19[%swap3A_1097], %exp3A_1094 {strides = array<i32>} : memref<10240xf32, #tpu.memory_space<vmem>>, vector<16xf32>,
          %sub3A_1099 = arith.constant 2.33333325 : f32
          %sub3A_1100 = vector.broadcast %sub3A_1099 : f32 to vector<16xf32>
          %sub3A_1101 = arith.subf %mul3A_1005, %sub3A_1100 : vector<16xf32>
          %mul3A_1102 = arith.mulf %sub3A_1101, %sub3A_1101 : vector<16xf32>
          %mul3A_1103 = arith.constant -4.500000e+00 : f32
          %mul3A_1104 = vector.broadcast %mul3A_1103 : f32 to vector<16xf32>
          %mul3A_1105 = arith.mulf %mul3A_1102, %mul3A_1104 : vector<16xf32>
          %exp3A_1106 = math.exp %mul3A_1105 : vector<16xf32>
          %add3A_1107 = arith.constant 896 : i32
          %add3A_1108 = arith.addi %add3A_1014, %add3A_1107 : i32
          %swap3A_1109 = arith.index_cast %add3A_1108 : i32 to index
          %swap3A_1110 = tpu.vector_load %arg19[%swap3A_1109] {strides = array<i32>} : memref<10240xf32, #tpu.memory_space<vmem>>, vector<16xf32>,
          tpu.vector_store %arg19[%swap3A_1109], %exp3A_1106 {strides = array<i32>} : memref<10240xf32, #tpu.memory_space<vmem>>, vector<16xf32>,
          %sub3A_1111 = arith.constant 2.66666675 : f32
          %sub3A_1112 = vector.broadcast %sub3A_1111 : f32 to vector<16xf32>
          %sub3A_1113 = arith.subf %mul3A_1005, %sub3A_1112 : vector<16xf32>
          %mul3A_1114 = arith.mulf %sub3A_1113, %sub3A_1113 : vector<16xf32>
          %mul3A_1115 = arith.constant -4.500000e+00 : f32
          %mul3A_1116 = vector.broadcast %mul3A_1115 : f32 to vector<16xf32>
          %mul3A_1117 = arith.mulf %mul3A_1114, %mul3A_1116 : vector<16xf32>
          %exp3A_1118 = math.exp %mul3A_1117 : vector<16xf32>
          %add3A_1119 = arith.constant 0 : i32
          %add3A_1120 = arith.addi %add3A_1014, %add3A_1119 : i32
          %swap3A_1121 = arith.index_cast %add3A_1120 : i32 to index
          %swap3A_1122 = tpu.vector_load %arg20[%swap3A_1121] {strides = array<i32>} : memref<10240xf32, #tpu.memory_space<vmem>>, vector<16xf32>,
          tpu.vector_store %arg20[%swap3A_1121], %exp3A_1118 {strides = array<i32>} : memref<10240xf32, #tpu.memory_space<vmem>>, vector<16xf32>,
          %sub3A_1123 = arith.constant 3.000000e+00 : f32
          %sub3A_1124 = vector.broadcast %sub3A_1123 : f32 to vector<16xf32>
          %sub3A_1125 = arith.subf %mul3A_1005, %sub3A_1124 : vector<16xf32>
          %mul3A_1126 = arith.mulf %sub3A_1125, %sub3A_1125 : vector<16xf32>
          %mul3A_1127 = arith.constant -4.500000e+00 : f32
          %mul3A_1128 = vector.broadcast %mul3A_1127 : f32 to vector<16xf32>
          %mul3A_1129 = arith.mulf %mul3A_1126, %mul3A_1128 : vector<16xf32>
          %exp3A_1130 = math.exp %mul3A_1129 : vector<16xf32>
          %add3A_1131 = arith.constant 128 : i32
          %add3A_1132 = arith.addi %add3A_1014, %add3A_1131 : i32
          %swap3A_1133 = arith.index_cast %add3A_1132 : i32 to index
          %swap3A_1134 = tpu.vector_load %arg20[%swap3A_1133] {strides = array<i32>} : memref<10240xf32, #tpu.memory_space<vmem>>, vector<16xf32>,
          tpu.vector_store %arg20[%swap3A_1133], %exp3A_1130 {strides = array<i32>} : memref<10240xf32, #tpu.memory_space<vmem>>, vector<16xf32>,
          %sub3A_1135 = arith.constant 3.33333325 : f32
          %sub3A_1136 = vector.broadcast %sub3A_1135 : f32 to vector<16xf32>
          %sub3A_1137 = arith.subf %mul3A_1005, %sub3A_1136 : vector<16xf32>
          %mul3A_1138 = arith.mulf %sub3A_1137, %sub3A_1137 : vector<16xf32>
          %mul3A_1139 = arith.constant -4.500000e+00 : f32
          %mul3A_1140 = vector.broadcast %mul3A_1139 : f32 to vector<16xf32>
          %mul3A_1141 = arith.mulf %mul3A_1138, %mul3A_1140 : vector<16xf32>
          %exp3A_1142 = math.exp %mul3A_1141 : vector<16xf32>
          %add3A_1143 = arith.constant 256 : i32
          %add3A_1144 = arith.addi %add3A_1014, %add3A_1143 : i32
          %swap3A_1145 = arith.index_cast %add3A_1144 : i32 to index
          %swap3A_1146 = tpu.vector_load %arg20[%swap3A_1145] {strides = array<i32>} : memref<10240xf32, #tpu.memory_space<vmem>>, vector<16xf32>,
          tpu.vector_store %arg20[%swap3A_1145], %exp3A_1142 {strides = array<i32>} : memref<10240xf32, #tpu.memory_space<vmem>>, vector<16xf32>,
          %sub3A_1147 = arith.constant 3.66666675 : f32
          %sub3A_1148 = vector.broadcast %sub3A_1147 : f32 to vector<16xf32>
          %sub3A_1149 = arith.subf %mul3A_1005, %sub3A_1148 : vector<16xf32>
          %mul3A_1150 = arith.mulf %sub3A_1149, %sub3A_1149 : vector<16xf32>
          %mul3A_1151 = arith.constant -4.500000e+00 : f32
          %mul3A_1152 = vector.broadcast %mul3A_1151 : f32 to vector<16xf32>
          %mul3A_1153 = arith.mulf %mul3A_1150, %mul3A_1152 : vector<16xf32>
          %exp3A_1154 = math.exp %mul3A_1153 : vector<16xf32>
          %add3A_1155 = arith.constant 384 : i32
          %add3A_1156 = arith.addi %add3A_1014, %add3A_1155 : i32
          %swap3A_1157 = arith.index_cast %add3A_1156 : i32 to index
          %swap3A_1158 = tpu.vector_load %arg20[%swap3A_1157] {strides = array<i32>} : memref<10240xf32, #tpu.memory_space<vmem>>, vector<16xf32>,
          tpu.vector_store %arg20[%swap3A_1157], %exp3A_1154 {strides = array<i32>} : memref<10240xf32, #tpu.memory_space<vmem>>, vector<16xf32>,
          %sub3A_1159 = arith.constant 4.000000e+00 : f32
          %sub3A_1160 = vector.broadcast %sub3A_1159 : f32 to vector<16xf32>
          %sub3A_1161 = arith.subf %mul3A_1005, %sub3A_1160 : vector<16xf32>
          %mul3A_1162 = arith.mulf %sub3A_1161, %sub3A_1161 : vector<16xf32>
          %mul3A_1163 = arith.constant -4.500000e+00 : f32
          %mul3A_1164 = vector.broadcast %mul3A_1163 : f32 to vector<16xf32>
          %mul3A_1165 = arith.mulf %mul3A_1162, %mul3A_1164 : vector<16xf32>
          %exp3A_1166 = math.exp %mul3A_1165 : vector<16xf32>
          %add3A_1167 = arith.constant 512 : i32
          %add3A_1168 = arith.addi %add3A_1014, %add3A_1167 : i32
          %swap3A_1169 = arith.index_cast %add3A_1168 : i32 to index
          %swap3A_1170 = tpu.vector_load %arg20[%swap3A_1169] {strides = array<i32>} : memref<10240xf32, #tpu.memory_space<vmem>>, vector<16xf32>,
          tpu.vector_store %arg20[%swap3A_1169], %exp3A_1166 {strides = array<i32>} : memref<10240xf32, #tpu.memory_space<vmem>>, vector<16xf32>,
          %sub3A_1171 = arith.constant 4.33333349 : f32
          %sub3A_1172 = vector.broadcast %sub3A_1171 : f32 to vector<16xf32>
          %sub3A_1173 = arith.subf %mul3A_1005, %sub3A_1172 : vector<16xf32>
          %mul3A_1174 = arith.mulf %sub3A_1173, %sub3A_1173 : vector<16xf32>
          %mul3A_1175 = arith.constant -4.500000e+00 : f32
          %mul3A_1176 = vector.broadcast %mul3A_1175 : f32 to vector<16xf32>
          %mul3A_1177 = arith.mulf %mul3A_1174, %mul3A_1176 : vector<16xf32>
          %exp3A_1178 = math.exp %mul3A_1177 : vector<16xf32>
          %add3A_1179 = arith.constant 640 : i32
          %add3A_1180 = arith.addi %add3A_1014, %add3A_1179 : i32
          %swap3A_1181 = arith.index_cast %add3A_1180 : i32 to index
          %swap3A_1182 = tpu.vector_load %arg20[%swap3A_1181] {strides = array<i32>} : memref<10240xf32, #tpu.memory_space<vmem>>, vector<16xf32>,
          tpu.vector_store %arg20[%swap3A_1181], %exp3A_1178 {strides = array<i32>} : memref<10240xf32, #tpu.memory_space<vmem>>, vector<16xf32>,
          %sub3A_1183 = arith.constant 4.66666651 : f32
          %sub3A_1184 = vector.broadcast %sub3A_1183 : f32 to vector<16xf32>
          %sub3A_1185 = arith.subf %mul3A_1005, %sub3A_1184 : vector<16xf32>
          %mul3A_1186 = arith.mulf %sub3A_1185, %sub3A_1185 : vector<16xf32>
          %mul3A_1187 = arith.constant -4.500000e+00 : f32
          %mul3A_1188 = vector.broadcast %mul3A_1187 : f32 to vector<16xf32>
          %mul3A_1189 = arith.mulf %mul3A_1186, %mul3A_1188 : vector<16xf32>
          %exp3A_1190 = math.exp %mul3A_1189 : vector<16xf32>
          %add3A_1191 = arith.constant 768 : i32
          %add3A_1192 = arith.addi %add3A_1014, %add3A_1191 : i32
          %swap3A_1193 = arith.index_cast %add3A_1192 : i32 to index
          %swap3A_1194 = tpu.vector_load %arg20[%swap3A_1193] {strides = array<i32>} : memref<10240xf32, #tpu.memory_space<vmem>>, vector<16xf32>,
          tpu.vector_store %arg20[%swap3A_1193], %exp3A_1190 {strides = array<i32>} : memref<10240xf32, #tpu.memory_space<vmem>>, vector<16xf32>,
          %sub3A_1195 = arith.constant 5.000000e+00 : f32
          %sub3A_1196 = vector.broadcast %sub3A_1195 : f32 to vector<16xf32>
          %sub3A_1197 = arith.subf %mul3A_1005, %sub3A_1196 : vector<16xf32>
          %mul3A_1198 = arith.mulf %sub3A_1197, %sub3A_1197 : vector<16xf32>
          %mul3A_1199 = arith.constant -4.500000e+00 : f32
          %mul3A_1200 = vector.broadcast %mul3A_1199 : f32 to vector<16xf32>
          %mul3A_1201 = arith.mulf %mul3A_1198, %mul3A_1200 : vector<16xf32>
          %exp3A_1202 = math.exp %mul3A_1201 : vector<16xf32>
          %add3A_1203 = arith.constant 896 : i32
          %add3A_1204 = arith.addi %add3A_1014, %add3A_1203 : i32
          %swap3A_1205 = arith.index_cast %add3A_1204 : i32 to index
          %swap3A_1206 = tpu.vector_load %arg20[%swap3A_1205] {strides = array<i32>} : memref<10240xf32, #tpu.memory_space<vmem>>, vector<16xf32>,
          tpu.vector_store %arg20[%swap3A_1205], %exp3A_1202 {strides = array<i32>} : memref<10240xf32, #tpu.memory_space<vmem>>, vector<16xf32>,
        }
        %scan3A_138 = arith.constant 20 : i32
        %mul3A_139 = arith.constant 8 : i32
        %mul3A_140 = arith.muli %mul3A_111, %mul3A_139 : i32
        %dma_start3A = tpu.memref_slice %arg7[%mul3A_140] : memref<51200000xf32, #tpu.memory_space<hbm>> -> memref<10240xf32, #tpu.memory_space<hbm>>
        %dma_start3A_141 = tpu.memref_slice %arg7[%mul3A_140] : memref<51200000xf32, #tpu.memory_space<hbm>> -> memref<10240xf32, #tpu.memory_space<hbm>>
        tpu.enqueue_dma source(%arg19 : memref<10240xf32, #tpu.memory_space<vmem>>) target(%dma_start3A_141 : memref<10240xf32, #tpu.memory_space<hbm>>) target_semaphore(%arg33 : memref<!tpu.dma_semaphore, #tpu.memory_space<semaphore_mem>>)
        %mul3A_142 = arith.constant 8 : i32
        %mul3A_143 = arith.muli %mul3A_111, %mul3A_142 : i32
        %add3A_144 = arith.constant 25600000 : i32
        %add3A_145 = arith.addi %add3A_144, %mul3A_143 : i32
        %dma_start3A_146 = tpu.memref_slice %arg7[%add3A_145] : memref<51200000xf32, #tpu.memory_space<hbm>> -> memref<10240xf32, #tpu.memory_space<hbm>>
        %dma_start3A_147 = tpu.memref_slice %arg7[%add3A_145] : memref<51200000xf32, #tpu.memory_space<hbm>> -> memref<10240xf32, #tpu.memory_space<hbm>>
        tpu.enqueue_dma source(%arg20 : memref<10240xf32, #tpu.memory_space<vmem>>) target(%dma_start3A_147 : memref<10240xf32, #tpu.memory_space<hbm>>) target_semaphore(%arg33 : memref<!tpu.dma_semaphore, #tpu.memory_space<semaphore_mem>>)
      } else {
      }
      %add3A_77 = arith.constant 2 : i32
      %add3A_78 = arith.addi %mul3A_47, %add3A_77 : i32
      %mul3A_79 = arith.constant 32 : i32
      %mul3A_80 = arith.muli %add3A_78, %mul3A_79 : i32
      %add3A_81 = arith.addi %mul3A_80, %add3A : i32
      %lt3A_82 = arith.constant 2500 : i32
      %lt3A_83 = arith.cmpi slt, %add3A_81, %lt3A_82 : i32
      %convert_element_type3A_84 = arith.extui %lt3A_83 : i1 to i32
      %cond3A_85 = arith.constant 0 : i32
      %cond3A_86 = arith.cmpi ne, %convert_element_type3A_84, %cond3A_85 : i32
      scf.if %cond3A_86 {
        %mul3A_110 = arith.constant 1280 : i32
        %mul3A_111 = arith.muli %add3A_81, %mul3A_110 : i32
        %dma_wait3A = tpu.memref_slice %arg5[%mul3A_111] : memref<3200000xi32, #tpu.memory_space<hbm>> -> memref<1280xi32, #tpu.memory_space<hbm>>
        %dma_wait3A_112 = tpu.memref_slice %arg5[%mul3A_111] : memref<3200000xi32, #tpu.memory_space<hbm>> -> memref<1280xi32, #tpu.memory_space<hbm>>
        tpu.wait_dma2 semaphore(%arg35 : memref<!tpu.dma_semaphore, #tpu.memory_space<semaphore_mem>>) src(%dma_wait3A_112 : memref<1280xi32, #tpu.memory_space<hbm>>) dst(%arg11 : memref<1280xi32, #tpu.memory_space<vmem>>)
        %dma_wait3A_113 = tpu.memref_slice %arg6[%mul3A_111] : memref<3200000xi32, #tpu.memory_space<hbm>> -> memref<1280xi32, #tpu.memory_space<hbm>>
        %dma_wait3A_114 = tpu.memref_slice %arg6[%mul3A_111] : memref<3200000xi32, #tpu.memory_space<hbm>> -> memref<1280xi32, #tpu.memory_space<hbm>>
        tpu.wait_dma2 semaphore(%arg35 : memref<!tpu.dma_semaphore, #tpu.memory_space<semaphore_mem>>) src(%dma_wait3A_114 : memref<1280xi32, #tpu.memory_space<hbm>>) dst(%arg12 : memref<1280xi32, #tpu.memory_space<vmem>>)
        %dma_start3A = arith.constant 0 : i32
        %dma_start3A_115 = tpu.memref_slice %arg8[%dma_start3A] : memref<100000xf32, #tpu.memory_space<vmem_shared>> -> memref<100000xf32, #tpu.memory_space<vmem_shared>>
        tpu.enqueue_indirect_dma source(%dma_start3A_115 : memref<100000xf32, #tpu.memory_space<vmem_shared>>) target(%arg13 : memref<1280xf32, #tpu.memory_space<vmem>>) offsets(%arg11 : memref<1280xi32, #tpu.memory_space<vmem>>) semaphore(%arg31 : memref<!tpu.dma_semaphore, #tpu.memory_space<semaphore_mem>>)
        %dma_start3A_116 = arith.constant 0 : i32
        %dma_start3A_117 = tpu.memref_slice %arg9[%dma_start3A_116] : memref<100000xf32, #tpu.memory_space<vmem_shared>> -> memref<100000xf32, #tpu.memory_space<vmem_shared>>
        tpu.enqueue_indirect_dma source(%dma_start3A_117 : memref<100000xf32, #tpu.memory_space<vmem_shared>>) target(%arg14 : memref<1280xf32, #tpu.memory_space<vmem>>) offsets(%arg11 : memref<1280xi32, #tpu.memory_space<vmem>>) semaphore(%arg31 : memref<!tpu.dma_semaphore, #tpu.memory_space<semaphore_mem>>)
        %dma_start3A_118 = arith.constant 0 : i32
        %dma_start3A_119 = tpu.memref_slice %arg10[%dma_start3A_118] : memref<100000xf32, #tpu.memory_space<vmem_shared>> -> memref<100000xf32, #tpu.memory_space<vmem_shared>>
        tpu.enqueue_indirect_dma source(%dma_start3A_119 : memref<100000xf32, #tpu.memory_space<vmem_shared>>) target(%arg15 : memref<1280xf32, #tpu.memory_space<vmem>>) offsets(%arg11 : memref<1280xi32, #tpu.memory_space<vmem>>) semaphore(%arg31 : memref<!tpu.dma_semaphore, #tpu.memory_space<semaphore_mem>>)
        %dma_start3A_120 = arith.constant 0 : i32
        %dma_start3A_121 = tpu.memref_slice %arg8[%dma_start3A_120] : memref<100000xf32, #tpu.memory_space<vmem_shared>> -> memref<100000xf32, #tpu.memory_space<vmem_shared>>
        tpu.enqueue_indirect_dma source(%dma_start3A_121 : memref<100000xf32, #tpu.memory_space<vmem_shared>>) target(%arg16 : memref<1280xf32, #tpu.memory_space<vmem>>) offsets(%arg12 : memref<1280xi32, #tpu.memory_space<vmem>>) semaphore(%arg31 : memref<!tpu.dma_semaphore, #tpu.memory_space<semaphore_mem>>)
        %dma_start3A_122 = arith.constant 0 : i32
        %dma_start3A_123 = tpu.memref_slice %arg9[%dma_start3A_122] : memref<100000xf32, #tpu.memory_space<vmem_shared>> -> memref<100000xf32, #tpu.memory_space<vmem_shared>>
        tpu.enqueue_indirect_dma source(%dma_start3A_123 : memref<100000xf32, #tpu.memory_space<vmem_shared>>) target(%arg17 : memref<1280xf32, #tpu.memory_space<vmem>>) offsets(%arg12 : memref<1280xi32, #tpu.memory_space<vmem>>) semaphore(%arg31 : memref<!tpu.dma_semaphore, #tpu.memory_space<semaphore_mem>>)
        %dma_start3A_124 = arith.constant 0 : i32
        %dma_start3A_125 = tpu.memref_slice %arg10[%dma_start3A_124] : memref<100000xf32, #tpu.memory_space<vmem_shared>> -> memref<100000xf32, #tpu.memory_space<vmem_shared>>
        tpu.enqueue_indirect_dma source(%dma_start3A_125 : memref<100000xf32, #tpu.memory_space<vmem_shared>>) target(%arg18 : memref<1280xf32, #tpu.memory_space<vmem>>) offsets(%arg12 : memref<1280xi32, #tpu.memory_space<vmem>>) semaphore(%arg31 : memref<!tpu.dma_semaphore, #tpu.memory_space<semaphore_mem>>)
      } else {
      }
      %sub3A_87 = arith.constant 1 : i32
      %sub3A_88 = arith.subi %mul3A_47, %sub3A_87 : i32
      %mul3A_89 = arith.constant 32 : i32
      %mul3A_90 = arith.muli %sub3A_88, %mul3A_89 : i32
      %add3A_91 = arith.addi %mul3A_90, %add3A : i32
      %ge3A_92 = arith.constant 0 : i32
      %ge3A_93 = arith.cmpi sge, %sub3A_88, %ge3A_92 : i32
      %lt3A_94 = arith.constant 2500 : i32
      %lt3A_95 = arith.cmpi slt, %add3A_91, %lt3A_94 : i32
      %and3A_96 = arith.andi %ge3A_93, %lt3A_95 : i1
      %convert_element_type3A_97 = arith.extui %and3A_96 : i1 to i32
      %cond3A_98 = arith.constant 0 : i32
      %cond3A_99 = arith.cmpi ne, %convert_element_type3A_97, %cond3A_98 : i32
      scf.if %cond3A_99 {
        %mul3A_110 = arith.constant 1280 : i32
        %mul3A_111 = arith.muli %add3A_91, %mul3A_110 : i32
        %mul3A_112 = arith.constant 8 : i32
        %mul3A_113 = arith.muli %mul3A_111, %mul3A_112 : i32
        %dma_wait3A = tpu.memref_slice %arg7[%mul3A_113] : memref<51200000xf32, #tpu.memory_space<hbm>> -> memref<10240xf32, #tpu.memory_space<hbm>>
        %dma_wait3A_114 = tpu.memref_slice %arg7[%mul3A_113] : memref<51200000xf32, #tpu.memory_space<hbm>> -> memref<10240xf32, #tpu.memory_space<hbm>>
        tpu.wait_dma2 semaphore(%arg34 : memref<!tpu.dma_semaphore, #tpu.memory_space<semaphore_mem>>) src(%arg29 : memref<10240xf32, #tpu.memory_space<vmem>>) dst(%dma_wait3A_114 : memref<10240xf32, #tpu.memory_space<hbm>>)
        %mul3A_115 = arith.constant 8 : i32
        %mul3A_116 = arith.muli %mul3A_111, %mul3A_115 : i32
        %add3A_117 = arith.constant 25600000 : i32
        %add3A_118 = arith.addi %add3A_117, %mul3A_116 : i32
        %dma_wait3A_119 = tpu.memref_slice %arg7[%add3A_118] : memref<51200000xf32, #tpu.memory_space<hbm>> -> memref<10240xf32, #tpu.memory_space<hbm>>
        %dma_wait3A_120 = tpu.memref_slice %arg7[%add3A_118] : memref<51200000xf32, #tpu.memory_space<hbm>> -> memref<10240xf32, #tpu.memory_space<hbm>>
        tpu.wait_dma2 semaphore(%arg34 : memref<!tpu.dma_semaphore, #tpu.memory_space<semaphore_mem>>) src(%arg30 : memref<10240xf32, #tpu.memory_space<vmem>>) dst(%dma_wait3A_120 : memref<10240xf32, #tpu.memory_space<hbm>>)
      } else {
      }
      %add3A_100 = arith.constant 1 : i32
      %add3A_101 = arith.addi %mul3A_47, %add3A_100 : i32
      %mul3A_102 = arith.constant 32 : i32
      %mul3A_103 = arith.muli %add3A_101, %mul3A_102 : i32
      %add3A_104 = arith.addi %mul3A_103, %add3A : i32
      %lt3A_105 = arith.constant 2500 : i32
      %lt3A_106 = arith.cmpi slt, %add3A_104, %lt3A_105 : i32
      %convert_element_type3A_107 = arith.extui %lt3A_106 : i1 to i32
      %cond3A_108 = arith.constant 0 : i32
      %cond3A_109 = arith.cmpi ne, %convert_element_type3A_107, %cond3A_108 : i32
      scf.if %cond3A_109 {
        %mul3A_110 = arith.constant 1280 : i32
        %mul3A_111 = arith.muli %add3A_104, %mul3A_110 : i32
        %dma_wait3A = arith.constant 0 : i32
        %dma_wait3A_112 = tpu.memref_slice %arg8[%dma_wait3A] : memref<100000xf32, #tpu.memory_space<vmem_shared>> -> memref<100000xf32, #tpu.memory_space<vmem_shared>>
        tpu.wait_indirect_dma semaphore(%arg32 : memref<!tpu.dma_semaphore, #tpu.memory_space<semaphore_mem>>) src(%dma_wait3A_112 : memref<100000xf32, #tpu.memory_space<vmem_shared>>) dst(%arg23 : memref<1280xf32, #tpu.memory_space<vmem>>)
        %dma_wait3A_113 = arith.constant 0 : i32
        %dma_wait3A_114 = tpu.memref_slice %arg9[%dma_wait3A_113] : memref<100000xf32, #tpu.memory_space<vmem_shared>> -> memref<100000xf32, #tpu.memory_space<vmem_shared>>
        tpu.wait_indirect_dma semaphore(%arg32 : memref<!tpu.dma_semaphore, #tpu.memory_space<semaphore_mem>>) src(%dma_wait3A_114 : memref<100000xf32, #tpu.memory_space<vmem_shared>>) dst(%arg24 : memref<1280xf32, #tpu.memory_space<vmem>>)
        %dma_wait3A_115 = arith.constant 0 : i32
        %dma_wait3A_116 = tpu.memref_slice %arg10[%dma_wait3A_115] : memref<100000xf32, #tpu.memory_space<vmem_shared>> -> memref<100000xf32, #tpu.memory_space<vmem_shared>>
        tpu.wait_indirect_dma semaphore(%arg32 : memref<!tpu.dma_semaphore, #tpu.memory_space<semaphore_mem>>) src(%dma_wait3A_116 : memref<100000xf32, #tpu.memory_space<vmem_shared>>) dst(%arg25 : memref<1280xf32, #tpu.memory_space<vmem>>)
        %dma_wait3A_117 = arith.constant 0 : i32
        %dma_wait3A_118 = tpu.memref_slice %arg8[%dma_wait3A_117] : memref<100000xf32, #tpu.memory_space<vmem_shared>> -> memref<100000xf32, #tpu.memory_space<vmem_shared>>
        tpu.wait_indirect_dma semaphore(%arg32 : memref<!tpu.dma_semaphore, #tpu.memory_space<semaphore_mem>>) src(%dma_wait3A_118 : memref<100000xf32, #tpu.memory_space<vmem_shared>>) dst(%arg26 : memref<1280xf32, #tpu.memory_space<vmem>>)
        %dma_wait3A_119 = arith.constant 0 : i32
        %dma_wait3A_120 = tpu.memref_slice %arg9[%dma_wait3A_119] : memref<100000xf32, #tpu.memory_space<vmem_shared>> -> memref<100000xf32, #tpu.memory_space<vmem_shared>>
        tpu.wait_indirect_dma semaphore(%arg32 : memref<!tpu.dma_semaphore, #tpu.memory_space<semaphore_mem>>) src(%dma_wait3A_120 : memref<100000xf32, #tpu.memory_space<vmem_shared>>) dst(%arg27 : memref<1280xf32, #tpu.memory_space<vmem>>)
        %dma_wait3A_121 = arith.constant 0 : i32
        %dma_wait3A_122 = tpu.memref_slice %arg10[%dma_wait3A_121] : memref<100000xf32, #tpu.memory_space<vmem_shared>> -> memref<100000xf32, #tpu.memory_space<vmem_shared>>
        tpu.wait_indirect_dma semaphore(%arg32 : memref<!tpu.dma_semaphore, #tpu.memory_space<semaphore_mem>>) src(%dma_wait3A_122 : memref<100000xf32, #tpu.memory_space<vmem_shared>>) dst(%arg28 : memref<1280xf32, #tpu.memory_space<vmem>>)
        %add3A_123 = arith.constant 2 : i32
        %add3A_124 = arith.addi %add3A_101, %add3A_123 : i32
        %mul3A_125 = arith.constant 32 : i32
        %mul3A_126 = arith.muli %add3A_124, %mul3A_125 : i32
        %add3A_127 = arith.addi %mul3A_126, %add3A : i32
        %lt3A_128 = arith.constant 2500 : i32
        %lt3A_129 = arith.cmpi slt, %add3A_127, %lt3A_128 : i32
        %convert_element_type3A_130 = arith.extui %lt3A_129 : i1 to i32
        %cond3A_131 = arith.constant 0 : i32
        %cond3A_132 = arith.cmpi ne, %convert_element_type3A_130, %cond3A_131 : i32
        scf.if %cond3A_132 {
          %mul3A_148 = arith.constant 1280 : i32
          %mul3A_149 = arith.muli %add3A_127, %mul3A_148 : i32
          %dma_start3A_150 = tpu.memref_slice %arg5[%mul3A_149] : memref<3200000xi32, #tpu.memory_space<hbm>> -> memref<1280xi32, #tpu.memory_space<hbm>>
          %dma_start3A_151 = tpu.memref_slice %arg5[%mul3A_149] : memref<3200000xi32, #tpu.memory_space<hbm>> -> memref<1280xi32, #tpu.memory_space<hbm>>
          tpu.enqueue_dma source(%dma_start3A_151 : memref<1280xi32, #tpu.memory_space<hbm>>) target(%arg21 : memref<1280xi32, #tpu.memory_space<vmem>>) target_semaphore(%arg36 : memref<!tpu.dma_semaphore, #tpu.memory_space<semaphore_mem>>)
          %dma_start3A_152 = tpu.memref_slice %arg6[%mul3A_149] : memref<3200000xi32, #tpu.memory_space<hbm>> -> memref<1280xi32, #tpu.memory_space<hbm>>
          %dma_start3A_153 = tpu.memref_slice %arg6[%mul3A_149] : memref<3200000xi32, #tpu.memory_space<hbm>> -> memref<1280xi32, #tpu.memory_space<hbm>>
          tpu.enqueue_dma source(%dma_start3A_153 : memref<1280xi32, #tpu.memory_space<hbm>>) target(%arg22 : memref<1280xi32, #tpu.memory_space<vmem>>) target_semaphore(%arg36 : memref<!tpu.dma_semaphore, #tpu.memory_space<semaphore_mem>>)
        } else {
        }
        %scan3A_133 = arith.constant 0 : i32
        %scan3A_134 = arith.constant 0 : i32
        %scan3A_135 = arith.constant 20 : i32
        %scan3A_136 = arith.addi %scan3A_134, %scan3A_135 : i32
        %scan3A_137 = arith.constant 1 : i32
        scf.for %scan3A_148 = %scan3A_134 to %scan3A_136 step %scan3A_137  : i32 {
          %mul3A_149 = arith.constant 4 : i32
          %mul3A_150 = arith.muli %scan3A_148, %mul3A_149 : i32
          %add3A_151 = arith.constant 0 : i32
          %add3A_152 = arith.addi %mul3A_150, %add3A_151 : i32
          %mul3A_153 = arith.constant 16 : i32
          %mul3A_154 = arith.muli %add3A_152, %mul3A_153 : i32
          %get3A = arith.index_cast %mul3A_154 : i32 to index
          %get3A_155 = tpu.vector_load %arg23[%get3A] {strides = array<i32>} : memref<1280xf32, #tpu.memory_space<vmem>>, vector<16xf32>,
          %get3A_156 = arith.index_cast %mul3A_154 : i32 to index
          %get3A_157 = tpu.vector_load %arg26[%get3A_156] {strides = array<i32>} : memref<1280xf32, #tpu.memory_space<vmem>>, vector<16xf32>,
          %sub3A_158 = arith.subf %get3A_155, %get3A_157 : vector<16xf32>
          %get3A_159 = arith.index_cast %mul3A_154 : i32 to index
          %get3A_160 = tpu.vector_load %arg24[%get3A_159] {strides = array<i32>} : memref<1280xf32, #tpu.memory_space<vmem>>, vector<16xf32>,
          %get3A_161 = arith.index_cast %mul3A_154 : i32 to index
          %get3A_162 = tpu.vector_load %arg27[%get3A_161] {strides = array<i32>} : memref<1280xf32, #tpu.memory_space<vmem>>, vector<16xf32>,
          %sub3A_163 = arith.subf %get3A_160, %get3A_162 : vector<16xf32>
          %get3A_164 = arith.index_cast %mul3A_154 : i32 to index
          %get3A_165 = tpu.vector_load %arg25[%get3A_164] {strides = array<i32>} : memref<1280xf32, #tpu.memory_space<vmem>>, vector<16xf32>,
          %get3A_166 = arith.index_cast %mul3A_154 : i32 to index
          %get3A_167 = tpu.vector_load %arg28[%get3A_166] {strides = array<i32>} : memref<1280xf32, #tpu.memory_space<vmem>>, vector<16xf32>,
          %sub3A_168 = arith.subf %get3A_165, %get3A_167 : vector<16xf32>
          %mul3A_169 = arith.mulf %sub3A_158, %sub3A_158 : vector<16xf32>
          %mul3A_170 = arith.mulf %sub3A_163, %sub3A_163 : vector<16xf32>
          %add3A_171 = arith.addf %mul3A_169, %mul3A_170 : vector<16xf32>
          %mul3A_172 = arith.mulf %sub3A_168, %sub3A_168 : vector<16xf32>
          %add3A_173 = arith.addf %add3A_171, %mul3A_172 : vector<16xf32>
          %max3A = arith.constant 1.000000e-30 : f32
          %max3A_174 = vector.broadcast %max3A : f32 to vector<16xf32>
          %max3A_175 = arith.maximumf %add3A_173, %max3A_174 : vector<16xf32>
          %bitcast3A = vector.bitcast %max3A_175 : vector<16xf32> to vector<16xi32>
          %shift_right_arithmetic3A = arith.constant 1 : i32
          %shift_right_arithmetic3A_176 = vector.broadcast %shift_right_arithmetic3A : i32 to vector<16xi32>
          %shift_right_arithmetic3A_177 = arith.shrsi %bitcast3A, %shift_right_arithmetic3A_176 : vector<16xi32>
          %sub3A_178 = arith.constant 1597463007 : i32
          %sub3A_179 = vector.broadcast %sub3A_178 : i32 to vector<16xi32>
          %sub3A_180 = arith.subi %sub3A_179, %shift_right_arithmetic3A_177 : vector<16xi32>
          %bitcast3A_181 = vector.bitcast %sub3A_180 : vector<16xi32> to vector<16xf32>
          %mul3A_182 = arith.constant 5.000000e-01 : f32
          %mul3A_183 = vector.broadcast %mul3A_182 : f32 to vector<16xf32>
          %mul3A_184 = arith.mulf %mul3A_183, %max3A_175 : vector<16xf32>
          %mul3A_185 = arith.mulf %mul3A_184, %bitcast3A_181 : vector<16xf32>
          %mul3A_186 = arith.mulf %mul3A_185, %bitcast3A_181 : vector<16xf32>
          %sub3A_187 = arith.constant 1.500000e+00 : f32
          %sub3A_188 = vector.broadcast %sub3A_187 : f32 to vector<16xf32>
          %sub3A_189 = arith.subf %sub3A_188, %mul3A_186 : vector<16xf32>
          %mul3A_190 = arith.mulf %bitcast3A_181, %sub3A_189 : vector<16xf32>
          %mul3A_191 = arith.constant 5.000000e-01 : f32
          %mul3A_192 = vector.broadcast %mul3A_191 : f32 to vector<16xf32>
          %mul3A_193 = arith.mulf %mul3A_192, %max3A_175 : vector<16xf32>
          %mul3A_194 = arith.mulf %mul3A_193, %mul3A_190 : vector<16xf32>
          %mul3A_195 = arith.mulf %mul3A_194, %mul3A_190 : vector<16xf32>
          %sub3A_196 = arith.constant 1.500000e+00 : f32
          %sub3A_197 = vector.broadcast %sub3A_196 : f32 to vector<16xf32>
          %sub3A_198 = arith.subf %sub3A_197, %mul3A_195 : vector<16xf32>
          %mul3A_199 = arith.mulf %mul3A_190, %sub3A_198 : vector<16xf32>
          %mul3A_200 = arith.constant 5.000000e-01 : f32
          %mul3A_201 = vector.broadcast %mul3A_200 : f32 to vector<16xf32>
          %mul3A_202 = arith.mulf %mul3A_201, %max3A_175 : vector<16xf32>
          %mul3A_203 = arith.mulf %mul3A_202, %mul3A_199 : vector<16xf32>
          %mul3A_204 = arith.mulf %mul3A_203, %mul3A_199 : vector<16xf32>
          %sub3A_205 = arith.constant 1.500000e+00 : f32
          %sub3A_206 = vector.broadcast %sub3A_205 : f32 to vector<16xf32>
          %sub3A_207 = arith.subf %sub3A_206, %mul3A_204 : vector<16xf32>
          %mul3A_208 = arith.mulf %mul3A_199, %sub3A_207 : vector<16xf32>
          %mul3A_209 = arith.mulf %max3A_175, %mul3A_208 : vector<16xf32>
          %shift_right_arithmetic3A_210 = arith.constant 3 : i32
          %shift_right_arithmetic3A_211 = arith.shrsi %add3A_152, %shift_right_arithmetic3A_210 : i32
          %mul3A_212 = arith.constant 1024 : i32
          %mul3A_213 = arith.muli %shift_right_arithmetic3A_211, %mul3A_212 : i32
          %and3A_214 = arith.constant 7 : i32
          %and3A_215 = arith.andi %add3A_152, %and3A_214 : i32
          %mul3A_216 = arith.constant 16 : i32
          %mul3A_217 = arith.muli %and3A_215, %mul3A_216 : i32
          %add3A_218 = arith.addi %mul3A_213, %mul3A_217 : i32
          %sub3A_219 = arith.constant 0.000000e+00 : f32
          %sub3A_220 = vector.broadcast %sub3A_219 : f32 to vector<16xf32>
          %sub3A_221 = arith.subf %mul3A_209, %sub3A_220 : vector<16xf32>
          %mul3A_222 = arith.mulf %sub3A_221, %sub3A_221 : vector<16xf32>
          %mul3A_223 = arith.constant -4.500000e+00 : f32
          %mul3A_224 = vector.broadcast %mul3A_223 : f32 to vector<16xf32>
          %mul3A_225 = arith.mulf %mul3A_222, %mul3A_224 : vector<16xf32>
          %exp3A = math.exp %mul3A_225 : vector<16xf32>
          %add3A_226 = arith.constant 0 : i32
          %add3A_227 = arith.addi %add3A_218, %add3A_226 : i32
          %swap3A = arith.index_cast %add3A_227 : i32 to index
          %swap3A_228 = tpu.vector_load %arg29[%swap3A] {strides = array<i32>} : memref<10240xf32, #tpu.memory_space<vmem>>, vector<16xf32>,
          tpu.vector_store %arg29[%swap3A], %exp3A {strides = array<i32>} : memref<10240xf32, #tpu.memory_space<vmem>>, vector<16xf32>,
          %sub3A_229 = arith.constant 0.333333343 : f32
          %sub3A_230 = vector.broadcast %sub3A_229 : f32 to vector<16xf32>
          %sub3A_231 = arith.subf %mul3A_209, %sub3A_230 : vector<16xf32>
          %mul3A_232 = arith.mulf %sub3A_231, %sub3A_231 : vector<16xf32>
          %mul3A_233 = arith.constant -4.500000e+00 : f32
          %mul3A_234 = vector.broadcast %mul3A_233 : f32 to vector<16xf32>
          %mul3A_235 = arith.mulf %mul3A_232, %mul3A_234 : vector<16xf32>
          %exp3A_236 = math.exp %mul3A_235 : vector<16xf32>
          %add3A_237 = arith.constant 128 : i32
          %add3A_238 = arith.addi %add3A_218, %add3A_237 : i32
          %swap3A_239 = arith.index_cast %add3A_238 : i32 to index
          %swap3A_240 = tpu.vector_load %arg29[%swap3A_239] {strides = array<i32>} : memref<10240xf32, #tpu.memory_space<vmem>>, vector<16xf32>,
          tpu.vector_store %arg29[%swap3A_239], %exp3A_236 {strides = array<i32>} : memref<10240xf32, #tpu.memory_space<vmem>>, vector<16xf32>,
          %sub3A_241 = arith.constant 0.666666686 : f32
          %sub3A_242 = vector.broadcast %sub3A_241 : f32 to vector<16xf32>
          %sub3A_243 = arith.subf %mul3A_209, %sub3A_242 : vector<16xf32>
          %mul3A_244 = arith.mulf %sub3A_243, %sub3A_243 : vector<16xf32>
          %mul3A_245 = arith.constant -4.500000e+00 : f32
          %mul3A_246 = vector.broadcast %mul3A_245 : f32 to vector<16xf32>
          %mul3A_247 = arith.mulf %mul3A_244, %mul3A_246 : vector<16xf32>
          %exp3A_248 = math.exp %mul3A_247 : vector<16xf32>
          %add3A_249 = arith.constant 256 : i32
          %add3A_250 = arith.addi %add3A_218, %add3A_249 : i32
          %swap3A_251 = arith.index_cast %add3A_250 : i32 to index
          %swap3A_252 = tpu.vector_load %arg29[%swap3A_251] {strides = array<i32>} : memref<10240xf32, #tpu.memory_space<vmem>>, vector<16xf32>,
          tpu.vector_store %arg29[%swap3A_251], %exp3A_248 {strides = array<i32>} : memref<10240xf32, #tpu.memory_space<vmem>>, vector<16xf32>,
          %sub3A_253 = arith.constant 1.000000e+00 : f32
          %sub3A_254 = vector.broadcast %sub3A_253 : f32 to vector<16xf32>
          %sub3A_255 = arith.subf %mul3A_209, %sub3A_254 : vector<16xf32>
          %mul3A_256 = arith.mulf %sub3A_255, %sub3A_255 : vector<16xf32>
          %mul3A_257 = arith.constant -4.500000e+00 : f32
          %mul3A_258 = vector.broadcast %mul3A_257 : f32 to vector<16xf32>
          %mul3A_259 = arith.mulf %mul3A_256, %mul3A_258 : vector<16xf32>
          %exp3A_260 = math.exp %mul3A_259 : vector<16xf32>
          %add3A_261 = arith.constant 384 : i32
          %add3A_262 = arith.addi %add3A_218, %add3A_261 : i32
          %swap3A_263 = arith.index_cast %add3A_262 : i32 to index
          %swap3A_264 = tpu.vector_load %arg29[%swap3A_263] {strides = array<i32>} : memref<10240xf32, #tpu.memory_space<vmem>>, vector<16xf32>,
          tpu.vector_store %arg29[%swap3A_263], %exp3A_260 {strides = array<i32>} : memref<10240xf32, #tpu.memory_space<vmem>>, vector<16xf32>,
          %sub3A_265 = arith.constant 1.33333337 : f32
          %sub3A_266 = vector.broadcast %sub3A_265 : f32 to vector<16xf32>
          %sub3A_267 = arith.subf %mul3A_209, %sub3A_266 : vector<16xf32>
          %mul3A_268 = arith.mulf %sub3A_267, %sub3A_267 : vector<16xf32>
          %mul3A_269 = arith.constant -4.500000e+00 : f32
          %mul3A_270 = vector.broadcast %mul3A_269 : f32 to vector<16xf32>
          %mul3A_271 = arith.mulf %mul3A_268, %mul3A_270 : vector<16xf32>
          %exp3A_272 = math.exp %mul3A_271 : vector<16xf32>
          %add3A_273 = arith.constant 512 : i32
          %add3A_274 = arith.addi %add3A_218, %add3A_273 : i32
          %swap3A_275 = arith.index_cast %add3A_274 : i32 to index
          %swap3A_276 = tpu.vector_load %arg29[%swap3A_275] {strides = array<i32>} : memref<10240xf32, #tpu.memory_space<vmem>>, vector<16xf32>,
          tpu.vector_store %arg29[%swap3A_275], %exp3A_272 {strides = array<i32>} : memref<10240xf32, #tpu.memory_space<vmem>>, vector<16xf32>,
          %sub3A_277 = arith.constant 1.66666663 : f32
          %sub3A_278 = vector.broadcast %sub3A_277 : f32 to vector<16xf32>
          %sub3A_279 = arith.subf %mul3A_209, %sub3A_278 : vector<16xf32>
          %mul3A_280 = arith.mulf %sub3A_279, %sub3A_279 : vector<16xf32>
          %mul3A_281 = arith.constant -4.500000e+00 : f32
          %mul3A_282 = vector.broadcast %mul3A_281 : f32 to vector<16xf32>
          %mul3A_283 = arith.mulf %mul3A_280, %mul3A_282 : vector<16xf32>
          %exp3A_284 = math.exp %mul3A_283 : vector<16xf32>
          %add3A_285 = arith.constant 640 : i32
          %add3A_286 = arith.addi %add3A_218, %add3A_285 : i32
          %swap3A_287 = arith.index_cast %add3A_286 : i32 to index
          %swap3A_288 = tpu.vector_load %arg29[%swap3A_287] {strides = array<i32>} : memref<10240xf32, #tpu.memory_space<vmem>>, vector<16xf32>,
          tpu.vector_store %arg29[%swap3A_287], %exp3A_284 {strides = array<i32>} : memref<10240xf32, #tpu.memory_space<vmem>>, vector<16xf32>,
          %sub3A_289 = arith.constant 2.000000e+00 : f32
          %sub3A_290 = vector.broadcast %sub3A_289 : f32 to vector<16xf32>
          %sub3A_291 = arith.subf %mul3A_209, %sub3A_290 : vector<16xf32>
          %mul3A_292 = arith.mulf %sub3A_291, %sub3A_291 : vector<16xf32>
          %mul3A_293 = arith.constant -4.500000e+00 : f32
          %mul3A_294 = vector.broadcast %mul3A_293 : f32 to vector<16xf32>
          %mul3A_295 = arith.mulf %mul3A_292, %mul3A_294 : vector<16xf32>
          %exp3A_296 = math.exp %mul3A_295 : vector<16xf32>
          %add3A_297 = arith.constant 768 : i32
          %add3A_298 = arith.addi %add3A_218, %add3A_297 : i32
          %swap3A_299 = arith.index_cast %add3A_298 : i32 to index
          %swap3A_300 = tpu.vector_load %arg29[%swap3A_299] {strides = array<i32>} : memref<10240xf32, #tpu.memory_space<vmem>>, vector<16xf32>,
          tpu.vector_store %arg29[%swap3A_299], %exp3A_296 {strides = array<i32>} : memref<10240xf32, #tpu.memory_space<vmem>>, vector<16xf32>,
          %sub3A_301 = arith.constant 2.33333325 : f32
          %sub3A_302 = vector.broadcast %sub3A_301 : f32 to vector<16xf32>
          %sub3A_303 = arith.subf %mul3A_209, %sub3A_302 : vector<16xf32>
          %mul3A_304 = arith.mulf %sub3A_303, %sub3A_303 : vector<16xf32>
          %mul3A_305 = arith.constant -4.500000e+00 : f32
          %mul3A_306 = vector.broadcast %mul3A_305 : f32 to vector<16xf32>
          %mul3A_307 = arith.mulf %mul3A_304, %mul3A_306 : vector<16xf32>
          %exp3A_308 = math.exp %mul3A_307 : vector<16xf32>
          %add3A_309 = arith.constant 896 : i32
          %add3A_310 = arith.addi %add3A_218, %add3A_309 : i32
          %swap3A_311 = arith.index_cast %add3A_310 : i32 to index
          %swap3A_312 = tpu.vector_load %arg29[%swap3A_311] {strides = array<i32>} : memref<10240xf32, #tpu.memory_space<vmem>>, vector<16xf32>,
          tpu.vector_store %arg29[%swap3A_311], %exp3A_308 {strides = array<i32>} : memref<10240xf32, #tpu.memory_space<vmem>>, vector<16xf32>,
          %sub3A_313 = arith.constant 2.66666675 : f32
          %sub3A_314 = vector.broadcast %sub3A_313 : f32 to vector<16xf32>
          %sub3A_315 = arith.subf %mul3A_209, %sub3A_314 : vector<16xf32>
          %mul3A_316 = arith.mulf %sub3A_315, %sub3A_315 : vector<16xf32>
          %mul3A_317 = arith.constant -4.500000e+00 : f32
          %mul3A_318 = vector.broadcast %mul3A_317 : f32 to vector<16xf32>
          %mul3A_319 = arith.mulf %mul3A_316, %mul3A_318 : vector<16xf32>
          %exp3A_320 = math.exp %mul3A_319 : vector<16xf32>
          %add3A_321 = arith.constant 0 : i32
          %add3A_322 = arith.addi %add3A_218, %add3A_321 : i32
          %swap3A_323 = arith.index_cast %add3A_322 : i32 to index
          %swap3A_324 = tpu.vector_load %arg30[%swap3A_323] {strides = array<i32>} : memref<10240xf32, #tpu.memory_space<vmem>>, vector<16xf32>,
          tpu.vector_store %arg30[%swap3A_323], %exp3A_320 {strides = array<i32>} : memref<10240xf32, #tpu.memory_space<vmem>>, vector<16xf32>,
          %sub3A_325 = arith.constant 3.000000e+00 : f32
          %sub3A_326 = vector.broadcast %sub3A_325 : f32 to vector<16xf32>
          %sub3A_327 = arith.subf %mul3A_209, %sub3A_326 : vector<16xf32>
          %mul3A_328 = arith.mulf %sub3A_327, %sub3A_327 : vector<16xf32>
          %mul3A_329 = arith.constant -4.500000e+00 : f32
          %mul3A_330 = vector.broadcast %mul3A_329 : f32 to vector<16xf32>
          %mul3A_331 = arith.mulf %mul3A_328, %mul3A_330 : vector<16xf32>
          %exp3A_332 = math.exp %mul3A_331 : vector<16xf32>
          %add3A_333 = arith.constant 128 : i32
          %add3A_334 = arith.addi %add3A_218, %add3A_333 : i32
          %swap3A_335 = arith.index_cast %add3A_334 : i32 to index
          %swap3A_336 = tpu.vector_load %arg30[%swap3A_335] {strides = array<i32>} : memref<10240xf32, #tpu.memory_space<vmem>>, vector<16xf32>,
          tpu.vector_store %arg30[%swap3A_335], %exp3A_332 {strides = array<i32>} : memref<10240xf32, #tpu.memory_space<vmem>>, vector<16xf32>,
          %sub3A_337 = arith.constant 3.33333325 : f32
          %sub3A_338 = vector.broadcast %sub3A_337 : f32 to vector<16xf32>
          %sub3A_339 = arith.subf %mul3A_209, %sub3A_338 : vector<16xf32>
          %mul3A_340 = arith.mulf %sub3A_339, %sub3A_339 : vector<16xf32>
          %mul3A_341 = arith.constant -4.500000e+00 : f32
          %mul3A_342 = vector.broadcast %mul3A_341 : f32 to vector<16xf32>
          %mul3A_343 = arith.mulf %mul3A_340, %mul3A_342 : vector<16xf32>
          %exp3A_344 = math.exp %mul3A_343 : vector<16xf32>
          %add3A_345 = arith.constant 256 : i32
          %add3A_346 = arith.addi %add3A_218, %add3A_345 : i32
          %swap3A_347 = arith.index_cast %add3A_346 : i32 to index
          %swap3A_348 = tpu.vector_load %arg30[%swap3A_347] {strides = array<i32>} : memref<10240xf32, #tpu.memory_space<vmem>>, vector<16xf32>,
          tpu.vector_store %arg30[%swap3A_347], %exp3A_344 {strides = array<i32>} : memref<10240xf32, #tpu.memory_space<vmem>>, vector<16xf32>,
          %sub3A_349 = arith.constant 3.66666675 : f32
          %sub3A_350 = vector.broadcast %sub3A_349 : f32 to vector<16xf32>
          %sub3A_351 = arith.subf %mul3A_209, %sub3A_350 : vector<16xf32>
          %mul3A_352 = arith.mulf %sub3A_351, %sub3A_351 : vector<16xf32>
          %mul3A_353 = arith.constant -4.500000e+00 : f32
          %mul3A_354 = vector.broadcast %mul3A_353 : f32 to vector<16xf32>
          %mul3A_355 = arith.mulf %mul3A_352, %mul3A_354 : vector<16xf32>
          %exp3A_356 = math.exp %mul3A_355 : vector<16xf32>
          %add3A_357 = arith.constant 384 : i32
          %add3A_358 = arith.addi %add3A_218, %add3A_357 : i32
          %swap3A_359 = arith.index_cast %add3A_358 : i32 to index
          %swap3A_360 = tpu.vector_load %arg30[%swap3A_359] {strides = array<i32>} : memref<10240xf32, #tpu.memory_space<vmem>>, vector<16xf32>,
          tpu.vector_store %arg30[%swap3A_359], %exp3A_356 {strides = array<i32>} : memref<10240xf32, #tpu.memory_space<vmem>>, vector<16xf32>,
          %sub3A_361 = arith.constant 4.000000e+00 : f32
          %sub3A_362 = vector.broadcast %sub3A_361 : f32 to vector<16xf32>
          %sub3A_363 = arith.subf %mul3A_209, %sub3A_362 : vector<16xf32>
          %mul3A_364 = arith.mulf %sub3A_363, %sub3A_363 : vector<16xf32>
          %mul3A_365 = arith.constant -4.500000e+00 : f32
          %mul3A_366 = vector.broadcast %mul3A_365 : f32 to vector<16xf32>
          %mul3A_367 = arith.mulf %mul3A_364, %mul3A_366 : vector<16xf32>
          %exp3A_368 = math.exp %mul3A_367 : vector<16xf32>
          %add3A_369 = arith.constant 512 : i32
          %add3A_370 = arith.addi %add3A_218, %add3A_369 : i32
          %swap3A_371 = arith.index_cast %add3A_370 : i32 to index
          %swap3A_372 = tpu.vector_load %arg30[%swap3A_371] {strides = array<i32>} : memref<10240xf32, #tpu.memory_space<vmem>>, vector<16xf32>,
          tpu.vector_store %arg30[%swap3A_371], %exp3A_368 {strides = array<i32>} : memref<10240xf32, #tpu.memory_space<vmem>>, vector<16xf32>,
          %sub3A_373 = arith.constant 4.33333349 : f32
          %sub3A_374 = vector.broadcast %sub3A_373 : f32 to vector<16xf32>
          %sub3A_375 = arith.subf %mul3A_209, %sub3A_374 : vector<16xf32>
          %mul3A_376 = arith.mulf %sub3A_375, %sub3A_375 : vector<16xf32>
          %mul3A_377 = arith.constant -4.500000e+00 : f32
          %mul3A_378 = vector.broadcast %mul3A_377 : f32 to vector<16xf32>
          %mul3A_379 = arith.mulf %mul3A_376, %mul3A_378 : vector<16xf32>
          %exp3A_380 = math.exp %mul3A_379 : vector<16xf32>
          %add3A_381 = arith.constant 640 : i32
          %add3A_382 = arith.addi %add3A_218, %add3A_381 : i32
          %swap3A_383 = arith.index_cast %add3A_382 : i32 to index
          %swap3A_384 = tpu.vector_load %arg30[%swap3A_383] {strides = array<i32>} : memref<10240xf32, #tpu.memory_space<vmem>>, vector<16xf32>,
          tpu.vector_store %arg30[%swap3A_383], %exp3A_380 {strides = array<i32>} : memref<10240xf32, #tpu.memory_space<vmem>>, vector<16xf32>,
          %sub3A_385 = arith.constant 4.66666651 : f32
          %sub3A_386 = vector.broadcast %sub3A_385 : f32 to vector<16xf32>
          %sub3A_387 = arith.subf %mul3A_209, %sub3A_386 : vector<16xf32>
          %mul3A_388 = arith.mulf %sub3A_387, %sub3A_387 : vector<16xf32>
          %mul3A_389 = arith.constant -4.500000e+00 : f32
          %mul3A_390 = vector.broadcast %mul3A_389 : f32 to vector<16xf32>
          %mul3A_391 = arith.mulf %mul3A_388, %mul3A_390 : vector<16xf32>
          %exp3A_392 = math.exp %mul3A_391 : vector<16xf32>
          %add3A_393 = arith.constant 768 : i32
          %add3A_394 = arith.addi %add3A_218, %add3A_393 : i32
          %swap3A_395 = arith.index_cast %add3A_394 : i32 to index
          %swap3A_396 = tpu.vector_load %arg30[%swap3A_395] {strides = array<i32>} : memref<10240xf32, #tpu.memory_space<vmem>>, vector<16xf32>,
          tpu.vector_store %arg30[%swap3A_395], %exp3A_392 {strides = array<i32>} : memref<10240xf32, #tpu.memory_space<vmem>>, vector<16xf32>,
          %sub3A_397 = arith.constant 5.000000e+00 : f32
          %sub3A_398 = vector.broadcast %sub3A_397 : f32 to vector<16xf32>
          %sub3A_399 = arith.subf %mul3A_209, %sub3A_398 : vector<16xf32>
          %mul3A_400 = arith.mulf %sub3A_399, %sub3A_399 : vector<16xf32>
          %mul3A_401 = arith.constant -4.500000e+00 : f32
          %mul3A_402 = vector.broadcast %mul3A_401 : f32 to vector<16xf32>
          %mul3A_403 = arith.mulf %mul3A_400, %mul3A_402 : vector<16xf32>
          %exp3A_404 = math.exp %mul3A_403 : vector<16xf32>
          %add3A_405 = arith.constant 896 : i32
          %add3A_406 = arith.addi %add3A_218, %add3A_405 : i32
          %swap3A_407 = arith.index_cast %add3A_406 : i32 to index
          %swap3A_408 = tpu.vector_load %arg30[%swap3A_407] {strides = array<i32>} : memref<10240xf32, #tpu.memory_space<vmem>>, vector<16xf32>,
          tpu.vector_store %arg30[%swap3A_407], %exp3A_404 {strides = array<i32>} : memref<10240xf32, #tpu.memory_space<vmem>>, vector<16xf32>,
          %mul3A_409 = arith.constant 4 : i32
          %mul3A_410 = arith.muli %scan3A_148, %mul3A_409 : i32
          %add3A_411 = arith.constant 1 : i32
          %add3A_412 = arith.addi %mul3A_410, %add3A_411 : i32
          %mul3A_413 = arith.constant 16 : i32
          %mul3A_414 = arith.muli %add3A_412, %mul3A_413 : i32
          %get3A_415 = arith.index_cast %mul3A_414 : i32 to index
          %get3A_416 = tpu.vector_load %arg23[%get3A_415] {strides = array<i32>} : memref<1280xf32, #tpu.memory_space<vmem>>, vector<16xf32>,
          %get3A_417 = arith.index_cast %mul3A_414 : i32 to index
          %get3A_418 = tpu.vector_load %arg26[%get3A_417] {strides = array<i32>} : memref<1280xf32, #tpu.memory_space<vmem>>, vector<16xf32>,
          %sub3A_419 = arith.subf %get3A_416, %get3A_418 : vector<16xf32>
          %get3A_420 = arith.index_cast %mul3A_414 : i32 to index
          %get3A_421 = tpu.vector_load %arg24[%get3A_420] {strides = array<i32>} : memref<1280xf32, #tpu.memory_space<vmem>>, vector<16xf32>,
          %get3A_422 = arith.index_cast %mul3A_414 : i32 to index
          %get3A_423 = tpu.vector_load %arg27[%get3A_422] {strides = array<i32>} : memref<1280xf32, #tpu.memory_space<vmem>>, vector<16xf32>,
          %sub3A_424 = arith.subf %get3A_421, %get3A_423 : vector<16xf32>
          %get3A_425 = arith.index_cast %mul3A_414 : i32 to index
          %get3A_426 = tpu.vector_load %arg25[%get3A_425] {strides = array<i32>} : memref<1280xf32, #tpu.memory_space<vmem>>, vector<16xf32>,
          %get3A_427 = arith.index_cast %mul3A_414 : i32 to index
          %get3A_428 = tpu.vector_load %arg28[%get3A_427] {strides = array<i32>} : memref<1280xf32, #tpu.memory_space<vmem>>, vector<16xf32>,
          %sub3A_429 = arith.subf %get3A_426, %get3A_428 : vector<16xf32>
          %mul3A_430 = arith.mulf %sub3A_419, %sub3A_419 : vector<16xf32>
          %mul3A_431 = arith.mulf %sub3A_424, %sub3A_424 : vector<16xf32>
          %add3A_432 = arith.addf %mul3A_430, %mul3A_431 : vector<16xf32>
          %mul3A_433 = arith.mulf %sub3A_429, %sub3A_429 : vector<16xf32>
          %add3A_434 = arith.addf %add3A_432, %mul3A_433 : vector<16xf32>
          %max3A_435 = arith.constant 1.000000e-30 : f32
          %max3A_436 = vector.broadcast %max3A_435 : f32 to vector<16xf32>
          %max3A_437 = arith.maximumf %add3A_434, %max3A_436 : vector<16xf32>
          %bitcast3A_438 = vector.bitcast %max3A_437 : vector<16xf32> to vector<16xi32>
          %shift_right_arithmetic3A_439 = arith.constant 1 : i32
          %shift_right_arithmetic3A_440 = vector.broadcast %shift_right_arithmetic3A_439 : i32 to vector<16xi32>
          %shift_right_arithmetic3A_441 = arith.shrsi %bitcast3A_438, %shift_right_arithmetic3A_440 : vector<16xi32>
          %sub3A_442 = arith.constant 1597463007 : i32
          %sub3A_443 = vector.broadcast %sub3A_442 : i32 to vector<16xi32>
          %sub3A_444 = arith.subi %sub3A_443, %shift_right_arithmetic3A_441 : vector<16xi32>
          %bitcast3A_445 = vector.bitcast %sub3A_444 : vector<16xi32> to vector<16xf32>
          %mul3A_446 = arith.constant 5.000000e-01 : f32
          %mul3A_447 = vector.broadcast %mul3A_446 : f32 to vector<16xf32>
          %mul3A_448 = arith.mulf %mul3A_447, %max3A_437 : vector<16xf32>
          %mul3A_449 = arith.mulf %mul3A_448, %bitcast3A_445 : vector<16xf32>
          %mul3A_450 = arith.mulf %mul3A_449, %bitcast3A_445 : vector<16xf32>
          %sub3A_451 = arith.constant 1.500000e+00 : f32
          %sub3A_452 = vector.broadcast %sub3A_451 : f32 to vector<16xf32>
          %sub3A_453 = arith.subf %sub3A_452, %mul3A_450 : vector<16xf32>
          %mul3A_454 = arith.mulf %bitcast3A_445, %sub3A_453 : vector<16xf32>
          %mul3A_455 = arith.constant 5.000000e-01 : f32
          %mul3A_456 = vector.broadcast %mul3A_455 : f32 to vector<16xf32>
          %mul3A_457 = arith.mulf %mul3A_456, %max3A_437 : vector<16xf32>
          %mul3A_458 = arith.mulf %mul3A_457, %mul3A_454 : vector<16xf32>
          %mul3A_459 = arith.mulf %mul3A_458, %mul3A_454 : vector<16xf32>
          %sub3A_460 = arith.constant 1.500000e+00 : f32
          %sub3A_461 = vector.broadcast %sub3A_460 : f32 to vector<16xf32>
          %sub3A_462 = arith.subf %sub3A_461, %mul3A_459 : vector<16xf32>
          %mul3A_463 = arith.mulf %mul3A_454, %sub3A_462 : vector<16xf32>
          %mul3A_464 = arith.constant 5.000000e-01 : f32
          %mul3A_465 = vector.broadcast %mul3A_464 : f32 to vector<16xf32>
          %mul3A_466 = arith.mulf %mul3A_465, %max3A_437 : vector<16xf32>
          %mul3A_467 = arith.mulf %mul3A_466, %mul3A_463 : vector<16xf32>
          %mul3A_468 = arith.mulf %mul3A_467, %mul3A_463 : vector<16xf32>
          %sub3A_469 = arith.constant 1.500000e+00 : f32
          %sub3A_470 = vector.broadcast %sub3A_469 : f32 to vector<16xf32>
          %sub3A_471 = arith.subf %sub3A_470, %mul3A_468 : vector<16xf32>
          %mul3A_472 = arith.mulf %mul3A_463, %sub3A_471 : vector<16xf32>
          %mul3A_473 = arith.mulf %max3A_437, %mul3A_472 : vector<16xf32>
          %shift_right_arithmetic3A_474 = arith.constant 3 : i32
          %shift_right_arithmetic3A_475 = arith.shrsi %add3A_412, %shift_right_arithmetic3A_474 : i32
          %mul3A_476 = arith.constant 1024 : i32
          %mul3A_477 = arith.muli %shift_right_arithmetic3A_475, %mul3A_476 : i32
          %and3A_478 = arith.constant 7 : i32
          %and3A_479 = arith.andi %add3A_412, %and3A_478 : i32
          %mul3A_480 = arith.constant 16 : i32
          %mul3A_481 = arith.muli %and3A_479, %mul3A_480 : i32
          %add3A_482 = arith.addi %mul3A_477, %mul3A_481 : i32
          %sub3A_483 = arith.constant 0.000000e+00 : f32
          %sub3A_484 = vector.broadcast %sub3A_483 : f32 to vector<16xf32>
          %sub3A_485 = arith.subf %mul3A_473, %sub3A_484 : vector<16xf32>
          %mul3A_486 = arith.mulf %sub3A_485, %sub3A_485 : vector<16xf32>
          %mul3A_487 = arith.constant -4.500000e+00 : f32
          %mul3A_488 = vector.broadcast %mul3A_487 : f32 to vector<16xf32>
          %mul3A_489 = arith.mulf %mul3A_486, %mul3A_488 : vector<16xf32>
          %exp3A_490 = math.exp %mul3A_489 : vector<16xf32>
          %add3A_491 = arith.constant 0 : i32
          %add3A_492 = arith.addi %add3A_482, %add3A_491 : i32
          %swap3A_493 = arith.index_cast %add3A_492 : i32 to index
          %swap3A_494 = tpu.vector_load %arg29[%swap3A_493] {strides = array<i32>} : memref<10240xf32, #tpu.memory_space<vmem>>, vector<16xf32>,
          tpu.vector_store %arg29[%swap3A_493], %exp3A_490 {strides = array<i32>} : memref<10240xf32, #tpu.memory_space<vmem>>, vector<16xf32>,
          %sub3A_495 = arith.constant 0.333333343 : f32
          %sub3A_496 = vector.broadcast %sub3A_495 : f32 to vector<16xf32>
          %sub3A_497 = arith.subf %mul3A_473, %sub3A_496 : vector<16xf32>
          %mul3A_498 = arith.mulf %sub3A_497, %sub3A_497 : vector<16xf32>
          %mul3A_499 = arith.constant -4.500000e+00 : f32
          %mul3A_500 = vector.broadcast %mul3A_499 : f32 to vector<16xf32>
          %mul3A_501 = arith.mulf %mul3A_498, %mul3A_500 : vector<16xf32>
          %exp3A_502 = math.exp %mul3A_501 : vector<16xf32>
          %add3A_503 = arith.constant 128 : i32
          %add3A_504 = arith.addi %add3A_482, %add3A_503 : i32
          %swap3A_505 = arith.index_cast %add3A_504 : i32 to index
          %swap3A_506 = tpu.vector_load %arg29[%swap3A_505] {strides = array<i32>} : memref<10240xf32, #tpu.memory_space<vmem>>, vector<16xf32>,
          tpu.vector_store %arg29[%swap3A_505], %exp3A_502 {strides = array<i32>} : memref<10240xf32, #tpu.memory_space<vmem>>, vector<16xf32>,
          %sub3A_507 = arith.constant 0.666666686 : f32
          %sub3A_508 = vector.broadcast %sub3A_507 : f32 to vector<16xf32>
          %sub3A_509 = arith.subf %mul3A_473, %sub3A_508 : vector<16xf32>
          %mul3A_510 = arith.mulf %sub3A_509, %sub3A_509 : vector<16xf32>
          %mul3A_511 = arith.constant -4.500000e+00 : f32
          %mul3A_512 = vector.broadcast %mul3A_511 : f32 to vector<16xf32>
          %mul3A_513 = arith.mulf %mul3A_510, %mul3A_512 : vector<16xf32>
          %exp3A_514 = math.exp %mul3A_513 : vector<16xf32>
          %add3A_515 = arith.constant 256 : i32
          %add3A_516 = arith.addi %add3A_482, %add3A_515 : i32
          %swap3A_517 = arith.index_cast %add3A_516 : i32 to index
          %swap3A_518 = tpu.vector_load %arg29[%swap3A_517] {strides = array<i32>} : memref<10240xf32, #tpu.memory_space<vmem>>, vector<16xf32>,
          tpu.vector_store %arg29[%swap3A_517], %exp3A_514 {strides = array<i32>} : memref<10240xf32, #tpu.memory_space<vmem>>, vector<16xf32>,
          %sub3A_519 = arith.constant 1.000000e+00 : f32
          %sub3A_520 = vector.broadcast %sub3A_519 : f32 to vector<16xf32>
          %sub3A_521 = arith.subf %mul3A_473, %sub3A_520 : vector<16xf32>
          %mul3A_522 = arith.mulf %sub3A_521, %sub3A_521 : vector<16xf32>
          %mul3A_523 = arith.constant -4.500000e+00 : f32
          %mul3A_524 = vector.broadcast %mul3A_523 : f32 to vector<16xf32>
          %mul3A_525 = arith.mulf %mul3A_522, %mul3A_524 : vector<16xf32>
          %exp3A_526 = math.exp %mul3A_525 : vector<16xf32>
          %add3A_527 = arith.constant 384 : i32
          %add3A_528 = arith.addi %add3A_482, %add3A_527 : i32
          %swap3A_529 = arith.index_cast %add3A_528 : i32 to index
          %swap3A_530 = tpu.vector_load %arg29[%swap3A_529] {strides = array<i32>} : memref<10240xf32, #tpu.memory_space<vmem>>, vector<16xf32>,
          tpu.vector_store %arg29[%swap3A_529], %exp3A_526 {strides = array<i32>} : memref<10240xf32, #tpu.memory_space<vmem>>, vector<16xf32>,
          %sub3A_531 = arith.constant 1.33333337 : f32
          %sub3A_532 = vector.broadcast %sub3A_531 : f32 to vector<16xf32>
          %sub3A_533 = arith.subf %mul3A_473, %sub3A_532 : vector<16xf32>
          %mul3A_534 = arith.mulf %sub3A_533, %sub3A_533 : vector<16xf32>
          %mul3A_535 = arith.constant -4.500000e+00 : f32
          %mul3A_536 = vector.broadcast %mul3A_535 : f32 to vector<16xf32>
          %mul3A_537 = arith.mulf %mul3A_534, %mul3A_536 : vector<16xf32>
          %exp3A_538 = math.exp %mul3A_537 : vector<16xf32>
          %add3A_539 = arith.constant 512 : i32
          %add3A_540 = arith.addi %add3A_482, %add3A_539 : i32
          %swap3A_541 = arith.index_cast %add3A_540 : i32 to index
          %swap3A_542 = tpu.vector_load %arg29[%swap3A_541] {strides = array<i32>} : memref<10240xf32, #tpu.memory_space<vmem>>, vector<16xf32>,
          tpu.vector_store %arg29[%swap3A_541], %exp3A_538 {strides = array<i32>} : memref<10240xf32, #tpu.memory_space<vmem>>, vector<16xf32>,
          %sub3A_543 = arith.constant 1.66666663 : f32
          %sub3A_544 = vector.broadcast %sub3A_543 : f32 to vector<16xf32>
          %sub3A_545 = arith.subf %mul3A_473, %sub3A_544 : vector<16xf32>
          %mul3A_546 = arith.mulf %sub3A_545, %sub3A_545 : vector<16xf32>
          %mul3A_547 = arith.constant -4.500000e+00 : f32
          %mul3A_548 = vector.broadcast %mul3A_547 : f32 to vector<16xf32>
          %mul3A_549 = arith.mulf %mul3A_546, %mul3A_548 : vector<16xf32>
          %exp3A_550 = math.exp %mul3A_549 : vector<16xf32>
          %add3A_551 = arith.constant 640 : i32
          %add3A_552 = arith.addi %add3A_482, %add3A_551 : i32
          %swap3A_553 = arith.index_cast %add3A_552 : i32 to index
          %swap3A_554 = tpu.vector_load %arg29[%swap3A_553] {strides = array<i32>} : memref<10240xf32, #tpu.memory_space<vmem>>, vector<16xf32>,
          tpu.vector_store %arg29[%swap3A_553], %exp3A_550 {strides = array<i32>} : memref<10240xf32, #tpu.memory_space<vmem>>, vector<16xf32>,
          %sub3A_555 = arith.constant 2.000000e+00 : f32
          %sub3A_556 = vector.broadcast %sub3A_555 : f32 to vector<16xf32>
          %sub3A_557 = arith.subf %mul3A_473, %sub3A_556 : vector<16xf32>
          %mul3A_558 = arith.mulf %sub3A_557, %sub3A_557 : vector<16xf32>
          %mul3A_559 = arith.constant -4.500000e+00 : f32
          %mul3A_560 = vector.broadcast %mul3A_559 : f32 to vector<16xf32>
          %mul3A_561 = arith.mulf %mul3A_558, %mul3A_560 : vector<16xf32>
          %exp3A_562 = math.exp %mul3A_561 : vector<16xf32>
          %add3A_563 = arith.constant 768 : i32
          %add3A_564 = arith.addi %add3A_482, %add3A_563 : i32
          %swap3A_565 = arith.index_cast %add3A_564 : i32 to index
          %swap3A_566 = tpu.vector_load %arg29[%swap3A_565] {strides = array<i32>} : memref<10240xf32, #tpu.memory_space<vmem>>, vector<16xf32>,
          tpu.vector_store %arg29[%swap3A_565], %exp3A_562 {strides = array<i32>} : memref<10240xf32, #tpu.memory_space<vmem>>, vector<16xf32>,
          %sub3A_567 = arith.constant 2.33333325 : f32
          %sub3A_568 = vector.broadcast %sub3A_567 : f32 to vector<16xf32>
          %sub3A_569 = arith.subf %mul3A_473, %sub3A_568 : vector<16xf32>
          %mul3A_570 = arith.mulf %sub3A_569, %sub3A_569 : vector<16xf32>
          %mul3A_571 = arith.constant -4.500000e+00 : f32
          %mul3A_572 = vector.broadcast %mul3A_571 : f32 to vector<16xf32>
          %mul3A_573 = arith.mulf %mul3A_570, %mul3A_572 : vector<16xf32>
          %exp3A_574 = math.exp %mul3A_573 : vector<16xf32>
          %add3A_575 = arith.constant 896 : i32
          %add3A_576 = arith.addi %add3A_482, %add3A_575 : i32
          %swap3A_577 = arith.index_cast %add3A_576 : i32 to index
          %swap3A_578 = tpu.vector_load %arg29[%swap3A_577] {strides = array<i32>} : memref<10240xf32, #tpu.memory_space<vmem>>, vector<16xf32>,
          tpu.vector_store %arg29[%swap3A_577], %exp3A_574 {strides = array<i32>} : memref<10240xf32, #tpu.memory_space<vmem>>, vector<16xf32>,
          %sub3A_579 = arith.constant 2.66666675 : f32
          %sub3A_580 = vector.broadcast %sub3A_579 : f32 to vector<16xf32>
          %sub3A_581 = arith.subf %mul3A_473, %sub3A_580 : vector<16xf32>
          %mul3A_582 = arith.mulf %sub3A_581, %sub3A_581 : vector<16xf32>
          %mul3A_583 = arith.constant -4.500000e+00 : f32
          %mul3A_584 = vector.broadcast %mul3A_583 : f32 to vector<16xf32>
          %mul3A_585 = arith.mulf %mul3A_582, %mul3A_584 : vector<16xf32>
          %exp3A_586 = math.exp %mul3A_585 : vector<16xf32>
          %add3A_587 = arith.constant 0 : i32
          %add3A_588 = arith.addi %add3A_482, %add3A_587 : i32
          %swap3A_589 = arith.index_cast %add3A_588 : i32 to index
          %swap3A_590 = tpu.vector_load %arg30[%swap3A_589] {strides = array<i32>} : memref<10240xf32, #tpu.memory_space<vmem>>, vector<16xf32>,
          tpu.vector_store %arg30[%swap3A_589], %exp3A_586 {strides = array<i32>} : memref<10240xf32, #tpu.memory_space<vmem>>, vector<16xf32>,
          %sub3A_591 = arith.constant 3.000000e+00 : f32
          %sub3A_592 = vector.broadcast %sub3A_591 : f32 to vector<16xf32>
          %sub3A_593 = arith.subf %mul3A_473, %sub3A_592 : vector<16xf32>
          %mul3A_594 = arith.mulf %sub3A_593, %sub3A_593 : vector<16xf32>
          %mul3A_595 = arith.constant -4.500000e+00 : f32
          %mul3A_596 = vector.broadcast %mul3A_595 : f32 to vector<16xf32>
          %mul3A_597 = arith.mulf %mul3A_594, %mul3A_596 : vector<16xf32>
          %exp3A_598 = math.exp %mul3A_597 : vector<16xf32>
          %add3A_599 = arith.constant 128 : i32
          %add3A_600 = arith.addi %add3A_482, %add3A_599 : i32
          %swap3A_601 = arith.index_cast %add3A_600 : i32 to index
          %swap3A_602 = tpu.vector_load %arg30[%swap3A_601] {strides = array<i32>} : memref<10240xf32, #tpu.memory_space<vmem>>, vector<16xf32>,
          tpu.vector_store %arg30[%swap3A_601], %exp3A_598 {strides = array<i32>} : memref<10240xf32, #tpu.memory_space<vmem>>, vector<16xf32>,
          %sub3A_603 = arith.constant 3.33333325 : f32
          %sub3A_604 = vector.broadcast %sub3A_603 : f32 to vector<16xf32>
          %sub3A_605 = arith.subf %mul3A_473, %sub3A_604 : vector<16xf32>
          %mul3A_606 = arith.mulf %sub3A_605, %sub3A_605 : vector<16xf32>
          %mul3A_607 = arith.constant -4.500000e+00 : f32
          %mul3A_608 = vector.broadcast %mul3A_607 : f32 to vector<16xf32>
          %mul3A_609 = arith.mulf %mul3A_606, %mul3A_608 : vector<16xf32>
          %exp3A_610 = math.exp %mul3A_609 : vector<16xf32>
          %add3A_611 = arith.constant 256 : i32
          %add3A_612 = arith.addi %add3A_482, %add3A_611 : i32
          %swap3A_613 = arith.index_cast %add3A_612 : i32 to index
          %swap3A_614 = tpu.vector_load %arg30[%swap3A_613] {strides = array<i32>} : memref<10240xf32, #tpu.memory_space<vmem>>, vector<16xf32>,
          tpu.vector_store %arg30[%swap3A_613], %exp3A_610 {strides = array<i32>} : memref<10240xf32, #tpu.memory_space<vmem>>, vector<16xf32>,
          %sub3A_615 = arith.constant 3.66666675 : f32
          %sub3A_616 = vector.broadcast %sub3A_615 : f32 to vector<16xf32>
          %sub3A_617 = arith.subf %mul3A_473, %sub3A_616 : vector<16xf32>
          %mul3A_618 = arith.mulf %sub3A_617, %sub3A_617 : vector<16xf32>
          %mul3A_619 = arith.constant -4.500000e+00 : f32
          %mul3A_620 = vector.broadcast %mul3A_619 : f32 to vector<16xf32>
          %mul3A_621 = arith.mulf %mul3A_618, %mul3A_620 : vector<16xf32>
          %exp3A_622 = math.exp %mul3A_621 : vector<16xf32>
          %add3A_623 = arith.constant 384 : i32
          %add3A_624 = arith.addi %add3A_482, %add3A_623 : i32
          %swap3A_625 = arith.index_cast %add3A_624 : i32 to index
          %swap3A_626 = tpu.vector_load %arg30[%swap3A_625] {strides = array<i32>} : memref<10240xf32, #tpu.memory_space<vmem>>, vector<16xf32>,
          tpu.vector_store %arg30[%swap3A_625], %exp3A_622 {strides = array<i32>} : memref<10240xf32, #tpu.memory_space<vmem>>, vector<16xf32>,
          %sub3A_627 = arith.constant 4.000000e+00 : f32
          %sub3A_628 = vector.broadcast %sub3A_627 : f32 to vector<16xf32>
          %sub3A_629 = arith.subf %mul3A_473, %sub3A_628 : vector<16xf32>
          %mul3A_630 = arith.mulf %sub3A_629, %sub3A_629 : vector<16xf32>
          %mul3A_631 = arith.constant -4.500000e+00 : f32
          %mul3A_632 = vector.broadcast %mul3A_631 : f32 to vector<16xf32>
          %mul3A_633 = arith.mulf %mul3A_630, %mul3A_632 : vector<16xf32>
          %exp3A_634 = math.exp %mul3A_633 : vector<16xf32>
          %add3A_635 = arith.constant 512 : i32
          %add3A_636 = arith.addi %add3A_482, %add3A_635 : i32
          %swap3A_637 = arith.index_cast %add3A_636 : i32 to index
          %swap3A_638 = tpu.vector_load %arg30[%swap3A_637] {strides = array<i32>} : memref<10240xf32, #tpu.memory_space<vmem>>, vector<16xf32>,
          tpu.vector_store %arg30[%swap3A_637], %exp3A_634 {strides = array<i32>} : memref<10240xf32, #tpu.memory_space<vmem>>, vector<16xf32>,
          %sub3A_639 = arith.constant 4.33333349 : f32
          %sub3A_640 = vector.broadcast %sub3A_639 : f32 to vector<16xf32>
          %sub3A_641 = arith.subf %mul3A_473, %sub3A_640 : vector<16xf32>
          %mul3A_642 = arith.mulf %sub3A_641, %sub3A_641 : vector<16xf32>
          %mul3A_643 = arith.constant -4.500000e+00 : f32
          %mul3A_644 = vector.broadcast %mul3A_643 : f32 to vector<16xf32>
          %mul3A_645 = arith.mulf %mul3A_642, %mul3A_644 : vector<16xf32>
          %exp3A_646 = math.exp %mul3A_645 : vector<16xf32>
          %add3A_647 = arith.constant 640 : i32
          %add3A_648 = arith.addi %add3A_482, %add3A_647 : i32
          %swap3A_649 = arith.index_cast %add3A_648 : i32 to index
          %swap3A_650 = tpu.vector_load %arg30[%swap3A_649] {strides = array<i32>} : memref<10240xf32, #tpu.memory_space<vmem>>, vector<16xf32>,
          tpu.vector_store %arg30[%swap3A_649], %exp3A_646 {strides = array<i32>} : memref<10240xf32, #tpu.memory_space<vmem>>, vector<16xf32>,
          %sub3A_651 = arith.constant 4.66666651 : f32
          %sub3A_652 = vector.broadcast %sub3A_651 : f32 to vector<16xf32>
          %sub3A_653 = arith.subf %mul3A_473, %sub3A_652 : vector<16xf32>
          %mul3A_654 = arith.mulf %sub3A_653, %sub3A_653 : vector<16xf32>
          %mul3A_655 = arith.constant -4.500000e+00 : f32
          %mul3A_656 = vector.broadcast %mul3A_655 : f32 to vector<16xf32>
          %mul3A_657 = arith.mulf %mul3A_654, %mul3A_656 : vector<16xf32>
          %exp3A_658 = math.exp %mul3A_657 : vector<16xf32>
          %add3A_659 = arith.constant 768 : i32
          %add3A_660 = arith.addi %add3A_482, %add3A_659 : i32
          %swap3A_661 = arith.index_cast %add3A_660 : i32 to index
          %swap3A_662 = tpu.vector_load %arg30[%swap3A_661] {strides = array<i32>} : memref<10240xf32, #tpu.memory_space<vmem>>, vector<16xf32>,
          tpu.vector_store %arg30[%swap3A_661], %exp3A_658 {strides = array<i32>} : memref<10240xf32, #tpu.memory_space<vmem>>, vector<16xf32>,
          %sub3A_663 = arith.constant 5.000000e+00 : f32
          %sub3A_664 = vector.broadcast %sub3A_663 : f32 to vector<16xf32>
          %sub3A_665 = arith.subf %mul3A_473, %sub3A_664 : vector<16xf32>
          %mul3A_666 = arith.mulf %sub3A_665, %sub3A_665 : vector<16xf32>
          %mul3A_667 = arith.constant -4.500000e+00 : f32
          %mul3A_668 = vector.broadcast %mul3A_667 : f32 to vector<16xf32>
          %mul3A_669 = arith.mulf %mul3A_666, %mul3A_668 : vector<16xf32>
          %exp3A_670 = math.exp %mul3A_669 : vector<16xf32>
          %add3A_671 = arith.constant 896 : i32
          %add3A_672 = arith.addi %add3A_482, %add3A_671 : i32
          %swap3A_673 = arith.index_cast %add3A_672 : i32 to index
          %swap3A_674 = tpu.vector_load %arg30[%swap3A_673] {strides = array<i32>} : memref<10240xf32, #tpu.memory_space<vmem>>, vector<16xf32>,
          tpu.vector_store %arg30[%swap3A_673], %exp3A_670 {strides = array<i32>} : memref<10240xf32, #tpu.memory_space<vmem>>, vector<16xf32>,
          %mul3A_675 = arith.constant 4 : i32
          %mul3A_676 = arith.muli %scan3A_148, %mul3A_675 : i32
          %add3A_677 = arith.constant 2 : i32
          %add3A_678 = arith.addi %mul3A_676, %add3A_677 : i32
          %mul3A_679 = arith.constant 16 : i32
          %mul3A_680 = arith.muli %add3A_678, %mul3A_679 : i32
          %get3A_681 = arith.index_cast %mul3A_680 : i32 to index
          %get3A_682 = tpu.vector_load %arg23[%get3A_681] {strides = array<i32>} : memref<1280xf32, #tpu.memory_space<vmem>>, vector<16xf32>,
          %get3A_683 = arith.index_cast %mul3A_680 : i32 to index
          %get3A_684 = tpu.vector_load %arg26[%get3A_683] {strides = array<i32>} : memref<1280xf32, #tpu.memory_space<vmem>>, vector<16xf32>,
          %sub3A_685 = arith.subf %get3A_682, %get3A_684 : vector<16xf32>
          %get3A_686 = arith.index_cast %mul3A_680 : i32 to index
          %get3A_687 = tpu.vector_load %arg24[%get3A_686] {strides = array<i32>} : memref<1280xf32, #tpu.memory_space<vmem>>, vector<16xf32>,
          %get3A_688 = arith.index_cast %mul3A_680 : i32 to index
          %get3A_689 = tpu.vector_load %arg27[%get3A_688] {strides = array<i32>} : memref<1280xf32, #tpu.memory_space<vmem>>, vector<16xf32>,
          %sub3A_690 = arith.subf %get3A_687, %get3A_689 : vector<16xf32>
          %get3A_691 = arith.index_cast %mul3A_680 : i32 to index
          %get3A_692 = tpu.vector_load %arg25[%get3A_691] {strides = array<i32>} : memref<1280xf32, #tpu.memory_space<vmem>>, vector<16xf32>,
          %get3A_693 = arith.index_cast %mul3A_680 : i32 to index
          %get3A_694 = tpu.vector_load %arg28[%get3A_693] {strides = array<i32>} : memref<1280xf32, #tpu.memory_space<vmem>>, vector<16xf32>,
          %sub3A_695 = arith.subf %get3A_692, %get3A_694 : vector<16xf32>
          %mul3A_696 = arith.mulf %sub3A_685, %sub3A_685 : vector<16xf32>
          %mul3A_697 = arith.mulf %sub3A_690, %sub3A_690 : vector<16xf32>
          %add3A_698 = arith.addf %mul3A_696, %mul3A_697 : vector<16xf32>
          %mul3A_699 = arith.mulf %sub3A_695, %sub3A_695 : vector<16xf32>
          %add3A_700 = arith.addf %add3A_698, %mul3A_699 : vector<16xf32>
          %max3A_701 = arith.constant 1.000000e-30 : f32
          %max3A_702 = vector.broadcast %max3A_701 : f32 to vector<16xf32>
          %max3A_703 = arith.maximumf %add3A_700, %max3A_702 : vector<16xf32>
          %bitcast3A_704 = vector.bitcast %max3A_703 : vector<16xf32> to vector<16xi32>
          %shift_right_arithmetic3A_705 = arith.constant 1 : i32
          %shift_right_arithmetic3A_706 = vector.broadcast %shift_right_arithmetic3A_705 : i32 to vector<16xi32>
          %shift_right_arithmetic3A_707 = arith.shrsi %bitcast3A_704, %shift_right_arithmetic3A_706 : vector<16xi32>
          %sub3A_708 = arith.constant 1597463007 : i32
          %sub3A_709 = vector.broadcast %sub3A_708 : i32 to vector<16xi32>
          %sub3A_710 = arith.subi %sub3A_709, %shift_right_arithmetic3A_707 : vector<16xi32>
          %bitcast3A_711 = vector.bitcast %sub3A_710 : vector<16xi32> to vector<16xf32>
          %mul3A_712 = arith.constant 5.000000e-01 : f32
          %mul3A_713 = vector.broadcast %mul3A_712 : f32 to vector<16xf32>
          %mul3A_714 = arith.mulf %mul3A_713, %max3A_703 : vector<16xf32>
          %mul3A_715 = arith.mulf %mul3A_714, %bitcast3A_711 : vector<16xf32>
          %mul3A_716 = arith.mulf %mul3A_715, %bitcast3A_711 : vector<16xf32>
          %sub3A_717 = arith.constant 1.500000e+00 : f32
          %sub3A_718 = vector.broadcast %sub3A_717 : f32 to vector<16xf32>
          %sub3A_719 = arith.subf %sub3A_718, %mul3A_716 : vector<16xf32>
          %mul3A_720 = arith.mulf %bitcast3A_711, %sub3A_719 : vector<16xf32>
          %mul3A_721 = arith.constant 5.000000e-01 : f32
          %mul3A_722 = vector.broadcast %mul3A_721 : f32 to vector<16xf32>
          %mul3A_723 = arith.mulf %mul3A_722, %max3A_703 : vector<16xf32>
          %mul3A_724 = arith.mulf %mul3A_723, %mul3A_720 : vector<16xf32>
          %mul3A_725 = arith.mulf %mul3A_724, %mul3A_720 : vector<16xf32>
          %sub3A_726 = arith.constant 1.500000e+00 : f32
          %sub3A_727 = vector.broadcast %sub3A_726 : f32 to vector<16xf32>
          %sub3A_728 = arith.subf %sub3A_727, %mul3A_725 : vector<16xf32>
          %mul3A_729 = arith.mulf %mul3A_720, %sub3A_728 : vector<16xf32>
          %mul3A_730 = arith.constant 5.000000e-01 : f32
          %mul3A_731 = vector.broadcast %mul3A_730 : f32 to vector<16xf32>
          %mul3A_732 = arith.mulf %mul3A_731, %max3A_703 : vector<16xf32>
          %mul3A_733 = arith.mulf %mul3A_732, %mul3A_729 : vector<16xf32>
          %mul3A_734 = arith.mulf %mul3A_733, %mul3A_729 : vector<16xf32>
          %sub3A_735 = arith.constant 1.500000e+00 : f32
          %sub3A_736 = vector.broadcast %sub3A_735 : f32 to vector<16xf32>
          %sub3A_737 = arith.subf %sub3A_736, %mul3A_734 : vector<16xf32>
          %mul3A_738 = arith.mulf %mul3A_729, %sub3A_737 : vector<16xf32>
          %mul3A_739 = arith.mulf %max3A_703, %mul3A_738 : vector<16xf32>
          %shift_right_arithmetic3A_740 = arith.constant 3 : i32
          %shift_right_arithmetic3A_741 = arith.shrsi %add3A_678, %shift_right_arithmetic3A_740 : i32
          %mul3A_742 = arith.constant 1024 : i32
          %mul3A_743 = arith.muli %shift_right_arithmetic3A_741, %mul3A_742 : i32
          %and3A_744 = arith.constant 7 : i32
          %and3A_745 = arith.andi %add3A_678, %and3A_744 : i32
          %mul3A_746 = arith.constant 16 : i32
          %mul3A_747 = arith.muli %and3A_745, %mul3A_746 : i32
          %add3A_748 = arith.addi %mul3A_743, %mul3A_747 : i32
          %sub3A_749 = arith.constant 0.000000e+00 : f32
          %sub3A_750 = vector.broadcast %sub3A_749 : f32 to vector<16xf32>
          %sub3A_751 = arith.subf %mul3A_739, %sub3A_750 : vector<16xf32>
          %mul3A_752 = arith.mulf %sub3A_751, %sub3A_751 : vector<16xf32>
          %mul3A_753 = arith.constant -4.500000e+00 : f32
          %mul3A_754 = vector.broadcast %mul3A_753 : f32 to vector<16xf32>
          %mul3A_755 = arith.mulf %mul3A_752, %mul3A_754 : vector<16xf32>
          %exp3A_756 = math.exp %mul3A_755 : vector<16xf32>
          %add3A_757 = arith.constant 0 : i32
          %add3A_758 = arith.addi %add3A_748, %add3A_757 : i32
          %swap3A_759 = arith.index_cast %add3A_758 : i32 to index
          %swap3A_760 = tpu.vector_load %arg29[%swap3A_759] {strides = array<i32>} : memref<10240xf32, #tpu.memory_space<vmem>>, vector<16xf32>,
          tpu.vector_store %arg29[%swap3A_759], %exp3A_756 {strides = array<i32>} : memref<10240xf32, #tpu.memory_space<vmem>>, vector<16xf32>,
          %sub3A_761 = arith.constant 0.333333343 : f32
          %sub3A_762 = vector.broadcast %sub3A_761 : f32 to vector<16xf32>
          %sub3A_763 = arith.subf %mul3A_739, %sub3A_762 : vector<16xf32>
          %mul3A_764 = arith.mulf %sub3A_763, %sub3A_763 : vector<16xf32>
          %mul3A_765 = arith.constant -4.500000e+00 : f32
          %mul3A_766 = vector.broadcast %mul3A_765 : f32 to vector<16xf32>
          %mul3A_767 = arith.mulf %mul3A_764, %mul3A_766 : vector<16xf32>
          %exp3A_768 = math.exp %mul3A_767 : vector<16xf32>
          %add3A_769 = arith.constant 128 : i32
          %add3A_770 = arith.addi %add3A_748, %add3A_769 : i32
          %swap3A_771 = arith.index_cast %add3A_770 : i32 to index
          %swap3A_772 = tpu.vector_load %arg29[%swap3A_771] {strides = array<i32>} : memref<10240xf32, #tpu.memory_space<vmem>>, vector<16xf32>,
          tpu.vector_store %arg29[%swap3A_771], %exp3A_768 {strides = array<i32>} : memref<10240xf32, #tpu.memory_space<vmem>>, vector<16xf32>,
          %sub3A_773 = arith.constant 0.666666686 : f32
          %sub3A_774 = vector.broadcast %sub3A_773 : f32 to vector<16xf32>
          %sub3A_775 = arith.subf %mul3A_739, %sub3A_774 : vector<16xf32>
          %mul3A_776 = arith.mulf %sub3A_775, %sub3A_775 : vector<16xf32>
          %mul3A_777 = arith.constant -4.500000e+00 : f32
          %mul3A_778 = vector.broadcast %mul3A_777 : f32 to vector<16xf32>
          %mul3A_779 = arith.mulf %mul3A_776, %mul3A_778 : vector<16xf32>
          %exp3A_780 = math.exp %mul3A_779 : vector<16xf32>
          %add3A_781 = arith.constant 256 : i32
          %add3A_782 = arith.addi %add3A_748, %add3A_781 : i32
          %swap3A_783 = arith.index_cast %add3A_782 : i32 to index
          %swap3A_784 = tpu.vector_load %arg29[%swap3A_783] {strides = array<i32>} : memref<10240xf32, #tpu.memory_space<vmem>>, vector<16xf32>,
          tpu.vector_store %arg29[%swap3A_783], %exp3A_780 {strides = array<i32>} : memref<10240xf32, #tpu.memory_space<vmem>>, vector<16xf32>,
          %sub3A_785 = arith.constant 1.000000e+00 : f32
          %sub3A_786 = vector.broadcast %sub3A_785 : f32 to vector<16xf32>
          %sub3A_787 = arith.subf %mul3A_739, %sub3A_786 : vector<16xf32>
          %mul3A_788 = arith.mulf %sub3A_787, %sub3A_787 : vector<16xf32>
          %mul3A_789 = arith.constant -4.500000e+00 : f32
          %mul3A_790 = vector.broadcast %mul3A_789 : f32 to vector<16xf32>
          %mul3A_791 = arith.mulf %mul3A_788, %mul3A_790 : vector<16xf32>
          %exp3A_792 = math.exp %mul3A_791 : vector<16xf32>
          %add3A_793 = arith.constant 384 : i32
          %add3A_794 = arith.addi %add3A_748, %add3A_793 : i32
          %swap3A_795 = arith.index_cast %add3A_794 : i32 to index
          %swap3A_796 = tpu.vector_load %arg29[%swap3A_795] {strides = array<i32>} : memref<10240xf32, #tpu.memory_space<vmem>>, vector<16xf32>,
          tpu.vector_store %arg29[%swap3A_795], %exp3A_792 {strides = array<i32>} : memref<10240xf32, #tpu.memory_space<vmem>>, vector<16xf32>,
          %sub3A_797 = arith.constant 1.33333337 : f32
          %sub3A_798 = vector.broadcast %sub3A_797 : f32 to vector<16xf32>
          %sub3A_799 = arith.subf %mul3A_739, %sub3A_798 : vector<16xf32>
          %mul3A_800 = arith.mulf %sub3A_799, %sub3A_799 : vector<16xf32>
          %mul3A_801 = arith.constant -4.500000e+00 : f32
          %mul3A_802 = vector.broadcast %mul3A_801 : f32 to vector<16xf32>
          %mul3A_803 = arith.mulf %mul3A_800, %mul3A_802 : vector<16xf32>
          %exp3A_804 = math.exp %mul3A_803 : vector<16xf32>
          %add3A_805 = arith.constant 512 : i32
          %add3A_806 = arith.addi %add3A_748, %add3A_805 : i32
          %swap3A_807 = arith.index_cast %add3A_806 : i32 to index
          %swap3A_808 = tpu.vector_load %arg29[%swap3A_807] {strides = array<i32>} : memref<10240xf32, #tpu.memory_space<vmem>>, vector<16xf32>,
          tpu.vector_store %arg29[%swap3A_807], %exp3A_804 {strides = array<i32>} : memref<10240xf32, #tpu.memory_space<vmem>>, vector<16xf32>,
          %sub3A_809 = arith.constant 1.66666663 : f32
          %sub3A_810 = vector.broadcast %sub3A_809 : f32 to vector<16xf32>
          %sub3A_811 = arith.subf %mul3A_739, %sub3A_810 : vector<16xf32>
          %mul3A_812 = arith.mulf %sub3A_811, %sub3A_811 : vector<16xf32>
          %mul3A_813 = arith.constant -4.500000e+00 : f32
          %mul3A_814 = vector.broadcast %mul3A_813 : f32 to vector<16xf32>
          %mul3A_815 = arith.mulf %mul3A_812, %mul3A_814 : vector<16xf32>
          %exp3A_816 = math.exp %mul3A_815 : vector<16xf32>
          %add3A_817 = arith.constant 640 : i32
          %add3A_818 = arith.addi %add3A_748, %add3A_817 : i32
          %swap3A_819 = arith.index_cast %add3A_818 : i32 to index
          %swap3A_820 = tpu.vector_load %arg29[%swap3A_819] {strides = array<i32>} : memref<10240xf32, #tpu.memory_space<vmem>>, vector<16xf32>,
          tpu.vector_store %arg29[%swap3A_819], %exp3A_816 {strides = array<i32>} : memref<10240xf32, #tpu.memory_space<vmem>>, vector<16xf32>,
          %sub3A_821 = arith.constant 2.000000e+00 : f32
          %sub3A_822 = vector.broadcast %sub3A_821 : f32 to vector<16xf32>
          %sub3A_823 = arith.subf %mul3A_739, %sub3A_822 : vector<16xf32>
          %mul3A_824 = arith.mulf %sub3A_823, %sub3A_823 : vector<16xf32>
          %mul3A_825 = arith.constant -4.500000e+00 : f32
          %mul3A_826 = vector.broadcast %mul3A_825 : f32 to vector<16xf32>
          %mul3A_827 = arith.mulf %mul3A_824, %mul3A_826 : vector<16xf32>
          %exp3A_828 = math.exp %mul3A_827 : vector<16xf32>
          %add3A_829 = arith.constant 768 : i32
          %add3A_830 = arith.addi %add3A_748, %add3A_829 : i32
          %swap3A_831 = arith.index_cast %add3A_830 : i32 to index
          %swap3A_832 = tpu.vector_load %arg29[%swap3A_831] {strides = array<i32>} : memref<10240xf32, #tpu.memory_space<vmem>>, vector<16xf32>,
          tpu.vector_store %arg29[%swap3A_831], %exp3A_828 {strides = array<i32>} : memref<10240xf32, #tpu.memory_space<vmem>>, vector<16xf32>,
          %sub3A_833 = arith.constant 2.33333325 : f32
          %sub3A_834 = vector.broadcast %sub3A_833 : f32 to vector<16xf32>
          %sub3A_835 = arith.subf %mul3A_739, %sub3A_834 : vector<16xf32>
          %mul3A_836 = arith.mulf %sub3A_835, %sub3A_835 : vector<16xf32>
          %mul3A_837 = arith.constant -4.500000e+00 : f32
          %mul3A_838 = vector.broadcast %mul3A_837 : f32 to vector<16xf32>
          %mul3A_839 = arith.mulf %mul3A_836, %mul3A_838 : vector<16xf32>
          %exp3A_840 = math.exp %mul3A_839 : vector<16xf32>
          %add3A_841 = arith.constant 896 : i32
          %add3A_842 = arith.addi %add3A_748, %add3A_841 : i32
          %swap3A_843 = arith.index_cast %add3A_842 : i32 to index
          %swap3A_844 = tpu.vector_load %arg29[%swap3A_843] {strides = array<i32>} : memref<10240xf32, #tpu.memory_space<vmem>>, vector<16xf32>,
          tpu.vector_store %arg29[%swap3A_843], %exp3A_840 {strides = array<i32>} : memref<10240xf32, #tpu.memory_space<vmem>>, vector<16xf32>,
          %sub3A_845 = arith.constant 2.66666675 : f32
          %sub3A_846 = vector.broadcast %sub3A_845 : f32 to vector<16xf32>
          %sub3A_847 = arith.subf %mul3A_739, %sub3A_846 : vector<16xf32>
          %mul3A_848 = arith.mulf %sub3A_847, %sub3A_847 : vector<16xf32>
          %mul3A_849 = arith.constant -4.500000e+00 : f32
          %mul3A_850 = vector.broadcast %mul3A_849 : f32 to vector<16xf32>
          %mul3A_851 = arith.mulf %mul3A_848, %mul3A_850 : vector<16xf32>
          %exp3A_852 = math.exp %mul3A_851 : vector<16xf32>
          %add3A_853 = arith.constant 0 : i32
          %add3A_854 = arith.addi %add3A_748, %add3A_853 : i32
          %swap3A_855 = arith.index_cast %add3A_854 : i32 to index
          %swap3A_856 = tpu.vector_load %arg30[%swap3A_855] {strides = array<i32>} : memref<10240xf32, #tpu.memory_space<vmem>>, vector<16xf32>,
          tpu.vector_store %arg30[%swap3A_855], %exp3A_852 {strides = array<i32>} : memref<10240xf32, #tpu.memory_space<vmem>>, vector<16xf32>,
          %sub3A_857 = arith.constant 3.000000e+00 : f32
          %sub3A_858 = vector.broadcast %sub3A_857 : f32 to vector<16xf32>
          %sub3A_859 = arith.subf %mul3A_739, %sub3A_858 : vector<16xf32>
          %mul3A_860 = arith.mulf %sub3A_859, %sub3A_859 : vector<16xf32>
          %mul3A_861 = arith.constant -4.500000e+00 : f32
          %mul3A_862 = vector.broadcast %mul3A_861 : f32 to vector<16xf32>
          %mul3A_863 = arith.mulf %mul3A_860, %mul3A_862 : vector<16xf32>
          %exp3A_864 = math.exp %mul3A_863 : vector<16xf32>
          %add3A_865 = arith.constant 128 : i32
          %add3A_866 = arith.addi %add3A_748, %add3A_865 : i32
          %swap3A_867 = arith.index_cast %add3A_866 : i32 to index
          %swap3A_868 = tpu.vector_load %arg30[%swap3A_867] {strides = array<i32>} : memref<10240xf32, #tpu.memory_space<vmem>>, vector<16xf32>,
          tpu.vector_store %arg30[%swap3A_867], %exp3A_864 {strides = array<i32>} : memref<10240xf32, #tpu.memory_space<vmem>>, vector<16xf32>,
          %sub3A_869 = arith.constant 3.33333325 : f32
          %sub3A_870 = vector.broadcast %sub3A_869 : f32 to vector<16xf32>
          %sub3A_871 = arith.subf %mul3A_739, %sub3A_870 : vector<16xf32>
          %mul3A_872 = arith.mulf %sub3A_871, %sub3A_871 : vector<16xf32>
          %mul3A_873 = arith.constant -4.500000e+00 : f32
          %mul3A_874 = vector.broadcast %mul3A_873 : f32 to vector<16xf32>
          %mul3A_875 = arith.mulf %mul3A_872, %mul3A_874 : vector<16xf32>
          %exp3A_876 = math.exp %mul3A_875 : vector<16xf32>
          %add3A_877 = arith.constant 256 : i32
          %add3A_878 = arith.addi %add3A_748, %add3A_877 : i32
          %swap3A_879 = arith.index_cast %add3A_878 : i32 to index
          %swap3A_880 = tpu.vector_load %arg30[%swap3A_879] {strides = array<i32>} : memref<10240xf32, #tpu.memory_space<vmem>>, vector<16xf32>,
          tpu.vector_store %arg30[%swap3A_879], %exp3A_876 {strides = array<i32>} : memref<10240xf32, #tpu.memory_space<vmem>>, vector<16xf32>,
          %sub3A_881 = arith.constant 3.66666675 : f32
          %sub3A_882 = vector.broadcast %sub3A_881 : f32 to vector<16xf32>
          %sub3A_883 = arith.subf %mul3A_739, %sub3A_882 : vector<16xf32>
          %mul3A_884 = arith.mulf %sub3A_883, %sub3A_883 : vector<16xf32>
          %mul3A_885 = arith.constant -4.500000e+00 : f32
          %mul3A_886 = vector.broadcast %mul3A_885 : f32 to vector<16xf32>
          %mul3A_887 = arith.mulf %mul3A_884, %mul3A_886 : vector<16xf32>
          %exp3A_888 = math.exp %mul3A_887 : vector<16xf32>
          %add3A_889 = arith.constant 384 : i32
          %add3A_890 = arith.addi %add3A_748, %add3A_889 : i32
          %swap3A_891 = arith.index_cast %add3A_890 : i32 to index
          %swap3A_892 = tpu.vector_load %arg30[%swap3A_891] {strides = array<i32>} : memref<10240xf32, #tpu.memory_space<vmem>>, vector<16xf32>,
          tpu.vector_store %arg30[%swap3A_891], %exp3A_888 {strides = array<i32>} : memref<10240xf32, #tpu.memory_space<vmem>>, vector<16xf32>,
          %sub3A_893 = arith.constant 4.000000e+00 : f32
          %sub3A_894 = vector.broadcast %sub3A_893 : f32 to vector<16xf32>
          %sub3A_895 = arith.subf %mul3A_739, %sub3A_894 : vector<16xf32>
          %mul3A_896 = arith.mulf %sub3A_895, %sub3A_895 : vector<16xf32>
          %mul3A_897 = arith.constant -4.500000e+00 : f32
          %mul3A_898 = vector.broadcast %mul3A_897 : f32 to vector<16xf32>
          %mul3A_899 = arith.mulf %mul3A_896, %mul3A_898 : vector<16xf32>
          %exp3A_900 = math.exp %mul3A_899 : vector<16xf32>
          %add3A_901 = arith.constant 512 : i32
          %add3A_902 = arith.addi %add3A_748, %add3A_901 : i32
          %swap3A_903 = arith.index_cast %add3A_902 : i32 to index
          %swap3A_904 = tpu.vector_load %arg30[%swap3A_903] {strides = array<i32>} : memref<10240xf32, #tpu.memory_space<vmem>>, vector<16xf32>,
          tpu.vector_store %arg30[%swap3A_903], %exp3A_900 {strides = array<i32>} : memref<10240xf32, #tpu.memory_space<vmem>>, vector<16xf32>,
          %sub3A_905 = arith.constant 4.33333349 : f32
          %sub3A_906 = vector.broadcast %sub3A_905 : f32 to vector<16xf32>
          %sub3A_907 = arith.subf %mul3A_739, %sub3A_906 : vector<16xf32>
          %mul3A_908 = arith.mulf %sub3A_907, %sub3A_907 : vector<16xf32>
          %mul3A_909 = arith.constant -4.500000e+00 : f32
          %mul3A_910 = vector.broadcast %mul3A_909 : f32 to vector<16xf32>
          %mul3A_911 = arith.mulf %mul3A_908, %mul3A_910 : vector<16xf32>
          %exp3A_912 = math.exp %mul3A_911 : vector<16xf32>
          %add3A_913 = arith.constant 640 : i32
          %add3A_914 = arith.addi %add3A_748, %add3A_913 : i32
          %swap3A_915 = arith.index_cast %add3A_914 : i32 to index
          %swap3A_916 = tpu.vector_load %arg30[%swap3A_915] {strides = array<i32>} : memref<10240xf32, #tpu.memory_space<vmem>>, vector<16xf32>,
          tpu.vector_store %arg30[%swap3A_915], %exp3A_912 {strides = array<i32>} : memref<10240xf32, #tpu.memory_space<vmem>>, vector<16xf32>,
          %sub3A_917 = arith.constant 4.66666651 : f32
          %sub3A_918 = vector.broadcast %sub3A_917 : f32 to vector<16xf32>
          %sub3A_919 = arith.subf %mul3A_739, %sub3A_918 : vector<16xf32>
          %mul3A_920 = arith.mulf %sub3A_919, %sub3A_919 : vector<16xf32>
          %mul3A_921 = arith.constant -4.500000e+00 : f32
          %mul3A_922 = vector.broadcast %mul3A_921 : f32 to vector<16xf32>
          %mul3A_923 = arith.mulf %mul3A_920, %mul3A_922 : vector<16xf32>
          %exp3A_924 = math.exp %mul3A_923 : vector<16xf32>
          %add3A_925 = arith.constant 768 : i32
          %add3A_926 = arith.addi %add3A_748, %add3A_925 : i32
          %swap3A_927 = arith.index_cast %add3A_926 : i32 to index
          %swap3A_928 = tpu.vector_load %arg30[%swap3A_927] {strides = array<i32>} : memref<10240xf32, #tpu.memory_space<vmem>>, vector<16xf32>,
          tpu.vector_store %arg30[%swap3A_927], %exp3A_924 {strides = array<i32>} : memref<10240xf32, #tpu.memory_space<vmem>>, vector<16xf32>,
          %sub3A_929 = arith.constant 5.000000e+00 : f32
          %sub3A_930 = vector.broadcast %sub3A_929 : f32 to vector<16xf32>
          %sub3A_931 = arith.subf %mul3A_739, %sub3A_930 : vector<16xf32>
          %mul3A_932 = arith.mulf %sub3A_931, %sub3A_931 : vector<16xf32>
          %mul3A_933 = arith.constant -4.500000e+00 : f32
          %mul3A_934 = vector.broadcast %mul3A_933 : f32 to vector<16xf32>
          %mul3A_935 = arith.mulf %mul3A_932, %mul3A_934 : vector<16xf32>
          %exp3A_936 = math.exp %mul3A_935 : vector<16xf32>
          %add3A_937 = arith.constant 896 : i32
          %add3A_938 = arith.addi %add3A_748, %add3A_937 : i32
          %swap3A_939 = arith.index_cast %add3A_938 : i32 to index
          %swap3A_940 = tpu.vector_load %arg30[%swap3A_939] {strides = array<i32>} : memref<10240xf32, #tpu.memory_space<vmem>>, vector<16xf32>,
          tpu.vector_store %arg30[%swap3A_939], %exp3A_936 {strides = array<i32>} : memref<10240xf32, #tpu.memory_space<vmem>>, vector<16xf32>,
          %mul3A_941 = arith.constant 4 : i32
          %mul3A_942 = arith.muli %scan3A_148, %mul3A_941 : i32
          %add3A_943 = arith.constant 3 : i32
          %add3A_944 = arith.addi %mul3A_942, %add3A_943 : i32
          %mul3A_945 = arith.constant 16 : i32
          %mul3A_946 = arith.muli %add3A_944, %mul3A_945 : i32
          %get3A_947 = arith.index_cast %mul3A_946 : i32 to index
          %get3A_948 = tpu.vector_load %arg23[%get3A_947] {strides = array<i32>} : memref<1280xf32, #tpu.memory_space<vmem>>, vector<16xf32>,
          %get3A_949 = arith.index_cast %mul3A_946 : i32 to index
          %get3A_950 = tpu.vector_load %arg26[%get3A_949] {strides = array<i32>} : memref<1280xf32, #tpu.memory_space<vmem>>, vector<16xf32>,
          %sub3A_951 = arith.subf %get3A_948, %get3A_950 : vector<16xf32>
          %get3A_952 = arith.index_cast %mul3A_946 : i32 to index
          %get3A_953 = tpu.vector_load %arg24[%get3A_952] {strides = array<i32>} : memref<1280xf32, #tpu.memory_space<vmem>>, vector<16xf32>,
          %get3A_954 = arith.index_cast %mul3A_946 : i32 to index
          %get3A_955 = tpu.vector_load %arg27[%get3A_954] {strides = array<i32>} : memref<1280xf32, #tpu.memory_space<vmem>>, vector<16xf32>,
          %sub3A_956 = arith.subf %get3A_953, %get3A_955 : vector<16xf32>
          %get3A_957 = arith.index_cast %mul3A_946 : i32 to index
          %get3A_958 = tpu.vector_load %arg25[%get3A_957] {strides = array<i32>} : memref<1280xf32, #tpu.memory_space<vmem>>, vector<16xf32>,
          %get3A_959 = arith.index_cast %mul3A_946 : i32 to index
          %get3A_960 = tpu.vector_load %arg28[%get3A_959] {strides = array<i32>} : memref<1280xf32, #tpu.memory_space<vmem>>, vector<16xf32>,
          %sub3A_961 = arith.subf %get3A_958, %get3A_960 : vector<16xf32>
          %mul3A_962 = arith.mulf %sub3A_951, %sub3A_951 : vector<16xf32>
          %mul3A_963 = arith.mulf %sub3A_956, %sub3A_956 : vector<16xf32>
          %add3A_964 = arith.addf %mul3A_962, %mul3A_963 : vector<16xf32>
          %mul3A_965 = arith.mulf %sub3A_961, %sub3A_961 : vector<16xf32>
          %add3A_966 = arith.addf %add3A_964, %mul3A_965 : vector<16xf32>
          %max3A_967 = arith.constant 1.000000e-30 : f32
          %max3A_968 = vector.broadcast %max3A_967 : f32 to vector<16xf32>
          %max3A_969 = arith.maximumf %add3A_966, %max3A_968 : vector<16xf32>
          %bitcast3A_970 = vector.bitcast %max3A_969 : vector<16xf32> to vector<16xi32>
          %shift_right_arithmetic3A_971 = arith.constant 1 : i32
          %shift_right_arithmetic3A_972 = vector.broadcast %shift_right_arithmetic3A_971 : i32 to vector<16xi32>
          %shift_right_arithmetic3A_973 = arith.shrsi %bitcast3A_970, %shift_right_arithmetic3A_972 : vector<16xi32>
          %sub3A_974 = arith.constant 1597463007 : i32
          %sub3A_975 = vector.broadcast %sub3A_974 : i32 to vector<16xi32>
          %sub3A_976 = arith.subi %sub3A_975, %shift_right_arithmetic3A_973 : vector<16xi32>
          %bitcast3A_977 = vector.bitcast %sub3A_976 : vector<16xi32> to vector<16xf32>
          %mul3A_978 = arith.constant 5.000000e-01 : f32
          %mul3A_979 = vector.broadcast %mul3A_978 : f32 to vector<16xf32>
          %mul3A_980 = arith.mulf %mul3A_979, %max3A_969 : vector<16xf32>
          %mul3A_981 = arith.mulf %mul3A_980, %bitcast3A_977 : vector<16xf32>
          %mul3A_982 = arith.mulf %mul3A_981, %bitcast3A_977 : vector<16xf32>
          %sub3A_983 = arith.constant 1.500000e+00 : f32
          %sub3A_984 = vector.broadcast %sub3A_983 : f32 to vector<16xf32>
          %sub3A_985 = arith.subf %sub3A_984, %mul3A_982 : vector<16xf32>
          %mul3A_986 = arith.mulf %bitcast3A_977, %sub3A_985 : vector<16xf32>
          %mul3A_987 = arith.constant 5.000000e-01 : f32
          %mul3A_988 = vector.broadcast %mul3A_987 : f32 to vector<16xf32>
          %mul3A_989 = arith.mulf %mul3A_988, %max3A_969 : vector<16xf32>
          %mul3A_990 = arith.mulf %mul3A_989, %mul3A_986 : vector<16xf32>
          %mul3A_991 = arith.mulf %mul3A_990, %mul3A_986 : vector<16xf32>
          %sub3A_992 = arith.constant 1.500000e+00 : f32
          %sub3A_993 = vector.broadcast %sub3A_992 : f32 to vector<16xf32>
          %sub3A_994 = arith.subf %sub3A_993, %mul3A_991 : vector<16xf32>
          %mul3A_995 = arith.mulf %mul3A_986, %sub3A_994 : vector<16xf32>
          %mul3A_996 = arith.constant 5.000000e-01 : f32
          %mul3A_997 = vector.broadcast %mul3A_996 : f32 to vector<16xf32>
          %mul3A_998 = arith.mulf %mul3A_997, %max3A_969 : vector<16xf32>
          %mul3A_999 = arith.mulf %mul3A_998, %mul3A_995 : vector<16xf32>
          %mul3A_1000 = arith.mulf %mul3A_999, %mul3A_995 : vector<16xf32>
          %sub3A_1001 = arith.constant 1.500000e+00 : f32
          %sub3A_1002 = vector.broadcast %sub3A_1001 : f32 to vector<16xf32>
          %sub3A_1003 = arith.subf %sub3A_1002, %mul3A_1000 : vector<16xf32>
          %mul3A_1004 = arith.mulf %mul3A_995, %sub3A_1003 : vector<16xf32>
          %mul3A_1005 = arith.mulf %max3A_969, %mul3A_1004 : vector<16xf32>
          %shift_right_arithmetic3A_1006 = arith.constant 3 : i32
          %shift_right_arithmetic3A_1007 = arith.shrsi %add3A_944, %shift_right_arithmetic3A_1006 : i32
          %mul3A_1008 = arith.constant 1024 : i32
          %mul3A_1009 = arith.muli %shift_right_arithmetic3A_1007, %mul3A_1008 : i32
          %and3A_1010 = arith.constant 7 : i32
          %and3A_1011 = arith.andi %add3A_944, %and3A_1010 : i32
          %mul3A_1012 = arith.constant 16 : i32
          %mul3A_1013 = arith.muli %and3A_1011, %mul3A_1012 : i32
          %add3A_1014 = arith.addi %mul3A_1009, %mul3A_1013 : i32
          %sub3A_1015 = arith.constant 0.000000e+00 : f32
          %sub3A_1016 = vector.broadcast %sub3A_1015 : f32 to vector<16xf32>
          %sub3A_1017 = arith.subf %mul3A_1005, %sub3A_1016 : vector<16xf32>
          %mul3A_1018 = arith.mulf %sub3A_1017, %sub3A_1017 : vector<16xf32>
          %mul3A_1019 = arith.constant -4.500000e+00 : f32
          %mul3A_1020 = vector.broadcast %mul3A_1019 : f32 to vector<16xf32>
          %mul3A_1021 = arith.mulf %mul3A_1018, %mul3A_1020 : vector<16xf32>
          %exp3A_1022 = math.exp %mul3A_1021 : vector<16xf32>
          %add3A_1023 = arith.constant 0 : i32
          %add3A_1024 = arith.addi %add3A_1014, %add3A_1023 : i32
          %swap3A_1025 = arith.index_cast %add3A_1024 : i32 to index
          %swap3A_1026 = tpu.vector_load %arg29[%swap3A_1025] {strides = array<i32>} : memref<10240xf32, #tpu.memory_space<vmem>>, vector<16xf32>,
          tpu.vector_store %arg29[%swap3A_1025], %exp3A_1022 {strides = array<i32>} : memref<10240xf32, #tpu.memory_space<vmem>>, vector<16xf32>,
          %sub3A_1027 = arith.constant 0.333333343 : f32
          %sub3A_1028 = vector.broadcast %sub3A_1027 : f32 to vector<16xf32>
          %sub3A_1029 = arith.subf %mul3A_1005, %sub3A_1028 : vector<16xf32>
          %mul3A_1030 = arith.mulf %sub3A_1029, %sub3A_1029 : vector<16xf32>
          %mul3A_1031 = arith.constant -4.500000e+00 : f32
          %mul3A_1032 = vector.broadcast %mul3A_1031 : f32 to vector<16xf32>
          %mul3A_1033 = arith.mulf %mul3A_1030, %mul3A_1032 : vector<16xf32>
          %exp3A_1034 = math.exp %mul3A_1033 : vector<16xf32>
          %add3A_1035 = arith.constant 128 : i32
          %add3A_1036 = arith.addi %add3A_1014, %add3A_1035 : i32
          %swap3A_1037 = arith.index_cast %add3A_1036 : i32 to index
          %swap3A_1038 = tpu.vector_load %arg29[%swap3A_1037] {strides = array<i32>} : memref<10240xf32, #tpu.memory_space<vmem>>, vector<16xf32>,
          tpu.vector_store %arg29[%swap3A_1037], %exp3A_1034 {strides = array<i32>} : memref<10240xf32, #tpu.memory_space<vmem>>, vector<16xf32>,
          %sub3A_1039 = arith.constant 0.666666686 : f32
          %sub3A_1040 = vector.broadcast %sub3A_1039 : f32 to vector<16xf32>
          %sub3A_1041 = arith.subf %mul3A_1005, %sub3A_1040 : vector<16xf32>
          %mul3A_1042 = arith.mulf %sub3A_1041, %sub3A_1041 : vector<16xf32>
          %mul3A_1043 = arith.constant -4.500000e+00 : f32
          %mul3A_1044 = vector.broadcast %mul3A_1043 : f32 to vector<16xf32>
          %mul3A_1045 = arith.mulf %mul3A_1042, %mul3A_1044 : vector<16xf32>
          %exp3A_1046 = math.exp %mul3A_1045 : vector<16xf32>
          %add3A_1047 = arith.constant 256 : i32
          %add3A_1048 = arith.addi %add3A_1014, %add3A_1047 : i32
          %swap3A_1049 = arith.index_cast %add3A_1048 : i32 to index
          %swap3A_1050 = tpu.vector_load %arg29[%swap3A_1049] {strides = array<i32>} : memref<10240xf32, #tpu.memory_space<vmem>>, vector<16xf32>,
          tpu.vector_store %arg29[%swap3A_1049], %exp3A_1046 {strides = array<i32>} : memref<10240xf32, #tpu.memory_space<vmem>>, vector<16xf32>,
          %sub3A_1051 = arith.constant 1.000000e+00 : f32
          %sub3A_1052 = vector.broadcast %sub3A_1051 : f32 to vector<16xf32>
          %sub3A_1053 = arith.subf %mul3A_1005, %sub3A_1052 : vector<16xf32>
          %mul3A_1054 = arith.mulf %sub3A_1053, %sub3A_1053 : vector<16xf32>
          %mul3A_1055 = arith.constant -4.500000e+00 : f32
          %mul3A_1056 = vector.broadcast %mul3A_1055 : f32 to vector<16xf32>
          %mul3A_1057 = arith.mulf %mul3A_1054, %mul3A_1056 : vector<16xf32>
          %exp3A_1058 = math.exp %mul3A_1057 : vector<16xf32>
          %add3A_1059 = arith.constant 384 : i32
          %add3A_1060 = arith.addi %add3A_1014, %add3A_1059 : i32
          %swap3A_1061 = arith.index_cast %add3A_1060 : i32 to index
          %swap3A_1062 = tpu.vector_load %arg29[%swap3A_1061] {strides = array<i32>} : memref<10240xf32, #tpu.memory_space<vmem>>, vector<16xf32>,
          tpu.vector_store %arg29[%swap3A_1061], %exp3A_1058 {strides = array<i32>} : memref<10240xf32, #tpu.memory_space<vmem>>, vector<16xf32>,
          %sub3A_1063 = arith.constant 1.33333337 : f32
          %sub3A_1064 = vector.broadcast %sub3A_1063 : f32 to vector<16xf32>
          %sub3A_1065 = arith.subf %mul3A_1005, %sub3A_1064 : vector<16xf32>
          %mul3A_1066 = arith.mulf %sub3A_1065, %sub3A_1065 : vector<16xf32>
          %mul3A_1067 = arith.constant -4.500000e+00 : f32
          %mul3A_1068 = vector.broadcast %mul3A_1067 : f32 to vector<16xf32>
          %mul3A_1069 = arith.mulf %mul3A_1066, %mul3A_1068 : vector<16xf32>
          %exp3A_1070 = math.exp %mul3A_1069 : vector<16xf32>
          %add3A_1071 = arith.constant 512 : i32
          %add3A_1072 = arith.addi %add3A_1014, %add3A_1071 : i32
          %swap3A_1073 = arith.index_cast %add3A_1072 : i32 to index
          %swap3A_1074 = tpu.vector_load %arg29[%swap3A_1073] {strides = array<i32>} : memref<10240xf32, #tpu.memory_space<vmem>>, vector<16xf32>,
          tpu.vector_store %arg29[%swap3A_1073], %exp3A_1070 {strides = array<i32>} : memref<10240xf32, #tpu.memory_space<vmem>>, vector<16xf32>,
          %sub3A_1075 = arith.constant 1.66666663 : f32
          %sub3A_1076 = vector.broadcast %sub3A_1075 : f32 to vector<16xf32>
          %sub3A_1077 = arith.subf %mul3A_1005, %sub3A_1076 : vector<16xf32>
          %mul3A_1078 = arith.mulf %sub3A_1077, %sub3A_1077 : vector<16xf32>
          %mul3A_1079 = arith.constant -4.500000e+00 : f32
          %mul3A_1080 = vector.broadcast %mul3A_1079 : f32 to vector<16xf32>
          %mul3A_1081 = arith.mulf %mul3A_1078, %mul3A_1080 : vector<16xf32>
          %exp3A_1082 = math.exp %mul3A_1081 : vector<16xf32>
          %add3A_1083 = arith.constant 640 : i32
          %add3A_1084 = arith.addi %add3A_1014, %add3A_1083 : i32
          %swap3A_1085 = arith.index_cast %add3A_1084 : i32 to index
          %swap3A_1086 = tpu.vector_load %arg29[%swap3A_1085] {strides = array<i32>} : memref<10240xf32, #tpu.memory_space<vmem>>, vector<16xf32>,
          tpu.vector_store %arg29[%swap3A_1085], %exp3A_1082 {strides = array<i32>} : memref<10240xf32, #tpu.memory_space<vmem>>, vector<16xf32>,
          %sub3A_1087 = arith.constant 2.000000e+00 : f32
          %sub3A_1088 = vector.broadcast %sub3A_1087 : f32 to vector<16xf32>
          %sub3A_1089 = arith.subf %mul3A_1005, %sub3A_1088 : vector<16xf32>
          %mul3A_1090 = arith.mulf %sub3A_1089, %sub3A_1089 : vector<16xf32>
          %mul3A_1091 = arith.constant -4.500000e+00 : f32
          %mul3A_1092 = vector.broadcast %mul3A_1091 : f32 to vector<16xf32>
          %mul3A_1093 = arith.mulf %mul3A_1090, %mul3A_1092 : vector<16xf32>
          %exp3A_1094 = math.exp %mul3A_1093 : vector<16xf32>
          %add3A_1095 = arith.constant 768 : i32
          %add3A_1096 = arith.addi %add3A_1014, %add3A_1095 : i32
          %swap3A_1097 = arith.index_cast %add3A_1096 : i32 to index
          %swap3A_1098 = tpu.vector_load %arg29[%swap3A_1097] {strides = array<i32>} : memref<10240xf32, #tpu.memory_space<vmem>>, vector<16xf32>,
          tpu.vector_store %arg29[%swap3A_1097], %exp3A_1094 {strides = array<i32>} : memref<10240xf32, #tpu.memory_space<vmem>>, vector<16xf32>,
          %sub3A_1099 = arith.constant 2.33333325 : f32
          %sub3A_1100 = vector.broadcast %sub3A_1099 : f32 to vector<16xf32>
          %sub3A_1101 = arith.subf %mul3A_1005, %sub3A_1100 : vector<16xf32>
          %mul3A_1102 = arith.mulf %sub3A_1101, %sub3A_1101 : vector<16xf32>
          %mul3A_1103 = arith.constant -4.500000e+00 : f32
          %mul3A_1104 = vector.broadcast %mul3A_1103 : f32 to vector<16xf32>
          %mul3A_1105 = arith.mulf %mul3A_1102, %mul3A_1104 : vector<16xf32>
          %exp3A_1106 = math.exp %mul3A_1105 : vector<16xf32>
          %add3A_1107 = arith.constant 896 : i32
          %add3A_1108 = arith.addi %add3A_1014, %add3A_1107 : i32
          %swap3A_1109 = arith.index_cast %add3A_1108 : i32 to index
          %swap3A_1110 = tpu.vector_load %arg29[%swap3A_1109] {strides = array<i32>} : memref<10240xf32, #tpu.memory_space<vmem>>, vector<16xf32>,
          tpu.vector_store %arg29[%swap3A_1109], %exp3A_1106 {strides = array<i32>} : memref<10240xf32, #tpu.memory_space<vmem>>, vector<16xf32>,
          %sub3A_1111 = arith.constant 2.66666675 : f32
          %sub3A_1112 = vector.broadcast %sub3A_1111 : f32 to vector<16xf32>
          %sub3A_1113 = arith.subf %mul3A_1005, %sub3A_1112 : vector<16xf32>
          %mul3A_1114 = arith.mulf %sub3A_1113, %sub3A_1113 : vector<16xf32>
          %mul3A_1115 = arith.constant -4.500000e+00 : f32
          %mul3A_1116 = vector.broadcast %mul3A_1115 : f32 to vector<16xf32>
          %mul3A_1117 = arith.mulf %mul3A_1114, %mul3A_1116 : vector<16xf32>
          %exp3A_1118 = math.exp %mul3A_1117 : vector<16xf32>
          %add3A_1119 = arith.constant 0 : i32
          %add3A_1120 = arith.addi %add3A_1014, %add3A_1119 : i32
          %swap3A_1121 = arith.index_cast %add3A_1120 : i32 to index
          %swap3A_1122 = tpu.vector_load %arg30[%swap3A_1121] {strides = array<i32>} : memref<10240xf32, #tpu.memory_space<vmem>>, vector<16xf32>,
          tpu.vector_store %arg30[%swap3A_1121], %exp3A_1118 {strides = array<i32>} : memref<10240xf32, #tpu.memory_space<vmem>>, vector<16xf32>,
          %sub3A_1123 = arith.constant 3.000000e+00 : f32
          %sub3A_1124 = vector.broadcast %sub3A_1123 : f32 to vector<16xf32>
          %sub3A_1125 = arith.subf %mul3A_1005, %sub3A_1124 : vector<16xf32>
          %mul3A_1126 = arith.mulf %sub3A_1125, %sub3A_1125 : vector<16xf32>
          %mul3A_1127 = arith.constant -4.500000e+00 : f32
          %mul3A_1128 = vector.broadcast %mul3A_1127 : f32 to vector<16xf32>
          %mul3A_1129 = arith.mulf %mul3A_1126, %mul3A_1128 : vector<16xf32>
          %exp3A_1130 = math.exp %mul3A_1129 : vector<16xf32>
          %add3A_1131 = arith.constant 128 : i32
          %add3A_1132 = arith.addi %add3A_1014, %add3A_1131 : i32
          %swap3A_1133 = arith.index_cast %add3A_1132 : i32 to index
          %swap3A_1134 = tpu.vector_load %arg30[%swap3A_1133] {strides = array<i32>} : memref<10240xf32, #tpu.memory_space<vmem>>, vector<16xf32>,
          tpu.vector_store %arg30[%swap3A_1133], %exp3A_1130 {strides = array<i32>} : memref<10240xf32, #tpu.memory_space<vmem>>, vector<16xf32>,
          %sub3A_1135 = arith.constant 3.33333325 : f32
          %sub3A_1136 = vector.broadcast %sub3A_1135 : f32 to vector<16xf32>
          %sub3A_1137 = arith.subf %mul3A_1005, %sub3A_1136 : vector<16xf32>
          %mul3A_1138 = arith.mulf %sub3A_1137, %sub3A_1137 : vector<16xf32>
          %mul3A_1139 = arith.constant -4.500000e+00 : f32
          %mul3A_1140 = vector.broadcast %mul3A_1139 : f32 to vector<16xf32>
          %mul3A_1141 = arith.mulf %mul3A_1138, %mul3A_1140 : vector<16xf32>
          %exp3A_1142 = math.exp %mul3A_1141 : vector<16xf32>
          %add3A_1143 = arith.constant 256 : i32
          %add3A_1144 = arith.addi %add3A_1014, %add3A_1143 : i32
          %swap3A_1145 = arith.index_cast %add3A_1144 : i32 to index
          %swap3A_1146 = tpu.vector_load %arg30[%swap3A_1145] {strides = array<i32>} : memref<10240xf32, #tpu.memory_space<vmem>>, vector<16xf32>,
          tpu.vector_store %arg30[%swap3A_1145], %exp3A_1142 {strides = array<i32>} : memref<10240xf32, #tpu.memory_space<vmem>>, vector<16xf32>,
          %sub3A_1147 = arith.constant 3.66666675 : f32
          %sub3A_1148 = vector.broadcast %sub3A_1147 : f32 to vector<16xf32>
          %sub3A_1149 = arith.subf %mul3A_1005, %sub3A_1148 : vector<16xf32>
          %mul3A_1150 = arith.mulf %sub3A_1149, %sub3A_1149 : vector<16xf32>
          %mul3A_1151 = arith.constant -4.500000e+00 : f32
          %mul3A_1152 = vector.broadcast %mul3A_1151 : f32 to vector<16xf32>
          %mul3A_1153 = arith.mulf %mul3A_1150, %mul3A_1152 : vector<16xf32>
          %exp3A_1154 = math.exp %mul3A_1153 : vector<16xf32>
          %add3A_1155 = arith.constant 384 : i32
          %add3A_1156 = arith.addi %add3A_1014, %add3A_1155 : i32
          %swap3A_1157 = arith.index_cast %add3A_1156 : i32 to index
          %swap3A_1158 = tpu.vector_load %arg30[%swap3A_1157] {strides = array<i32>} : memref<10240xf32, #tpu.memory_space<vmem>>, vector<16xf32>,
          tpu.vector_store %arg30[%swap3A_1157], %exp3A_1154 {strides = array<i32>} : memref<10240xf32, #tpu.memory_space<vmem>>, vector<16xf32>,
          %sub3A_1159 = arith.constant 4.000000e+00 : f32
          %sub3A_1160 = vector.broadcast %sub3A_1159 : f32 to vector<16xf32>
          %sub3A_1161 = arith.subf %mul3A_1005, %sub3A_1160 : vector<16xf32>
          %mul3A_1162 = arith.mulf %sub3A_1161, %sub3A_1161 : vector<16xf32>
          %mul3A_1163 = arith.constant -4.500000e+00 : f32
          %mul3A_1164 = vector.broadcast %mul3A_1163 : f32 to vector<16xf32>
          %mul3A_1165 = arith.mulf %mul3A_1162, %mul3A_1164 : vector<16xf32>
          %exp3A_1166 = math.exp %mul3A_1165 : vector<16xf32>
          %add3A_1167 = arith.constant 512 : i32
          %add3A_1168 = arith.addi %add3A_1014, %add3A_1167 : i32
          %swap3A_1169 = arith.index_cast %add3A_1168 : i32 to index
          %swap3A_1170 = tpu.vector_load %arg30[%swap3A_1169] {strides = array<i32>} : memref<10240xf32, #tpu.memory_space<vmem>>, vector<16xf32>,
          tpu.vector_store %arg30[%swap3A_1169], %exp3A_1166 {strides = array<i32>} : memref<10240xf32, #tpu.memory_space<vmem>>, vector<16xf32>,
          %sub3A_1171 = arith.constant 4.33333349 : f32
          %sub3A_1172 = vector.broadcast %sub3A_1171 : f32 to vector<16xf32>
          %sub3A_1173 = arith.subf %mul3A_1005, %sub3A_1172 : vector<16xf32>
          %mul3A_1174 = arith.mulf %sub3A_1173, %sub3A_1173 : vector<16xf32>
          %mul3A_1175 = arith.constant -4.500000e+00 : f32
          %mul3A_1176 = vector.broadcast %mul3A_1175 : f32 to vector<16xf32>
          %mul3A_1177 = arith.mulf %mul3A_1174, %mul3A_1176 : vector<16xf32>
          %exp3A_1178 = math.exp %mul3A_1177 : vector<16xf32>
          %add3A_1179 = arith.constant 640 : i32
          %add3A_1180 = arith.addi %add3A_1014, %add3A_1179 : i32
          %swap3A_1181 = arith.index_cast %add3A_1180 : i32 to index
          %swap3A_1182 = tpu.vector_load %arg30[%swap3A_1181] {strides = array<i32>} : memref<10240xf32, #tpu.memory_space<vmem>>, vector<16xf32>,
          tpu.vector_store %arg30[%swap3A_1181], %exp3A_1178 {strides = array<i32>} : memref<10240xf32, #tpu.memory_space<vmem>>, vector<16xf32>,
          %sub3A_1183 = arith.constant 4.66666651 : f32
          %sub3A_1184 = vector.broadcast %sub3A_1183 : f32 to vector<16xf32>
          %sub3A_1185 = arith.subf %mul3A_1005, %sub3A_1184 : vector<16xf32>
          %mul3A_1186 = arith.mulf %sub3A_1185, %sub3A_1185 : vector<16xf32>
          %mul3A_1187 = arith.constant -4.500000e+00 : f32
          %mul3A_1188 = vector.broadcast %mul3A_1187 : f32 to vector<16xf32>
          %mul3A_1189 = arith.mulf %mul3A_1186, %mul3A_1188 : vector<16xf32>
          %exp3A_1190 = math.exp %mul3A_1189 : vector<16xf32>
          %add3A_1191 = arith.constant 768 : i32
          %add3A_1192 = arith.addi %add3A_1014, %add3A_1191 : i32
          %swap3A_1193 = arith.index_cast %add3A_1192 : i32 to index
          %swap3A_1194 = tpu.vector_load %arg30[%swap3A_1193] {strides = array<i32>} : memref<10240xf32, #tpu.memory_space<vmem>>, vector<16xf32>,
          tpu.vector_store %arg30[%swap3A_1193], %exp3A_1190 {strides = array<i32>} : memref<10240xf32, #tpu.memory_space<vmem>>, vector<16xf32>,
          %sub3A_1195 = arith.constant 5.000000e+00 : f32
          %sub3A_1196 = vector.broadcast %sub3A_1195 : f32 to vector<16xf32>
          %sub3A_1197 = arith.subf %mul3A_1005, %sub3A_1196 : vector<16xf32>
          %mul3A_1198 = arith.mulf %sub3A_1197, %sub3A_1197 : vector<16xf32>
          %mul3A_1199 = arith.constant -4.500000e+00 : f32
          %mul3A_1200 = vector.broadcast %mul3A_1199 : f32 to vector<16xf32>
          %mul3A_1201 = arith.mulf %mul3A_1198, %mul3A_1200 : vector<16xf32>
          %exp3A_1202 = math.exp %mul3A_1201 : vector<16xf32>
          %add3A_1203 = arith.constant 896 : i32
          %add3A_1204 = arith.addi %add3A_1014, %add3A_1203 : i32
          %swap3A_1205 = arith.index_cast %add3A_1204 : i32 to index
          %swap3A_1206 = tpu.vector_load %arg30[%swap3A_1205] {strides = array<i32>} : memref<10240xf32, #tpu.memory_space<vmem>>, vector<16xf32>,
          tpu.vector_store %arg30[%swap3A_1205], %exp3A_1202 {strides = array<i32>} : memref<10240xf32, #tpu.memory_space<vmem>>, vector<16xf32>,
        }
        %scan3A_138 = arith.constant 20 : i32
        %mul3A_139 = arith.constant 8 : i32
        %mul3A_140 = arith.muli %mul3A_111, %mul3A_139 : i32
        %dma_start3A = tpu.memref_slice %arg7[%mul3A_140] : memref<51200000xf32, #tpu.memory_space<hbm>> -> memref<10240xf32, #tpu.memory_space<hbm>>
        %dma_start3A_141 = tpu.memref_slice %arg7[%mul3A_140] : memref<51200000xf32, #tpu.memory_space<hbm>> -> memref<10240xf32, #tpu.memory_space<hbm>>
        tpu.enqueue_dma source(%arg29 : memref<10240xf32, #tpu.memory_space<vmem>>) target(%dma_start3A_141 : memref<10240xf32, #tpu.memory_space<hbm>>) target_semaphore(%arg34 : memref<!tpu.dma_semaphore, #tpu.memory_space<semaphore_mem>>)
        %mul3A_142 = arith.constant 8 : i32
        %mul3A_143 = arith.muli %mul3A_111, %mul3A_142 : i32
        %add3A_144 = arith.constant 25600000 : i32
        %add3A_145 = arith.addi %add3A_144, %mul3A_143 : i32
        %dma_start3A_146 = tpu.memref_slice %arg7[%add3A_145] : memref<51200000xf32, #tpu.memory_space<hbm>> -> memref<10240xf32, #tpu.memory_space<hbm>>
        %dma_start3A_147 = tpu.memref_slice %arg7[%add3A_145] : memref<51200000xf32, #tpu.memory_space<hbm>> -> memref<10240xf32, #tpu.memory_space<hbm>>
        tpu.enqueue_dma source(%arg30 : memref<10240xf32, #tpu.memory_space<vmem>>) target(%dma_start3A_147 : memref<10240xf32, #tpu.memory_space<hbm>>) target_semaphore(%arg34 : memref<!tpu.dma_semaphore, #tpu.memory_space<semaphore_mem>>)
      } else {
      }
    }
    %scan3A_27 = arith.constant 40 : i32
    %add3A_28 = arith.constant 2496 : i32
    %add3A_29 = arith.addi %add3A_28, %add3A : i32
    %lt3A_30 = arith.constant 2500 : i32
    %lt3A_31 = arith.cmpi slt, %add3A_29, %lt3A_30 : i32
    %and3A = arith.constant true
    %and3A_32 = arith.andi %and3A, %lt3A_31 : i1
    %convert_element_type3A_33 = arith.extui %and3A_32 : i1 to i32
    %cond3A_34 = arith.constant 0 : i32
    %cond3A_35 = arith.cmpi ne, %convert_element_type3A_33, %cond3A_34 : i32
    scf.if %cond3A_35 {
      %mul3A_45 = arith.constant 1280 : i32
      %mul3A_46 = arith.muli %add3A_29, %mul3A_45 : i32
      %mul3A_47 = arith.constant 8 : i32
      %mul3A_48 = arith.muli %mul3A_46, %mul3A_47 : i32
      %dma_wait3A = tpu.memref_slice %arg7[%mul3A_48] : memref<51200000xf32, #tpu.memory_space<hbm>> -> memref<10240xf32, #tpu.memory_space<hbm>>
      %dma_wait3A_49 = tpu.memref_slice %arg7[%mul3A_48] : memref<51200000xf32, #tpu.memory_space<hbm>> -> memref<10240xf32, #tpu.memory_space<hbm>>
      tpu.wait_dma2 semaphore(%arg33 : memref<!tpu.dma_semaphore, #tpu.memory_space<semaphore_mem>>) src(%arg19 : memref<10240xf32, #tpu.memory_space<vmem>>) dst(%dma_wait3A_49 : memref<10240xf32, #tpu.memory_space<hbm>>)
      %mul3A_50 = arith.constant 8 : i32
      %mul3A_51 = arith.muli %mul3A_46, %mul3A_50 : i32
      %add3A_52 = arith.constant 25600000 : i32
      %add3A_53 = arith.addi %add3A_52, %mul3A_51 : i32
      %dma_wait3A_54 = tpu.memref_slice %arg7[%add3A_53] : memref<51200000xf32, #tpu.memory_space<hbm>> -> memref<10240xf32, #tpu.memory_space<hbm>>
      %dma_wait3A_55 = tpu.memref_slice %arg7[%add3A_53] : memref<51200000xf32, #tpu.memory_space<hbm>> -> memref<10240xf32, #tpu.memory_space<hbm>>
      tpu.wait_dma2 semaphore(%arg33 : memref<!tpu.dma_semaphore, #tpu.memory_space<semaphore_mem>>) src(%arg20 : memref<10240xf32, #tpu.memory_space<vmem>>) dst(%dma_wait3A_55 : memref<10240xf32, #tpu.memory_space<hbm>>)
    } else {
    }
    %add3A_36 = arith.constant 2528 : i32
    %add3A_37 = arith.addi %add3A_36, %add3A : i32
    %lt3A_38 = arith.constant 2500 : i32
    %lt3A_39 = arith.cmpi slt, %add3A_37, %lt3A_38 : i32
    %and3A_40 = arith.constant true
    %and3A_41 = arith.andi %and3A_40, %lt3A_39 : i1
    %convert_element_type3A_42 = arith.extui %and3A_41 : i1 to i32
    %cond3A_43 = arith.constant 0 : i32
    %cond3A_44 = arith.cmpi ne, %convert_element_type3A_42, %cond3A_43 : i32
    scf.if %cond3A_44 {
      %mul3A_45 = arith.constant 1280 : i32
      %mul3A_46 = arith.muli %add3A_37, %mul3A_45 : i32
      %mul3A_47 = arith.constant 8 : i32
      %mul3A_48 = arith.muli %mul3A_46, %mul3A_47 : i32
      %dma_wait3A = tpu.memref_slice %arg7[%mul3A_48] : memref<51200000xf32, #tpu.memory_space<hbm>> -> memref<10240xf32, #tpu.memory_space<hbm>>
      %dma_wait3A_49 = tpu.memref_slice %arg7[%mul3A_48] : memref<51200000xf32, #tpu.memory_space<hbm>> -> memref<10240xf32, #tpu.memory_space<hbm>>
      tpu.wait_dma2 semaphore(%arg34 : memref<!tpu.dma_semaphore, #tpu.memory_space<semaphore_mem>>) src(%arg29 : memref<10240xf32, #tpu.memory_space<vmem>>) dst(%dma_wait3A_49 : memref<10240xf32, #tpu.memory_space<hbm>>)
      %mul3A_50 = arith.constant 8 : i32
      %mul3A_51 = arith.muli %mul3A_46, %mul3A_50 : i32
      %add3A_52 = arith.constant 25600000 : i32
      %add3A_53 = arith.addi %add3A_52, %mul3A_51 : i32
      %dma_wait3A_54 = tpu.memref_slice %arg7[%add3A_53] : memref<51200000xf32, #tpu.memory_space<hbm>> -> memref<10240xf32, #tpu.memory_space<hbm>>
      %dma_wait3A_55 = tpu.memref_slice %arg7[%add3A_53] : memref<51200000xf32, #tpu.memory_space<hbm>> -> memref<10240xf32, #tpu.memory_space<hbm>>
      tpu.wait_dma2 semaphore(%arg34 : memref<!tpu.dma_semaphore, #tpu.memory_space<semaphore_mem>>) src(%arg30 : memref<10240xf32, #tpu.memory_space<vmem>>) dst(%dma_wait3A_55 : memref<10240xf32, #tpu.memory_space<hbm>>)
    } else {
    }
    return
  }
}

</mosaic_0001>

<sc_bundles>
// kernel: _radial.3.cloned.1.call-start
scs
__scs_entry_jumppad:
0x0: {  	(pc) =	sbr.rel $0x88, $3  }
0x1: {  	(tag) =	ssettag $0x0;
	lr =	simm.s32 $0x1  }
0x2: {  	[smem:$0x3F9C] =	sst lr;
	_ =	strace $0xD0000000  }
0x3: {  	_ = 	snop  }
0x4: {  	_ = 	snop  }
0x5: {  	_ = 	snop  }
0x6: {  	_ = 	snop  }
0x7: {  	_ = 	snop  }
__scs_overlays_trampoline_lowered:
0x8: {  	[smem:$0x3FAB] =	sst s0  }
0x9: {  	[smem:$0x3FAC] =	sst s1  }
0xa: {  	[smem:$0x3FAD] =	sst s2  }
0xb: {  	[smem:$0x3FAE] =	sst s3  }
0xc: {  	[smem:$0x3FAF] =	sst s4  }
0xd: {  	[smem:$0x3FB0] =	sst s5  }
0xe: {  	[smem:$0x3FB1] =	sst s6  }
0xf: {  	[smem:$0x3FB2] =	sst s7  }
0x10: {  	[smem:$0x3FB3] =	sst s8  }
0x11: {  	[smem:$0x3FB4] =	sst s9;
	s0 =	simm.s32 @!p0 $0x0  }
0x12: {  	s1 =	sld [smem:$0x3F9A];
	s0 =	simm.s32 @p0 $0x1  }
0x13: {  	[smem:$0x3FB5] =	sst s0;
	s0 =	simm.s32 @!p1 $0x0  }
0x14: {  	s2 =	sld [smem:$0x3F99];
	s0 =	simm.s32 @p1 $0x1  }
0x15: {  	[smem:$0x3FB6] =	sst s0;
	s0 =	simm.s32 @!p2 $0x0  }
0x16: {  	s3 =	sld [smem:$0x3FDB];
	s0 =	simm.s32 @p2 $0x1  }
0x17: {  	s4 =	simm.s32 $0x1BF5;
	[smem:$0x3FB8] =	sst s0  }
0x18: {  	s0 =	sld [smem:$0x3F9B];
	_ =	swait.ge [sflag:s4], $0x0  }
0x19: {  	s7 =	sld [smem:$0x3F9C]  }
0x1a: {  	s8 =	sadd.s32 $0xFFFFE003, lr  }
0x1b: {  	s9 =	sadd.s32 $0xFFFFFEF7, lr;
	s5 =	simm.s32 $0xFFFFFFFF;
	p2 =	slt.u32 s8, $0xFFFFF086  }
0x1c: {  	p1 =	slt.u32 s9, $0xF7A;
	s5 =	simm.s32 @!p2 $0x0  }
0x1d: {  	s5 =	simm.s32 @p1 $0x1;
	p0 =	seq.s32 s7, s2  }
0x1e: {  	s7 =	smul.u32 @!p0 $0xF7A, s2;
	p2 =	seq.s32 @!p0 s5, $0x0  }
0x1f: {  	s9 =	smul.u32 $0xF7A, s1;
	s8 =	simm.s32 @!p0 $0x1BF5;
	p2 =	por !p2, p0  }
0x20: {  	[sflag:s8] =	ssyncset.s32 @!p0 $0xFFFFF086;
	s6 =	sadd.s32 @!p0 s3, s7;
	s7 =	simm.s32 @!p0 $0x108  }
0x21: {  	s3 =	sadd.s32 s3, s9;
	s6 =	sadd.s32 @!p0 $0x88, s6;
	s7 =	simm.s32 @p2 $0x1082  }
0x22: {  	[simem:s7], [sflag:s8] =	dma.local @!p0 [hbm:s6], $0xF7A  }
0x23: {  	s9 =	sor.u32 $0xD0000000, s2;
	s6 =	simm.s32 $0x108;
	_ =	swait.ge @!p0 [sflag:s8], $0x0  }
0x24: {  	s3 =	sadd.s32 $0x88, s3;
	s6 =	simm.s32 @!p1 $0x1082;
	[sflag:s4] =	ssyncset.s32 $0xFFFFF086  }
0x25: {  	[simem:s6], [sflag:s4] =	dma.local [hbm:s3], $0xF7A  }
0x26: {  	[smem:$0x3F9C] =	sst s1;
	(tag) =	ssettag s2;
	_ =	strace s9  }
0x27: {  	s1 =	sld [smem:$0x3FAC]  }
0x28: {  	s2 =	sld [smem:$0x3FAD]  }
0x29: {  	s4 =	sld [smem:$0x3FAF]  }
0x2a: {  	p0 =	seq.s32 s5, $0x0;
	s5 =	sld [smem:$0x3FB0]  }
0x2b: {  	s6 =	sld [smem:$0x3FB1]  }
0x2c: {  	s7 =	sld [smem:$0x3FB2]  }
0x2d: {  	s3 =	simm.s32 $0x108;
	s8 =	sld [smem:$0x3FB3]  }
0x2e: {  	s3 =	simm.s32 @!p0 $0x1082;
	s9 =	sld [smem:$0x3FB4]  }
0x2f: {  	lr =	sadd.s32 s0, s3;
	s0 =	sld [smem:$0x3FAB]  }
0x30: {  	s3 =	sld [smem:$0x3FAE]  }
0x31: {  	[smem:$0x3FB7] =	sst s10  }
0x32: {  	s10 =	sld [smem:$0x3FB5];
	_ =	sdelay $0x3  }
0x33: {  	p0 =	seq.s32 s10, $0x1;
	s10 =	sld [smem:$0x3FB7];
	_ =	sdelay $0x3  }
0x34: {  	[smem:$0x3FB7] =	sst s10  }
0x35: {  	s10 =	sld [smem:$0x3FB6];
	_ =	sdelay $0x3  }
0x36: {  	p1 =	seq.s32 s10, $0x1;
	s10 =	sld [smem:$0x3FB7];
	_ =	sdelay $0x3  }
0x37: {  	[smem:$0x3FB7] =	sst s10  }
0x38: {  	s10 =	sld [smem:$0x3FB8]  }
0x39: {  	_ = 	snop;
	(pc) =	sbr.ind lr, $3  }
0x3a: {  	_ = 	snop  }
0x3b: {  	_ = 	snop  }
0x3c: {  	p2 =	seq.s32 s10, $0x1;
	s10 =	sld [smem:$0x3FB7]  }
0x3d: {  	_ =	shalt  }
0x3e: {  	_ =	shalt  }
0x3f: {  	_ =	shalt  }
0x40: {  	_ =	shalt  }
0x41: {  	_ =	shalt  }
0x42: {  	_ =	shalt  }
0x43: {  	_ =	shalt  }
0x44: {  	_ =	shalt  }
0x45: {  	_ =	shalt  }
0x46: {  	_ =	shalt  }
0x47: {  	_ =	shalt  }
0x48: {  	_ =	shalt  }
0x49: {  	_ =	shalt  }
0x4a: {  	_ =	shalt  }
0x4b: {  	_ =	shalt  }
0x4c: {  	_ =	shalt  }
0x4d: {  	_ =	shalt  }
0x4e: {  	_ =	shalt  }
0x4f: {  	_ =	shalt  }
0x50: {  	_ =	shalt  }
0x51: {  	_ =	shalt  }
0x52: {  	_ =	shalt  }
0x53: {  	_ =	shalt  }
0x54: {  	_ =	shalt  }
0x55: {  	_ =	shalt  }
0x56: {  	_ =	shalt  }
0x57: {  	_ =	shalt  }
0x58: {  	_ =	shalt  }
0x59: {  	_ =	shalt  }
0x5a: {  	_ =	shalt  }
0x5b: {  	_ =	shalt  }
0x5c: {  	_ =	shalt  }
0x5d: {  	_ =	shalt  }
0x5e: {  	_ =	shalt  }
0x5f: {  	_ =	shalt  }
0x60: {  	_ =	shalt  }
0x61: {  	_ =	shalt  }
0x62: {  	_ =	shalt  }
0x63: {  	_ =	shalt  }
0x64: {  	_ =	shalt  }
0x65: {  	_ =	shalt  }
0x66: {  	_ =	shalt  }
0x67: {  	_ =	shalt  }
0x68: {  	_ =	shalt  }
0x69: {  	_ =	shalt  }
0x6a: {  	_ =	shalt  }
0x6b: {  	_ =	shalt  }
0x6c: {  	_ =	shalt  }
0x6d: {  	_ =	shalt  }
0x6e: {  	_ =	shalt  }
0x6f: {  	_ =	shalt  }
0x70: {  	_ =	shalt  }
0x71: {  	_ =	shalt  }
0x72: {  	_ =	shalt  }
0x73: {  	_ =	shalt  }
0x74: {  	_ =	shalt  }
0x75: {  	_ =	shalt  }
0x76: {  	_ =	shalt  }
0x77: {  	_ =	shalt  }
0x78: {  	_ =	shalt  }
0x79: {  	_ =	shalt  }
0x7a: {  	_ =	shalt  }
0x7b: {  	_ =	shalt  }
0x7c: {  	_ =	shalt  }
0x7d: {  	_ =	shalt  }
0x7e: {  	_ =	shalt  }
0x7f: {  	_ =	shalt  }
0x80: {  	_ =	shalt  }
0x81: {  	_ =	shalt  }
0x82: {  	_ =	shalt  }
0x83: {  	_ =	shalt  }
0x84: {  	_ =	shalt  }
0x85: {  	_ =	shalt  }
0x86: {  	_ =	shalt  }
0x87: {  	_ =	shalt  }
.Lfunc_end0:
.L_simem_size_0:
called_computation_lowered:
.L_overlay_start_0:
0x88: {  	s2 =	sld [smem:$0x3FD9]  }
0x89: {  	s3 =	sld [smem:$0x3FFE];
	_ =	sdelay $0x1  }
0x8a: {  	s1 =	srdreg.scid  }
0x8b: {  	s0 =	sand.u32 $0x1, s1  }
0x8c: {  	s18 =	sshll.u32 s0, $0xA;
	s2 =	sadd.s32 s3, s2  }
0x8d: {  	s2 =	sadd.s32 s2, s18  }
0x8e: {  	[smem:$0x3FC3] =	sst s2  }
0x8f: {  	_ = 	snop  }
0x90: {  	s2 =	sld [smem:$0x3FC9]  }
0x91: {  	s19 =	sld [smem:$0x3FC8]  }
0x92: {  	s4 =	sld [smem:$0x3FC7]  }
0x93: {  	s5 =	sld [smem:$0x3FC6]  }
0x94: {  	s6 =	sld [smem:$0x3FC5]  }
0x95: {  	s7 =	sld [smem:$0x3FD0];
	(tm) =	ssettm $0x1  }
0x96: {  	s8 =	sld [smem:$0x3FFB];
	_ =	sdelay $0x3  }
0x97: {  	_ =	strace s8  }
0x98: {  	s8 =	sld [smem:$0x3FFC];
	_ =	sdelay $0x3  }
0x99: {  	_ =	strace s8  }
0x9a: {  	s8 =	sld [smem:$0x3FFD];
	_ =	sdelay $0x3  }
0x9b: {  	_ =	strace s8  }
0x9c: {  	_ =	strace $0x8FFFFFFF  }
0x9d: {  	s20 =	sld [smem:$0x3FDB];
	_ =	sdelay $0x1  }
0x9e: {  	s9 =	simm.s32 $_scs_section_size  }
0x9f: {  	s10 =	simm.s32 $_size__tile_overlayer_lowered;
	s11 =	simm.s32 $_tile_overlayer_lowered  }
0xa0: {  	s23 =	simm.s32 $0x1BFF;
	s22 =	sshll.u32 s11, $0x1;
	s8 =	sadd.s32 s9, s20  }
0xa1: {  	s12 =	simm.s32 $0x0;
	s21 =	sshll.u32 s10, $0x1;
	s10 =	sadd.s32 s22, s8  }
0xa2: {  	[timem:s12], [sflag:s23] =	dma.local [hbm:s10], s21  }
0xa3: {  	_ =	swait.ge [sflag:s23], s21  }
0xa4: {  	s9 =	ssub.s32 $0x0, s21;
	[sflag:s23] =	ssyncset.done $0x0  }
0xa5: {  	[sflag:s23] =	ssyncadd.s32 s9;
	_ =	sdelay $0x1  }
0xa6: {  	s24 =	simm.s32 $0x1B8B  }
0xa7: {  	_ =	swait.ge [sflag:s24], $0x1  }
0xa8: {  	[sflag:s24] =	ssyncset.done $0x0  }
0xa9: {  	s25 =	simm.s32 $0x1B8E;
	[sflag:s24] =	ssyncadd.s32 $0xFFFFFFFF  }
0xaa: {  	s26 =	simm.s32 $execute0_lowered;
	[smem:$0x3FD2] =	sst s25  }
0xab: {  	s9 =	sshll.u32 s26, $0x1;
	_ =	strace $0x80000046;
	[dreg:$0x1] =	wrdreg $0xFFFFFFFF  }
0xac: {  	s28 =	simm.s32 $_size_execute0_lowered;
	s8 =	sadd.s32 s8, s9;
	[dreg:$0x0] =	wrdreg $0x0  }
0xad: {  	s9 =	sshll.u32 s28, $0x1;
	[dreg:$0x2] =	wrdreg s8  }
0xae: {  	[dreg:$0x3] =	wrdreg s9  }
0xaf: {  	[dreg:$0x4] =	wrdreg $0xC0  }
0xb0: {  	_ =	task [dreg:s12], $0x5FFFF  }
0xb1: {  	[dreg:$0x1] =	wrdreg $0xFFFFFFFF  }
0xb2: {  	[dreg:$0x0] =	wrdreg $0x60  }
0xb3: {  	[dreg:$0x2] =	wrdreg s2  }
0xb4: {  	[dreg:$0x3] =	wrdreg s19  }
0xb5: {  	[dreg:$0x4] =	wrdreg s4  }
0xb6: {  	[dreg:$0x5] =	wrdreg s5  }
0xb7: {  	[dreg:$0x6] =	wrdreg s6  }
0xb8: {  	[dreg:$0x7] =	wrdreg s7  }
0xb9: {  	[dreg:$0x8] =	wrdreg $0x0  }
0xba: {  	[dreg:$0x9] =	wrdreg $0x18700  }
0xbb: {  	[dreg:$0xa] =	wrdreg $0x30E00  }
0xbc: {  	[dreg:$0xb] =	wrdreg $0x9  }
0xbd: {  	_ =	task.clear_ibuf [dreg:s12], $0xCFFFF;
	_ =	strace $0x90000046  }
0xbe: {  	s29 =	simm.s32 $0x9;
	_ =	strace $0x80000048  }
0xbf: {  	_ =	swait.ge [sflag:s29], $0x1  }
0xc0: {  	[sflag:s29] =	ssyncadd.s32 $0xFFFFFFFF  }
0xc1: {  	_ =	strace $0x90000048  }
0xc2: {  	_ =	sfence  }
0xc3: {  	s30 =	sld [smem:$0x0];
	_ =	sdelay $0x2  }
0xc4: {  	s31 =	sshll.u32 s1, $0xD;
	s1 =	sshrl.u32 s1, $0x2  }
0xc5: {  	s3 =	sand.u32 $0x4000, s31;
	s1 =	sadd.s32 s1, s30  }
0xc6: {  	s0 =	sor.u32 s3, s0;
	s1 =	sshll.u32 s1, $0x11  }
0xc7: {  	s0 =	sor.u32 s1, s0  }
0xc8: {  	s0 =	sadd.s32 $0x8F2B, s0  }
0xc9: {  	[sflag:s0] =	ssyncadd.remote.s32 $0x1  }
0xca: {  	_ =	sfence.sel $0xFFFF  }
0xcb: {  	[dreg:$0x0] =	wrdreg $0xFFFFFFFF;
	(pc) =	sbr.abs _section_cstart, $3  }
0xcc: {  	[dreg:$0x1] =	wrdreg $0xFFFFFFFF  }
0xcd: {  	_ =	task.clear_ibuf [dreg:s12], $0x2FFFF;
	_ =	strace $0x9FFFFFFF  }
0xce: {  	(tm) =	ssettm $0x7FFFFFFF  }
0xcf: {  	_ =	shalt  }
tec
execute0_lowered:
.L_overlay_start_1:
0x0: {  	(tag) =	ssettag $0x1  }
0x1: {  	s3 =	rddreg [dreg:$0x3]  }
0x2: {  	s4 =	rddreg [dreg:$0x4]  }
0x3: {  	s5 =	rddreg [dreg:$0x5]  }
0x4: {  	s6 =	rddreg [dreg:$0x6]  }
0x5: {  	s7 =	rddreg [dreg:$0x7];
	s0 =	srdreg.scid  }
0x6: {  	s1 =	stileid.u32;
	s9 =	rddreg [dreg:$0x8]  }
0x7: {  	s11 =	simm.s32 $0x0;
	s28 =	simm.s32 $0x1;
	s29 =	simm.s32 $0x7150  }
0x8: {  	s30 =	simm.s32 $0x9950;
	s31 =	simm.s32 $0x2;
	s0 =	sand.u32 $0x1, s0  }
0x9: {  	s2 =	sshll.u32 s1, $0x1;
	[smem:$0x7FF] =	sst s11;
	p0 =	sne.s32 s1, $0x0  }
0xa: {  	p1 =	sgt.u32 s1, $0x1;
	s1 =	simm.s32 $0x0;
	s10 =	sor.u32 s0, s2  }
0xb: {  	s0 =	ssub.s32 $0x2, s0;
	_ =	strace $0x80000047;
	s13 =	smul.u32 $0xA0, s10  }
0xc: {  	s17 =	ssub.s32 $0x984, s2;
	s8 =	smul.u32 $0x500, s10;
	s12 =	sshrl.u32 s0, $0x1  }
0xd: {  	s16 =	sor.u32 $0x40, s10;
	s18 =	sor.u32 $0x60, s10;
	s24 =	sadd.s32 s3, s13  }
0xe: {  	s0 =	ssub.s32 s0, s12;
	s25 =	sadd.s32 s4, s13;
	[dreg:$0xa] =	wrdreg s24  }
0xf: {  	s8 =	sshrl.u32 s8, $0x3;
	s0 =	smax.u32 s0, $0x1;
	[dreg:$0xb] =	wrdreg s25  }
0x10: {  	s8 =	sadd.s32 $0x1400, s8;
	[dreg:$0xe] =	wrdreg s0;
	s0 =	sshrl.u32 @!p0 s6, $0x3  }
.Ltmp0:
0x11: {  	s26 =	sadd.s32 s3, s8;
	[dreg:$0xf] =	wrdreg s0;
	(pc) =	sbr.rel .LBB2_1-.Ltmp0, $4  }
0x12: {  	s24 =	simm.s32 $0x4E50;
	s8 =	sadd.s32 s4, s8;
	[dreg:$0xc] =	wrdreg s26  }
0x13: {  	s25 =	simm.s32 $0x5;
	s0 =	sshrl.u32 @!p0 s7, $0x3;
	[dreg:$0xd] =	wrdreg s8  }
0x14: {  	[dreg:$0x10] =	wrdreg s0;
	s0 =	sshrl.u32 @!p0 s9, $0x3;
	s26 =	simm.s32 $0x500  }
0x15: {  	s8 =	simm.s32 $0xE950;
	[dreg:$0x11] =	wrdreg s0;
	s0 =	simm.s32 $0x11150  }
.LBB2_11:
0x16: {  	s2 =	simm.s32 @!p1 $0x3  }
0x17: {  	_ =	swait.ge @!p1 [sflag:s2], $0x2800  }
0x18: {  	[sflag:s2] =	ssyncset.done @!p1 $0x0  }
0x19: {  	[sflag:s2] =	ssyncadd.s32 @!p1 $0xFFFFD800  }
0x1a: {  	_ =	swait.ge @!p1 [sflag:s2], $0x2800  }
0x1b: {  	s1 =	sadd.s32 $0x1, s1;
	s12 =	rddreg [dreg:$0xe]  }
0x1c: {  	p2 =	sne.s32 s1, s12  }
.Ltmp1:
0x1d: {  	_ = 	snop;
	(pc) =	sbr.rel @!p2 .LBB2_12-.Ltmp1, $3  }
0x1e: {  	_ =	sdelay $0x1  }
0x1f: {  	[sflag:s2] =	ssyncset.done @!p1 $0x0  }
0x20: {  	[sflag:s2] =	ssyncadd.s32 @!p1 $0xFFFFD800  }
.LBB2_1:
0x21: {  	s12 =	rddreg [dreg:$0x0]  }
0x22: {  	s2 =	simm.s32 @!p0 $0x1C07;
	s13 =	rddreg [dreg:$0xf]  }
0x23: {  	[spmem:s13], [sflag:s2] =	dma.local @!p0 [hbm:s12], $0x30D4  }
0x24: {  	s12 =	simm.s32 @!p0 $0x7  }
0x25: {  	_ =	swait.ge @!p0 [sflag:s12], $0x30D4  }
0x26: {  	[sflag:s12] =	ssyncset.done @!p0 $0x0  }
0x27: {  	s14 =	rddreg [dreg:$0x10];
	[sflag:s12] =	ssyncadd.s32 @!p0 $0xFFFFCF2C  }
0x28: {  	s13 =	rddreg [dreg:$0x1]  }
0x29: {  	[spmem:s14], [sflag:s2] =	dma.local @!p0 [hbm:s13], $0x30D4  }
0x2a: {  	_ =	swait.ge @!p0 [sflag:s12], $0x30D4  }
0x2b: {  	[sflag:s12] =	ssyncset.done @!p0 $0x0  }
0x2c: {  	s14 =	rddreg [dreg:$0x11];
	[sflag:s12] =	ssyncadd.s32 @!p0 $0xFFFFCF2C  }
0x2d: {  	s13 =	rddreg [dreg:$0x2]  }
0x2e: {  	[spmem:s14], [sflag:s2] =	dma.local @!p0 [hbm:s13], $0x30D4  }
0x2f: {  	_ =	swait.ge @!p0 [sflag:s12], $0x30D4  }
0x30: {  	[sflag:s12] =	ssyncset.done @!p0 $0x0  }
0x31: {  	[sflag:s12] =	ssyncadd.s32 @!p0 $0xFFFFCF2C  }
0x32: {  	[bflag:$0x0] =	sbarrier.arrive $0xFFFF  }
0x33: {  	s20 =	simm.s32 $0x4950;
	s19 =	rddreg [dreg:$0xa]  }
0x34: {  	[tilespmem:s20], [sflag:$0x5] =	stream.linear.gather [hbm4b:s19+s11], $0x500, $0x38;
	[tilespmem:$0x13950] =	vst v63  }
0x35: {  	s21 =	rddreg [dreg:$0xb]  }
0x36: {  	[tilespmem:s24], [sflag:$0x5] =	stream.linear.gather [hbm4b:s21+s11], $0x500, $0x38;
	[tilespmem:$0x13950] =	vst v63  }
0x37: {  	_ =	swait.ge [sflag:s25], $0x500  }
0x38: {  	[sflag:s25] =	ssyncset.done $0x0  }
0x39: {  	[sflag:s25] =	ssyncadd.s32 $0xFFFFFB00  }
0x3a: {  	_ =	swait.ge [sflag:s25], $0x500  }
0x3b: {  	[sflag:s25] =	ssyncset.done $0x0  }
0x3c: {  	s22 =	simm.s32 $0x5350;
	[sflag:s25] =	ssyncadd.s32 $0xFFFFFB00  }
0x3d: {  	[tilespmem:s22], [sflag:$0x1] =	stream.indirect.gather [spmem:s6], $0x1, s20, s26, $0xb8;
	[tilespmem:$0x13950] =	vst v63  }
0x3e: {  	s23 =	simm.s32 $0x5850  }
0x3f: {  	[tilespmem:s23], [sflag:$0x1] =	stream.indirect.gather [spmem:s7], $0x1, s20, s26, $0xb8;
	[tilespmem:$0x13950] =	vst v63  }
0x40: {  	s13 =	simm.s32 $0x5D50  }
0x41: {  	[tilespmem:s13], [sflag:$0x1] =	stream.indirect.gather [spmem:s9], $0x1, s20, s26, $0xb8;
	[tilespmem:$0x13950] =	vst v63  }
0x42: {  	s14 =	simm.s32 $0x6250  }
0x43: {  	[tilespmem:s14], [sflag:$0x1] =	stream.indirect.gather [spmem:s6], $0x1, s24, s26, $0xb8;
	[tilespmem:$0x13950] =	vst v63  }
0x44: {  	s15 =	simm.s32 $0x6750  }
0x45: {  	[tilespmem:s15], [sflag:$0x1] =	stream.indirect.gather [spmem:s7], $0x1, s24, s26, $0xb8;
	[tilespmem:$0x13950] =	vst v63  }
0x46: {  	s19 =	simm.s32 $0x6C50  }
0x47: {  	[tilespmem:s19], [sflag:$0x1] =	stream.indirect.gather [spmem:s9], $0x1, s24, s26, $0xb8;
	[tilespmem:$0x13950] =	vst v63  }
.Ltmp2:
0x48: {  	_ = 	snop;
	(pc) =	sbr.rel .LBB2_2-.Ltmp2, $4  }
0x49: {  	s21 =	simm.s32 $0xC150;
	s20 =	rddreg [dreg:$0xc]  }
0x4a: {  	[tilespmem:s21], [sflag:$0x6] =	stream.linear.gather [hbm4b:s20+s11], $0x500, $0x38;
	[tilespmem:$0x13950] =	vst v63  }
0x4b: {  	s2 =	simm.s32 $0x0;
	s22 =	rddreg [dreg:$0xd];
	s23 =	simm.s32 $0xC650  }
0x4c: {  	[tilespmem:s23], [sflag:$0x6] =	stream.linear.gather [hbm4b:s22+s11], $0x500, $0x38;
	[tilespmem:$0x13950] =	vst v63  }
.LBB2_10:
0x4d: {  	s2 =	sadd.s32 $0x1, s2  }
0x4e: {  	p2 =	sne.s32 s2, $0x28  }
.Ltmp3:
0x4f: {  	_ = 	snop;
	(pc) =	sbr.rel @!p2 .LBB2_11-.Ltmp3, $1  }
0x50: {  	_ =	sdelay $0x3  }
.LBB2_2:
0x51: {  	s13 =	sshll.u32 s2, $0x6  }
0x52: {  	s14 =	sor.u32 s10, s13  }
0x53: {  	s12 =	sor.u32 $0x20, s14  }
0x54: {  	p2 =	sgt.u32 s12, $0x9C3  }
0x55: {  	s15 =	simm.s32 @!p2 $0x6  }
0x56: {  	_ =	swait.ge @!p2 [sflag:s15], $0x500  }
0x57: {  	[sflag:s15] =	ssyncset.done @!p2 $0x0  }
0x58: {  	[sflag:s15] =	ssyncadd.s32 @!p2 $0xFFFFFB00  }
0x59: {  	_ =	swait.ge @!p2 [sflag:s15], $0x500  }
0x5a: {  	s19 =	simm.s32 @!p2 $0xC150;
	[sflag:s15] =	ssyncset.done @!p2 $0x0  }
0x5b: {  	s20 =	simm.s32 @!p2 $0xCB50;
	[sflag:s15] =	ssyncadd.s32 @!p2 $0xFFFFFB00;
	s15 =	simm.s32 @!p2 $0x500  }
0x5c: {  	[tilespmem:s20], [sflag:$0x2] =	stream.indirect.gather @!p2 [spmem:s6], $0x1, s19, s15, $0xb8;
	[tilespmem:$0x13950] =	vst v63  }
0x5d: {  	s20 =	simm.s32 @!p2 $0xD050  }
0x5e: {  	[tilespmem:s20], [sflag:$0x2] =	stream.indirect.gather @!p2 [spmem:s7], $0x1, s19, s15, $0xb8;
	[tilespmem:$0x13950] =	vst v63  }
0x5f: {  	s20 =	simm.s32 @!p2 $0xD550  }
0x60: {  	[tilespmem:s20], [sflag:$0x2] =	stream.indirect.gather @!p2 [spmem:s9], $0x1, s19, s15, $0xb8;
	[tilespmem:$0x13950] =	vst v63  }
0x61: {  	s19 =	simm.s32 @!p2 $0xC650;
	s20 =	simm.s32 @!p2 $0xDA50  }
0x62: {  	[tilespmem:s20], [sflag:$0x2] =	stream.indirect.gather @!p2 [spmem:s6], $0x1, s19, s15, $0xb8;
	[tilespmem:$0x13950] =	vst v63  }
0x63: {  	s20 =	simm.s32 @!p2 $0xDF50  }
0x64: {  	[tilespmem:s20], [sflag:$0x2] =	stream.indirect.gather @!p2 [spmem:s7], $0x1, s19, s15, $0xb8;
	[tilespmem:$0x13950] =	vst v63  }
0x65: {  	p3 =	seq.s32 s2, $0x0;
	s20 =	simm.s32 @!p2 $0xE450  }
0x66: {  	[tilespmem:s20], [sflag:$0x2] =	stream.indirect.gather @!p2 [spmem:s9], $0x1, s19, s15, $0xb8;
	[tilespmem:$0x13950] =	vst v63  }
0x67: {  	s15 =	simm.s32 @!p3 $0x3  }
0x68: {  	p4 =	sgt.u32 s14, $0x9C3;
	_ =	swait.ge @!p3 [sflag:s15], $0x2800  }
.Ltmp4:
0x69: {  	[sflag:s15] =	ssyncset.done @!p3 $0x0;
	(pc) =	sbr.rel @p4 .LBB2_6-.Ltmp4, $4  }
0x6a: {  	[sflag:s15] =	ssyncadd.s32 @!p3 $0xFFFFD800  }
0x6b: {  	_ =	swait.ge @!p3 [sflag:s15], $0x2800  }
0x6c: {  	[sflag:s15] =	ssyncset.done @!p3 $0x0  }
0x6d: {  	[sflag:s15] =	ssyncadd.s32 @!p3 $0xFFFFD800  }
0x6e: {  	_ =	swait.ge [sflag:s28], $0x500  }
0x6f: {  	[sflag:s28] =	ssyncset.done $0x0  }
0x70: {  	[sflag:s28] =	ssyncadd.s32 $0xFFFFFB00  }
0x71: {  	_ =	swait.ge [sflag:s28], $0x500  }
0x72: {  	[sflag:s28] =	ssyncset.done $0x0  }
0x73: {  	[sflag:s28] =	ssyncadd.s32 $0xFFFFFB00  }
0x74: {  	_ =	swait.ge [sflag:s28], $0x500  }
0x75: {  	[sflag:s28] =	ssyncset.done $0x0  }
0x76: {  	[sflag:s28] =	ssyncadd.s32 $0xFFFFFB00  }
0x77: {  	_ =	swait.ge [sflag:s28], $0x500  }
0x78: {  	[sflag:s28] =	ssyncset.done $0x0  }
0x79: {  	[sflag:s28] =	ssyncadd.s32 $0xFFFFFB00  }
0x7a: {  	_ =	swait.ge [sflag:s28], $0x500  }
0x7b: {  	s15 =	sadd.s32 s16, s13;
	[sflag:s28] =	ssyncset.done $0x0  }
0x7c: {  	p4 =	sgt.u32 s15, $0x9C3;
	[sflag:s28] =	ssyncadd.s32 $0xFFFFFB00  }
0x7d: {  	s15 =	smul.u32 @!p4 $0xA0, s15;
	_ =	swait.ge [sflag:s28], $0x500  }
0x7e: {  	s20 =	simm.s32 @!p4 $0x0;
	[sflag:s28] =	ssyncset.done $0x0  }
0x7f: {  	s21 =	simm.s32 @!p4 $0x4950;
	s19 =	sadd.s32 @!p4 s3, s15;
	[sflag:s28] =	ssyncadd.s32 $0xFFFFFB00  }
0x80: {  	[tilespmem:s21], [sflag:$0x5] =	stream.linear.gather @!p4 [hbm4b:s19+s20], $0x500, $0x38;
	[tilespmem:$0x13950] =	vst v63  }
0x81: {  	s15 =	sadd.s32 @!p4 s4, s15;
	s19 =	simm.s32 @!p4 $0x4E50  }
0x82: {  	[tilespmem:s19], [sflag:$0x5] =	stream.linear.gather @!p4 [hbm4b:s15+s20], $0x500, $0x38;
	[tilespmem:$0x13950] =	vst v63  }
0x83: {  	s15 =	simm.s32 $0x0;
	s19 =	simm.s32 $0x30;
	s20 =	simm.s32 $0x0  }
.LBB2_4:
0x84: {  	s21 =	sshra.s32 s20, $0x2  }
0x85: {  	v0 =	vld [tilespmem:s21+$0x5350]  }
0x86: {  	v1 =	vld [tilespmem:s21+$0x6250]  }
0x87: {  	v2 =	vld [tilespmem:s21+$0x5850]  }
0x88: {  	v3 =	vld [tilespmem:s21+$0x6750]  }
0x89: {  	v4 =	vld [tilespmem:s21+$0x5D50]  }
0x8a: {  	v5 =	vld [tilespmem:s21+$0x6C50];
	_ =	sdelay $0x2  }
0x8b: {  	v0 =	vsub.f32 v0, v1;
	v35 =	vsub.f32 v2, v3;
	_ =	sdelay $0x1  }
0x8c: {  	v36 =	vsub.f32 v4, v5;
	v0 =	vmul.f32 v0, v0;
	v1 =	vmul.f32 v35, v35;
	_ =	sdelay $0x1  }
0x8d: {  	v37 =	vmul.f32 v36, v36;
	v0 =	vadd.f32 v1, v0;
	_ =	sdelay $0x1  }
0x8e: {  	v0 =	vadd.f32 v37, v0;
	_ =	sdelay $0x1  }
0x8f: {  	v0 =	vmax.f32 v0, $1.000000000e-30  }
0x90: {  	v38 =	vshra.s32 v0, $0x1;
	v39 =	vmul.f32 $5.000000000e-01, v0  }
0x91: {  	v1 =	vsub.s32 $0x5F3759DF, v38  }
0x92: {  	v40 =	vmul.f32 v1, v39;
	_ =	sdelay $0x1  }
0x93: {  	v3 =	vmul.f32 v1, v40;
	_ =	sdelay $0x1  }
0x94: {  	v3 =	vsub.f32 $1.500000000e+00, v3;
	_ =	sdelay $0x1  }
0x95: {  	v1 =	vmul.f32 v1, v3;
	_ =	sdelay $0x1  }
0x96: {  	v3 =	vmul.f32 v1, v39;
	_ =	sdelay $0x1  }
0x97: {  	v3 =	vmul.f32 v3, v1;
	_ =	sdelay $0x1  }
0x98: {  	v3 =	vsub.f32 $1.500000000e+00, v3;
	_ =	sdelay $0x1  }
0x99: {  	v1 =	vmul.f32 v3, v1;
	_ =	sdelay $0x1  }
0x9a: {  	v2 =	vmul.f32 v1, v39;
	_ =	sdelay $0x1  }
0x9b: {  	v2 =	vmul.f32 v2, v1;
	_ =	sdelay $0x1  }
0x9c: {  	v2 =	vsub.f32 $1.500000000e+00, v2;
	_ =	sdelay $0x1  }
0x9d: {  	v1 =	vmul.f32 v2, v1;
	_ =	sdelay $0x1  }
0x9e: {  	v0 =	vmul.f32 v1, v0;
	_ =	sdelay $0x1  }
0x9f: {  	v1 =	vadd.f32 $-3.333333430e-01, v0;
	v42 =	vadd.f32 $-6.666666860e-01, v0  }
0xa0: {  	v43 =	vadd.f32 $-1.000000000e+00, v0;
	v45 =	vadd.f32 $-1.333333370e+00, v0  }
0xa1: {  	v47 =	vadd.f32 $-1.666666630e+00, v0;
	v49 =	vadd.f32 $-2.000000000e+00, v0  }
0xa2: {  	v51 =	vadd.f32 $-2.333333250e+00, v0;
	v53 =	vadd.f32 $-2.666666750e+00, v0  }
0xa3: {  	v41 =	vmul.f32 v0, v0;
	v55 =	vadd.f32 $-3.000000000e+00, v0;
	v57 =	vadd.f32 $-3.333333250e+00, v0  }
0xa4: {  	v59 =	vadd.f32 $-3.666666750e+00, v0;
	v61 =	vadd.f32 $-4.000000000e+00, v0;
	v1 =	vmul.f32 v1, v1  }
0xa5: {  	v63 =	vadd.f32 $-4.333333490e+00, v0;
	v2 =	vmul.f32 $-4.500000000e+00, v41;
	v3 =	vmul.f32 v42, v42  }
0xa6: {  	v8 =	vadd.f32 $-4.666666510e+00, v0;
	v4 =	vmul.f32 v43, v43;
	v48 =	vmul.f32 v45, v45  }
0xa7: {  	v0 =	vadd.f32 $-5.000000000e+00, v0;
	v50 =	vmul.f32 v47, v47;
	v56 =	vmul.f32 v53, v53  }
0xa8: {  	v58 =	vmul.f32 v55, v55;
	v7 =	vmul.f32 v61, v61  }
0xa9: {  	v9 =	vmul.f32 v63, v63;
	v0 =	vmul.f32 v0, v0  }
0xaa: {  	v1 =	vmul.f32 $-4.500000000e+00, v1;
	v2 =	vmul.f32 $1.442695020e+00, v2  }
0xab: {  	v3 =	vmul.f32 $-4.500000000e+00, v3;
	v4 =	vmul.f32 $-4.500000000e+00, v4  }
0xac: {  	v0 =	vmul.f32 $-4.500000000e+00, v0;
	v1 =	vmul.f32 $1.442695020e+00, v1  }
0xad: {  	(erf) = vpow2.f32 v2;
	v44 =	vmul.f32 $1.442695020e+00, v3  }
0xae: {  	v46 =	vmul.f32 $1.442695020e+00, v4;
	v2 =	vmul.f32 $-4.500000000e+00, v48  }
0xaf: {  	v3 =	vmul.f32 v49, v49;
	v4 =	vmul.f32 v51, v51  }
0xb0: {  	(erf) = vpow2.f32 v1;
	v1 =	vmul.f32 $-4.500000000e+00, v50  }
0xb1: {  	v2 =	vmul.f32 $1.442695020e+00, v2;
	v3 =	vmul.f32 $-4.500000000e+00, v3  }
0xb2: {  	v4 =	vmul.f32 $-4.500000000e+00, v4;
	(erf) = vpow2.f32 v44  }
0xb3: {  	(erf) = vpow2.f32 v46;
	v1 =	vmul.f32 $1.442695020e+00, v1  }
0xb4: {  	v52 =	vmul.f32 $1.442695020e+00, v3;
	v54 =	vmul.f32 $1.442695020e+00, v4  }
0xb5: {  	v3 =	vmul.f32 v57, v57;
	v4 =	vmul.f32 v59, v59  }
0xb6: {  	(erf) = vpow2.f32 v2;
	v2 =	vmul.f32 $-4.500000000e+00, v56  }
0xb7: {  	(erf) = vpow2.f32 v1;
	v1 =	vmul.f32 $-4.500000000e+00, v58  }
0xb8: {  	v3 =	vmul.f32 $-4.500000000e+00, v3;
	v4 =	vmul.f32 $-4.500000000e+00, v4  }
0xb9: {  	(erf) = vpow2.f32 v52;
	v2 =	vmul.f32 $1.442695020e+00, v2  }
0xba: {  	(erf) = vpow2.f32 v54;
	v1 =	vmul.f32 $1.442695020e+00, v1  }
0xbb: {  	v60 =	vmul.f32 $1.442695020e+00, v3;
	v62 =	vmul.f32 $1.442695020e+00, v4  }
0xbc: {  	s23 =	sadd.s32 $0xFFFFFFD0, s19;
	v3 =	vmul.f32 v8, v8;
	(erf) = vpow2.f32 v2  }
0xbd: {  	s22 =	sand.u32 $0x3C00, s15;
	s23 =	sand.u32 $0x40, s23;
	v2 =	vmul.f32 $-4.500000000e+00, v7;
	(erf) = vpow2.f32 v1  }
0xbe: {  	s23 =	sor.u32 s23, s22;
	v10 =	vpop (erf);
	v1 =	vmul.f32 $-4.500000000e+00, v9;
	v3 =	vmul.f32 $-4.500000000e+00, v3  }
0xbf: {  	[tilespmem:s23+$0x7150] =	vst v10;
	(erf) = vpow2.f32 v60;
	v11 =	vpop (erf);
	v2 =	vmul.f32 $1.442695020e+00, v2  }
0xc0: {  	(erf) = vpow2.f32 v62;
	[tilespmem:s23+$0x71D0] =	vst v11;
	v12 =	vpop (erf);
	v1 =	vmul.f32 $1.442695020e+00, v1  }
0xc1: {  	v14 =	vmul.f32 $1.442695020e+00, v3;
	[tilespmem:s23+$0x7250] =	vst v12;
	v13 =	vpop (erf);
	(erf) = vpow2.f32 v2  }
0xc2: {  	v0 =	vmul.f32 $1.442695020e+00, v0;
	[tilespmem:s23+$0x72D0] =	vst v13;
	v15 =	vpop (erf);
	(erf) = vpow2.f32 v1  }
0xc3: {  	[tilespmem:s23+$0x7350] =	vst v15;
	v16 =	vpop (erf);
	(erf) = vpow2.f32 v14  }
0xc4: {  	[tilespmem:s23+$0x73D0] =	vst v16;
	v17 =	vpop (erf);
	(erf) = vpow2.f32 v0  }
0xc5: {  	[tilespmem:s23+$0x7450] =	vst v17;
	v18 =	vpop (erf)  }
0xc6: {  	[tilespmem:s23+$0x74D0] =	vst v18;
	v19 =	vpop (erf)  }
0xc7: {  	[tilespmem:s23+$0x9950] =	vst v19;
	v20 =	vpop (erf)  }
0xc8: {  	[tilespmem:s23+$0x99D0] =	vst v20;
	v21 =	vpop (erf)  }
0xc9: {  	[tilespmem:s23+$0x9A50] =	vst v21;
	v22 =	vpop (erf)  }
0xca: {  	[tilespmem:s23+$0x9AD0] =	vst v22;
	v23 =	vpop (erf)  }
0xcb: {  	[tilespmem:s23+$0x9B50] =	vst v23;
	v24 =	vpop (erf)  }
0xcc: {  	[tilespmem:s23+$0x9BD0] =	vst v24;
	v25 =	vpop (erf)  }
0xcd: {  	[tilespmem:s23+$0x9C50] =	vst v25;
	v26 =	vpop (erf)  }
0xce: {  	[tilespmem:s23+$0x9CD0] =	vst v26  }
0xcf: {  	v0 =	vld [tilespmem:s21+$0x5360]  }
0xd0: {  	v1 =	vld [tilespmem:s21+$0x6260]  }
0xd1: {  	v27 =	vld [tilespmem:s21+$0x5860]  }
0xd2: {  	v3 =	vld [tilespmem:s21+$0x6760]  }
0xd3: {  	v4 =	vld [tilespmem:s21+$0x5D60]  }
0xd4: {  	v28 =	vld [tilespmem:s21+$0x6C60];
	_ =	sdelay $0x2  }
0xd5: {  	v0 =	vsub.f32 v0, v1;
	v29 =	vsub.f32 v27, v3;
	_ =	sdelay $0x1  }
0xd6: {  	v30 =	vsub.f32 v4, v28;
	v0 =	vmul.f32 v0, v0;
	v1 =	vmul.f32 v29, v29;
	_ =	sdelay $0x1  }
0xd7: {  	v31 =	vmul.f32 v30, v30;
	v0 =	vadd.f32 v1, v0;
	_ =	sdelay $0x1  }
0xd8: {  	v0 =	vadd.f32 v31, v0;
	_ =	sdelay $0x1  }
0xd9: {  	v0 =	vmax.f32 v0, $1.000000000e-30  }
0xda: {  	v32 =	vshra.s32 v0, $0x1;
	v33 =	vmul.f32 $5.000000000e-01, v0  }
0xdb: {  	v1 =	vsub.s32 $0x5F3759DF, v32  }
0xdc: {  	v34 =	vmul.f32 v1, v33;
	_ =	sdelay $0x1  }
0xdd: {  	v3 =	vmul.f32 v1, v34;
	_ =	sdelay $0x1  }
0xde: {  	v3 =	vsub.f32 $1.500000000e+00, v3;
	_ =	sdelay $0x1  }
0xdf: {  	v1 =	vmul.f32 v1, v3;
	_ =	sdelay $0x1  }
0xe0: {  	v3 =	vmul.f32 v1, v33;
	_ =	sdelay $0x1  }
0xe1: {  	v3 =	vmul.f32 v3, v1;
	_ =	sdelay $0x1  }
0xe2: {  	v3 =	vsub.f32 $1.500000000e+00, v3;
	_ =	sdelay $0x1  }
0xe3: {  	v1 =	vmul.f32 v3, v1;
	_ =	sdelay $0x1  }
0xe4: {  	v2 =	vmul.f32 v1, v33;
	_ =	sdelay $0x1  }
0xe5: {  	v2 =	vmul.f32 v2, v1;
	_ =	sdelay $0x1  }
0xe6: {  	v2 =	vsub.f32 $1.500000000e+00, v2;
	_ =	sdelay $0x1  }
0xe7: {  	v1 =	vmul.f32 v2, v1;
	_ =	sdelay $0x1  }
0xe8: {  	v0 =	vmul.f32 v1, v0;
	_ =	sdelay $0x1  }
0xe9: {  	v1 =	vadd.f32 $-3.333333430e-01, v0;
	v36 =	vadd.f32 $-6.666666860e-01, v0  }
0xea: {  	v37 =	vadd.f32 $-1.000000000e+00, v0;
	v39 =	vadd.f32 $-1.333333370e+00, v0  }
0xeb: {  	v41 =	vadd.f32 $-1.666666630e+00, v0;
	v43 =	vadd.f32 $-2.000000000e+00, v0  }
0xec: {  	v45 =	vadd.f32 $-2.333333250e+00, v0;
	v47 =	vadd.f32 $-2.666666750e+00, v0  }
0xed: {  	v35 =	vmul.f32 v0, v0;
	v49 =	vadd.f32 $-3.000000000e+00, v0;
	v51 =	vadd.f32 $-3.333333250e+00, v0  }
0xee: {  	v53 =	vadd.f32 $-3.666666750e+00, v0;
	v55 =	vadd.f32 $-4.000000000e+00, v0;
	v1 =	vmul.f32 v1, v1  }
0xef: {  	v57 =	vadd.f32 $-4.333333490e+00, v0;
	v2 =	vmul.f32 $-4.500000000e+00, v35;
	v3 =	vmul.f32 v36, v36  }
0xf0: {  	v59 =	vadd.f32 $-4.666666510e+00, v0;
	v4 =	vmul.f32 v37, v37;
	v42 =	vmul.f32 v39, v39  }
0xf1: {  	v0 =	vadd.f32 $-5.000000000e+00, v0;
	v44 =	vmul.f32 v41, v41;
	v50 =	vmul.f32 v47, v47  }
0xf2: {  	v52 =	vmul.f32 v49, v49;
	v58 =	vmul.f32 v55, v55  }
0xf3: {  	v60 =	vmul.f32 v57, v57;
	v0 =	vmul.f32 v0, v0  }
0xf4: {  	v1 =	vmul.f32 $-4.500000000e+00, v1;
	v2 =	vmul.f32 $1.442695020e+00, v2  }
0xf5: {  	v3 =	vmul.f32 $-4.500000000e+00, v3;
	v4 =	vmul.f32 $-4.500000000e+00, v4  }
0xf6: {  	v0 =	vmul.f32 $-4.500000000e+00, v0;
	v1 =	vmul.f32 $1.442695020e+00, v1  }
0xf7: {  	(erf) = vpow2.f32 v2;
	v38 =	vmul.f32 $1.442695020e+00, v3  }
0xf8: {  	v40 =	vmul.f32 $1.442695020e+00, v4;
	v2 =	vmul.f32 $-4.500000000e+00, v42  }
0xf9: {  	v3 =	vmul.f32 v43, v43;
	v4 =	vmul.f32 v45, v45  }
0xfa: {  	(erf) = vpow2.f32 v1;
	v1 =	vmul.f32 $-4.500000000e+00, v44  }
0xfb: {  	v2 =	vmul.f32 $1.442695020e+00, v2;
	v3 =	vmul.f32 $-4.500000000e+00, v3  }
0xfc: {  	v4 =	vmul.f32 $-4.500000000e+00, v4;
	(erf) = vpow2.f32 v38  }
0xfd: {  	(erf) = vpow2.f32 v40;
	v1 =	vmul.f32 $1.442695020e+00, v1  }
0xfe: {  	v46 =	vmul.f32 $1.442695020e+00, v3;
	v48 =	vmul.f32 $1.442695020e+00, v4  }
0xff: {  	v3 =	vmul.f32 v51, v51;
	v4 =	vmul.f32 v53, v53  }
0x100: {  	(erf) = vpow2.f32 v2;
	v2 =	vmul.f32 $-4.500000000e+00, v50  }
0x101: {  	(erf) = vpow2.f32 v1;
	v1 =	vmul.f32 $-4.500000000e+00, v52  }
0x102: {  	v3 =	vmul.f32 $-4.500000000e+00, v3;
	v4 =	vmul.f32 $-4.500000000e+00, v4  }
0x103: {  	(erf) = vpow2.f32 v46;
	v2 =	vmul.f32 $1.442695020e+00, v2  }
0x104: {  	(erf) = vpow2.f32 v48;
	v1 =	vmul.f32 $1.442695020e+00, v1  }
0x105: {  	v54 =	vmul.f32 $1.442695020e+00, v3;
	v56 =	vmul.f32 $1.442695020e+00, v4  }
0x106: {  	s23 =	sadd.s32 $0xFFFFFFE0, s19;
	v3 =	vmul.f32 v59, v59;
	(erf) = vpow2.f32 v2  }
0x107: {  	s23 =	sand.u32 $0x50, s23;
	v2 =	vmul.f32 $-4.500000000e+00, v58;
	(erf) = vpow2.f32 v1  }
0x108: {  	s23 =	sor.u32 s22, s23;
	v61 =	vpop (erf);
	v1 =	vmul.f32 $-4.500000000e+00, v60;
	v3 =	vmul.f32 $-4.500000000e+00, v3  }
0x109: {  	[tilespmem:s23+$0x7150] =	vst v61;
	(erf) = vpow2.f32 v54;
	v62 =	vpop (erf);
	v2 =	vmul.f32 $1.442695020e+00, v2  }
0x10a: {  	(erf) = vpow2.f32 v56;
	[tilespmem:s23+$0x71D0] =	vst v62;
	v63 =	vpop (erf);
	v1 =	vmul.f32 $1.442695020e+00, v1  }
0x10b: {  	v9 =	vmul.f32 $1.442695020e+00, v3;
	[tilespmem:s23+$0x7250] =	vst v63;
	v8 =	vpop (erf);
	(erf) = vpow2.f32 v2  }
0x10c: {  	v0 =	vmul.f32 $1.442695020e+00, v0;
	[tilespmem:s23+$0x72D0] =	vst v8;
	v10 =	vpop (erf);
	(erf) = vpow2.f32 v1  }
0x10d: {  	[tilespmem:s23+$0x7350] =	vst v10;
	v11 =	vpop (erf);
	(erf) = vpow2.f32 v9  }
0x10e: {  	[tilespmem:s23+$0x73D0] =	vst v11;
	v12 =	vpop (erf);
	(erf) = vpow2.f32 v0  }
0x10f: {  	[tilespmem:s23+$0x7450] =	vst v12;
	v13 =	vpop (erf)  }
0x110: {  	[tilespmem:s23+$0x74D0] =	vst v13;
	v14 =	vpop (erf)  }
0x111: {  	[tilespmem:s23+$0x9950] =	vst v14;
	v15 =	vpop (erf)  }
0x112: {  	[tilespmem:s23+$0x99D0] =	vst v15;
	v16 =	vpop (erf)  }
0x113: {  	[tilespmem:s23+$0x9A50] =	vst v16;
	v17 =	vpop (erf)  }
0x114: {  	[tilespmem:s23+$0x9AD0] =	vst v17;
	v18 =	vpop (erf)  }
0x115: {  	[tilespmem:s23+$0x9B50] =	vst v18;
	v19 =	vpop (erf)  }
0x116: {  	[tilespmem:s23+$0x9BD0] =	vst v19;
	v20 =	vpop (erf)  }
0x117: {  	[tilespmem:s23+$0x9C50] =	vst v20;
	v21 =	vpop (erf)  }
0x118: {  	[tilespmem:s23+$0x9CD0] =	vst v21  }
0x119: {  	v0 =	vld [tilespmem:s21+$0x5370]  }
0x11a: {  	v1 =	vld [tilespmem:s21+$0x6270]  }
0x11b: {  	v22 =	vld [tilespmem:s21+$0x5870]  }
0x11c: {  	v3 =	vld [tilespmem:s21+$0x6770]  }
0x11d: {  	v4 =	vld [tilespmem:s21+$0x5D70]  }
0x11e: {  	v23 =	vld [tilespmem:s21+$0x6C70];
	_ =	sdelay $0x2  }
0x11f: {  	v0 =	vsub.f32 v0, v1;
	v24 =	vsub.f32 v22, v3;
	_ =	sdelay $0x1  }
0x120: {  	v25 =	vsub.f32 v4, v23;
	v0 =	vmul.f32 v0, v0;
	v1 =	vmul.f32 v24, v24;
	_ =	sdelay $0x1  }
0x121: {  	v26 =	vmul.f32 v25, v25;
	v0 =	vadd.f32 v1, v0;
	_ =	sdelay $0x1  }
0x122: {  	v0 =	vadd.f32 v26, v0;
	_ =	sdelay $0x1  }
0x123: {  	v0 =	vmax.f32 v0, $1.000000000e-30  }
0x124: {  	v27 =	vshra.s32 v0, $0x1;
	v28 =	vmul.f32 $5.000000000e-01, v0  }
0x125: {  	v1 =	vsub.s32 $0x5F3759DF, v27  }
0x126: {  	v29 =	vmul.f32 v1, v28;
	_ =	sdelay $0x1  }
0x127: {  	v3 =	vmul.f32 v1, v29;
	_ =	sdelay $0x1  }
0x128: {  	v3 =	vsub.f32 $1.500000000e+00, v3;
	_ =	sdelay $0x1  }
0x129: {  	v1 =	vmul.f32 v1, v3;
	_ =	sdelay $0x1  }
0x12a: {  	v3 =	vmul.f32 v1, v28;
	_ =	sdelay $0x1  }
0x12b: {  	v3 =	vmul.f32 v3, v1;
	_ =	sdelay $0x1  }
0x12c: {  	v3 =	vsub.f32 $1.500000000e+00, v3;
	_ =	sdelay $0x1  }
0x12d: {  	v1 =	vmul.f32 v3, v1;
	_ =	sdelay $0x1  }
0x12e: {  	v2 =	vmul.f32 v1, v28;
	_ =	sdelay $0x1  }
0x12f: {  	v2 =	vmul.f32 v2, v1;
	_ =	sdelay $0x1  }
0x130: {  	v2 =	vsub.f32 $1.500000000e+00, v2;
	_ =	sdelay $0x1  }
0x131: {  	v1 =	vmul.f32 v2, v1;
	_ =	sdelay $0x1  }
0x132: {  	v0 =	vmul.f32 v1, v0;
	_ =	sdelay $0x1  }
0x133: {  	v1 =	vadd.f32 $-3.333333430e-01, v0;
	v31 =	vadd.f32 $-6.666666860e-01, v0  }
0x134: {  	v32 =	vadd.f32 $-1.000000000e+00, v0;
	v34 =	vadd.f32 $-1.333333370e+00, v0  }
0x135: {  	v36 =	vadd.f32 $-1.666666630e+00, v0;
	v38 =	vadd.f32 $-2.000000000e+00, v0  }
0x136: {  	v40 =	vadd.f32 $-2.333333250e+00, v0;
	v42 =	vadd.f32 $-2.666666750e+00, v0  }
0x137: {  	v30 =	vmul.f32 v0, v0;
	v44 =	vadd.f32 $-3.000000000e+00, v0;
	v46 =	vadd.f32 $-3.333333250e+00, v0  }
0x138: {  	v48 =	vadd.f32 $-3.666666750e+00, v0;
	v50 =	vadd.f32 $-4.000000000e+00, v0;
	v1 =	vmul.f32 v1, v1  }
0x139: {  	v52 =	vadd.f32 $-4.333333490e+00, v0;
	v2 =	vmul.f32 $-4.500000000e+00, v30;
	v3 =	vmul.f32 v31, v31  }
0x13a: {  	v54 =	vadd.f32 $-4.666666510e+00, v0;
	v4 =	vmul.f32 v32, v32;
	v37 =	vmul.f32 v34, v34  }
0x13b: {  	v0 =	vadd.f32 $-5.000000000e+00, v0;
	v39 =	vmul.f32 v36, v36;
	v45 =	vmul.f32 v42, v42  }
0x13c: {  	v47 =	vmul.f32 v44, v44;
	v53 =	vmul.f32 v50, v50  }
0x13d: {  	v55 =	vmul.f32 v52, v52;
	v0 =	vmul.f32 v0, v0  }
0x13e: {  	v1 =	vmul.f32 $-4.500000000e+00, v1;
	v2 =	vmul.f32 $1.442695020e+00, v2  }
0x13f: {  	v3 =	vmul.f32 $-4.500000000e+00, v3;
	v4 =	vmul.f32 $-4.500000000e+00, v4  }
0x140: {  	v0 =	vmul.f32 $-4.500000000e+00, v0;
	v1 =	vmul.f32 $1.442695020e+00, v1  }
0x141: {  	(erf) = vpow2.f32 v2;
	v33 =	vmul.f32 $1.442695020e+00, v3  }
0x142: {  	v35 =	vmul.f32 $1.442695020e+00, v4;
	v2 =	vmul.f32 $-4.500000000e+00, v37  }
0x143: {  	v3 =	vmul.f32 v38, v38;
	v4 =	vmul.f32 v40, v40  }
0x144: {  	(erf) = vpow2.f32 v1;
	v1 =	vmul.f32 $-4.500000000e+00, v39  }
0x145: {  	v2 =	vmul.f32 $1.442695020e+00, v2;
	v3 =	vmul.f32 $-4.500000000e+00, v3  }
0x146: {  	v4 =	vmul.f32 $-4.500000000e+00, v4;
	(erf) = vpow2.f32 v33  }
0x147: {  	(erf) = vpow2.f32 v35;
	v1 =	vmul.f32 $1.442695020e+00, v1  }
0x148: {  	v41 =	vmul.f32 $1.442695020e+00, v3;
	v43 =	vmul.f32 $1.442695020e+00, v4  }
0x149: {  	v3 =	vmul.f32 v46, v46;
	v4 =	vmul.f32 v48, v48  }
0x14a: {  	(erf) = vpow2.f32 v2;
	v2 =	vmul.f32 $-4.500000000e+00, v45  }
0x14b: {  	(erf) = vpow2.f32 v1;
	v1 =	vmul.f32 $-4.500000000e+00, v47  }
0x14c: {  	v3 =	vmul.f32 $-4.500000000e+00, v3;
	v4 =	vmul.f32 $-4.500000000e+00, v4  }
0x14d: {  	(erf) = vpow2.f32 v41;
	v2 =	vmul.f32 $1.442695020e+00, v2  }
0x14e: {  	(erf) = vpow2.f32 v43;
	v1 =	vmul.f32 $1.442695020e+00, v1  }
0x14f: {  	v49 =	vmul.f32 $1.442695020e+00, v3;
	v51 =	vmul.f32 $1.442695020e+00, v4  }
0x150: {  	s23 =	sadd.s32 $0xFFFFFFF0, s19;
	v3 =	vmul.f32 v54, v54;
	(erf) = vpow2.f32 v2  }
0x151: {  	s23 =	sand.u32 $0x60, s23;
	v2 =	vmul.f32 $-4.500000000e+00, v53;
	(erf) = vpow2.f32 v1  }
0x152: {  	s23 =	sor.u32 s22, s23;
	v56 =	vpop (erf);
	v1 =	vmul.f32 $-4.500000000e+00, v55;
	v3 =	vmul.f32 $-4.500000000e+00, v3  }
0x153: {  	[tilespmem:s23+$0x7150] =	vst v56;
	(erf) = vpow2.f32 v49;
	v57 =	vpop (erf);
	v2 =	vmul.f32 $1.442695020e+00, v2  }
0x154: {  	(erf) = vpow2.f32 v51;
	[tilespmem:s23+$0x71D0] =	vst v57;
	v58 =	vpop (erf);
	v1 =	vmul.f32 $1.442695020e+00, v1  }
0x155: {  	v60 =	vmul.f32 $1.442695020e+00, v3;
	[tilespmem:s23+$0x7250] =	vst v58;
	v59 =	vpop (erf);
	(erf) = vpow2.f32 v2  }
0x156: {  	v0 =	vmul.f32 $1.442695020e+00, v0;
	[tilespmem:s23+$0x72D0] =	vst v59;
	v61 =	vpop (erf);
	(erf) = vpow2.f32 v1  }
0x157: {  	[tilespmem:s23+$0x7350] =	vst v61;
	v62 =	vpop (erf);
	(erf) = vpow2.f32 v60  }
0x158: {  	[tilespmem:s23+$0x73D0] =	vst v62;
	v63 =	vpop (erf);
	(erf) = vpow2.f32 v0  }
0x159: {  	[tilespmem:s23+$0x7450] =	vst v63;
	v4 =	vpop (erf)  }
0x15a: {  	[tilespmem:s23+$0x74D0] =	vst v4;
	v5 =	vpop (erf)  }
0x15b: {  	[tilespmem:s23+$0x9950] =	vst v5;
	v6 =	vpop (erf)  }
0x15c: {  	[tilespmem:s23+$0x99D0] =	vst v6;
	v7 =	vpop (erf)  }
0x15d: {  	[tilespmem:s23+$0x9A50] =	vst v7;
	v8 =	vpop (erf)  }
0x15e: {  	[tilespmem:s23+$0x9AD0] =	vst v8;
	v9 =	vpop (erf)  }
0x15f: {  	[tilespmem:s23+$0x9B50] =	vst v9;
	v10 =	vpop (erf)  }
0x160: {  	[tilespmem:s23+$0x9BD0] =	vst v10;
	v11 =	vpop (erf)  }
0x161: {  	[tilespmem:s23+$0x9C50] =	vst v11;
	v12 =	vpop (erf)  }
0x162: {  	[tilespmem:s23+$0x9CD0] =	vst v12  }
0x163: {  	v0 =	vld [tilespmem:s21+$0x5380]  }
0x164: {  	v1 =	vld [tilespmem:s21+$0x6280]  }
0x165: {  	v13 =	vld [tilespmem:s21+$0x5880]  }
0x166: {  	v3 =	vld [tilespmem:s21+$0x6780]  }
0x167: {  	v4 =	vld [tilespmem:s21+$0x5D80]  }
0x168: {  	v14 =	vld [tilespmem:s21+$0x6C80];
	_ =	sdelay $0x2  }
0x169: {  	v0 =	vsub.f32 v0, v1;
	v15 =	vsub.f32 v13, v3;
	_ =	sdelay $0x1  }
0x16a: {  	v16 =	vsub.f32 v4, v14;
	v0 =	vmul.f32 v0, v0;
	v1 =	vmul.f32 v15, v15;
	_ =	sdelay $0x1  }
0x16b: {  	v17 =	vmul.f32 v16, v16;
	v0 =	vadd.f32 v1, v0;
	_ =	sdelay $0x1  }
0x16c: {  	v0 =	vadd.f32 v17, v0;
	_ =	sdelay $0x1  }
0x16d: {  	v0 =	vmax.f32 v0, $1.000000000e-30  }
0x16e: {  	v18 =	vshra.s32 v0, $0x1;
	v19 =	vmul.f32 $5.000000000e-01, v0  }
0x16f: {  	v1 =	vsub.s32 $0x5F3759DF, v18  }
0x170: {  	v20 =	vmul.f32 v1, v19;
	_ =	sdelay $0x1  }
0x171: {  	v3 =	vmul.f32 v1, v20;
	_ =	sdelay $0x1  }
0x172: {  	v3 =	vsub.f32 $1.500000000e+00, v3;
	_ =	sdelay $0x1  }
0x173: {  	v1 =	vmul.f32 v1, v3;
	_ =	sdelay $0x1  }
0x174: {  	v3 =	vmul.f32 v1, v19;
	_ =	sdelay $0x1  }
0x175: {  	v3 =	vmul.f32 v3, v1;
	_ =	sdelay $0x1  }
0x176: {  	v3 =	vsub.f32 $1.500000000e+00, v3;
	_ =	sdelay $0x1  }
0x177: {  	v1 =	vmul.f32 v3, v1;
	_ =	sdelay $0x1  }
0x178: {  	v2 =	vmul.f32 v1, v19;
	_ =	sdelay $0x1  }
0x179: {  	v2 =	vmul.f32 v2, v1;
	_ =	sdelay $0x1  }
0x17a: {  	v2 =	vsub.f32 $1.500000000e+00, v2;
	_ =	sdelay $0x1  }
0x17b: {  	v1 =	vmul.f32 v2, v1;
	_ =	sdelay $0x1  }
0x17c: {  	v0 =	vmul.f32 v1, v0;
	_ =	sdelay $0x1  }
0x17d: {  	v1 =	vadd.f32 $-3.333333430e-01, v0;
	v22 =	vadd.f32 $-6.666666860e-01, v0  }
0x17e: {  	v23 =	vadd.f32 $-1.000000000e+00, v0;
	v25 =	vadd.f32 $-1.333333370e+00, v0  }
0x17f: {  	v27 =	vadd.f32 $-1.666666630e+00, v0;
	v29 =	vadd.f32 $-2.000000000e+00, v0  }
0x180: {  	v31 =	vadd.f32 $-2.333333250e+00, v0;
	v33 =	vadd.f32 $-2.666666750e+00, v0  }
0x181: {  	v21 =	vmul.f32 v0, v0;
	v35 =	vadd.f32 $-3.000000000e+00, v0;
	v37 =	vadd.f32 $-3.333333250e+00, v0  }
0x182: {  	v39 =	vadd.f32 $-3.666666750e+00, v0;
	v41 =	vadd.f32 $-4.000000000e+00, v0;
	v1 =	vmul.f32 v1, v1  }
0x183: {  	v43 =	vadd.f32 $-4.333333490e+00, v0;
	v2 =	vmul.f32 $-4.500000000e+00, v21;
	v3 =	vmul.f32 v22, v22  }
0x184: {  	v45 =	vadd.f32 $-4.666666510e+00, v0;
	v4 =	vmul.f32 v23, v23;
	v28 =	vmul.f32 v25, v25  }
0x185: {  	v0 =	vadd.f32 $-5.000000000e+00, v0;
	v30 =	vmul.f32 v27, v27;
	v36 =	vmul.f32 v33, v33  }
0x186: {  	v38 =	vmul.f32 v35, v35;
	v44 =	vmul.f32 v41, v41  }
0x187: {  	v46 =	vmul.f32 v43, v43;
	v0 =	vmul.f32 v0, v0  }
0x188: {  	v1 =	vmul.f32 $-4.500000000e+00, v1;
	v2 =	vmul.f32 $1.442695020e+00, v2  }
0x189: {  	v3 =	vmul.f32 $-4.500000000e+00, v3;
	v4 =	vmul.f32 $-4.500000000e+00, v4  }
0x18a: {  	v0 =	vmul.f32 $-4.500000000e+00, v0;
	v1 =	vmul.f32 $1.442695020e+00, v1  }
0x18b: {  	(erf) = vpow2.f32 v2;
	v24 =	vmul.f32 $1.442695020e+00, v3  }
0x18c: {  	v26 =	vmul.f32 $1.442695020e+00, v4;
	v2 =	vmul.f32 $-4.500000000e+00, v28  }
0x18d: {  	v3 =	vmul.f32 v29, v29;
	v4 =	vmul.f32 v31, v31  }
0x18e: {  	(erf) = vpow2.f32 v1;
	v1 =	vmul.f32 $-4.500000000e+00, v30  }
0x18f: {  	v2 =	vmul.f32 $1.442695020e+00, v2;
	v3 =	vmul.f32 $-4.500000000e+00, v3  }
0x190: {  	v4 =	vmul.f32 $-4.500000000e+00, v4;
	(erf) = vpow2.f32 v24  }
0x191: {  	(erf) = vpow2.f32 v26;
	v1 =	vmul.f32 $1.442695020e+00, v1  }
0x192: {  	v32 =	vmul.f32 $1.442695020e+00, v3;
	v34 =	vmul.f32 $1.442695020e+00, v4  }
0x193: {  	v3 =	vmul.f32 v37, v37;
	v4 =	vmul.f32 v39, v39  }
0x194: {  	(erf) = vpow2.f32 v2;
	v2 =	vmul.f32 $-4.500000000e+00, v36  }
0x195: {  	(erf) = vpow2.f32 v1;
	v1 =	vmul.f32 $-4.500000000e+00, v38  }
0x196: {  	v3 =	vmul.f32 $-4.500000000e+00, v3;
	v4 =	vmul.f32 $-4.500000000e+00, v4  }
0x197: {  	(erf) = vpow2.f32 v32;
	v2 =	vmul.f32 $1.442695020e+00, v2  }
0x198: {  	(erf) = vpow2.f32 v34;
	v1 =	vmul.f32 $1.442695020e+00, v1  }
0x199: {  	v40 =	vmul.f32 $1.442695020e+00, v3;
	v42 =	vmul.f32 $1.442695020e+00, v4  }
0x19a: {  	v3 =	vmul.f32 v45, v45;
	(erf) = vpow2.f32 v2  }
0x19b: {  	s23 =	sand.u32 $0x70, s19;
	v2 =	vmul.f32 $-4.500000000e+00, v44;
	(erf) = vpow2.f32 v1  }
0x19c: {  	s21 =	sor.u32 s22, s23;
	v47 =	vpop (erf);
	v1 =	vmul.f32 $-4.500000000e+00, v46;
	v3 =	vmul.f32 $-4.500000000e+00, v3  }
0x19d: {  	[tilespmem:s21+$0x7150] =	vst v47;
	(erf) = vpow2.f32 v40;
	v48 =	vpop (erf);
	v2 =	vmul.f32 $1.442695020e+00, v2  }
0x19e: {  	(erf) = vpow2.f32 v42;
	v49 =	vpop (erf);
	[tilespmem:s21+$0x71D0] =	vst v48;
	v1 =	vmul.f32 $1.442695020e+00, v1  }
0x19f: {  	v51 =	vmul.f32 $1.442695020e+00, v3;
	[tilespmem:s21+$0x7250] =	vst v49;
	v50 =	vpop (erf);
	(erf) = vpow2.f32 v2  }
0x1a0: {  	v0 =	vmul.f32 $1.442695020e+00, v0;
	[tilespmem:s21+$0x72D0] =	vst v50;
	v52 =	vpop (erf);
	(erf) = vpow2.f32 v1  }
0x1a1: {  	[tilespmem:s21+$0x7350] =	vst v52;
	v53 =	vpop (erf);
	(erf) = vpow2.f32 v51  }
0x1a2: {  	[tilespmem:s21+$0x73D0] =	vst v53;
	v54 =	vpop (erf);
	(erf) = vpow2.f32 v0  }
0x1a3: {  	v55 =	vpop (erf);
	[tilespmem:s21+$0x7450] =	vst v54  }
0x1a4: {  	v56 =	vpop (erf);
	[tilespmem:s21+$0x74D0] =	vst v55  }
0x1a5: {  	v57 =	vpop (erf);
	[tilespmem:s21+$0x9950] =	vst v56  }
0x1a6: {  	v58 =	vpop (erf);
	[tilespmem:s21+$0x99D0] =	vst v57  }
0x1a7: {  	p4 =	sne.s32 s20, $0x1300;
	v59 =	vpop (erf);
	[tilespmem:s21+$0x9A50] =	vst v58  }
.Ltmp5:
0x1a8: {  	v60 =	vpop (erf);
	[tilespmem:s21+$0x9AD0] =	vst v59;
	(pc) =	sbr.rel @p4 .LBB2_4-.Ltmp5, $4  }
0x1a9: {  	v61 =	vpop (erf);
	[tilespmem:s21+$0x9B50] =	vst v60  }
0x1aa: {  	v62 =	vpop (erf);
	[tilespmem:s21+$0x9BD0] =	vst v61  }
0x1ab: {  	[tilespmem:s21+$0x9C50] =	vst v62;
	v63 =	vpop (erf)  }
0x1ac: {  	s15 =	sadd.s32 $0x200, s15;
	s20 =	sadd.s32 $0x100, s20;
	s19 =	sadd.s32 $0x40, s19;
	[tilespmem:s21+$0x9CD0] =	vst v63  }
0x1ad: {  	s14 =	smul.u32 $0x2800, s14;
	_ =	sdelay $0x1  }
0x1ae: {  	s14 =	sshrl.u32 s14, $0x3  }
0x1af: {  	s14 =	sadd.s32 s5, s14  }
0x1b0: {  	[hbm4b:s14+s11] =	stream.linear.scatter [tilespmem:s29], [sflag:$0x3], $0x2800, $0x38;
	[tilespmem:$0x13950] =	vst v63  }
0x1b1: {  	s14 =	sadd.s32 $0x30D400, s14  }
0x1b2: {  	[hbm4b:s14+s11] =	stream.linear.scatter [tilespmem:s30], [sflag:$0x3], $0x2800, $0x38;
	[tilespmem:$0x13950] =	vst v63  }
.LBB2_6:
0x1b3: {  	p4 =	sge.u32 s13, s17  }
0x1b4: {  	s14 =	simm.s32 @!p4 $0x5  }
0x1b5: {  	_ =	swait.ge @!p4 [sflag:s14], $0x500  }
0x1b6: {  	[sflag:s14] =	ssyncset.done @!p4 $0x0  }
0x1b7: {  	[sflag:s14] =	ssyncadd.s32 @!p4 $0xFFFFFB00  }
0x1b8: {  	_ =	swait.ge @!p4 [sflag:s14], $0x500  }
0x1b9: {  	s15 =	simm.s32 @!p4 $0x4950;
	[sflag:s14] =	ssyncset.done @!p4 $0x0  }
0x1ba: {  	s19 =	simm.s32 @!p4 $0x5350;
	[sflag:s14] =	ssyncadd.s32 @!p4 $0xFFFFFB00;
	s14 =	simm.s32 @!p4 $0x500  }
0x1bb: {  	[tilespmem:s19], [sflag:$0x1] =	stream.indirect.gather @!p4 [spmem:s6], $0x1, s15, s14, $0xb8;
	[tilespmem:$0x13950] =	vst v63  }
0x1bc: {  	s19 =	simm.s32 @!p4 $0x5850  }
0x1bd: {  	[tilespmem:s19], [sflag:$0x1] =	stream.indirect.gather @!p4 [spmem:s7], $0x1, s15, s14, $0xb8;
	[tilespmem:$0x13950] =	vst v63  }
0x1be: {  	s19 =	simm.s32 @!p4 $0x5D50  }
0x1bf: {  	[tilespmem:s19], [sflag:$0x1] =	stream.indirect.gather @!p4 [spmem:s9], $0x1, s15, s14, $0xb8;
	[tilespmem:$0x13950] =	vst v63  }
0x1c0: {  	s15 =	simm.s32 @!p4 $0x4E50;
	s19 =	simm.s32 @!p4 $0x6250  }
0x1c1: {  	[tilespmem:s19], [sflag:$0x1] =	stream.indirect.gather @!p4 [spmem:s6], $0x1, s15, s14, $0xb8;
	[tilespmem:$0x13950] =	vst v63  }
0x1c2: {  	s19 =	simm.s32 @!p4 $0x6750  }
0x1c3: {  	[tilespmem:s19], [sflag:$0x1] =	stream.indirect.gather @!p4 [spmem:s7], $0x1, s15, s14, $0xb8;
	[tilespmem:$0x13950] =	vst v63  }
0x1c4: {  	s19 =	simm.s32 @!p4 $0x6C50  }
0x1c5: {  	[tilespmem:s19], [sflag:$0x1] =	stream.indirect.gather @!p4 [spmem:s9], $0x1, s15, s14, $0xb8;
	[tilespmem:$0x13950] =	vst v63  }
0x1c6: {  	s14 =	simm.s32 @!p3 $0x4  }
0x1c7: {  	_ =	swait.ge @!p3 [sflag:s14], $0x2800  }
.Ltmp6:
0x1c8: {  	[sflag:s14] =	ssyncset.done @!p3 $0x0;
	(pc) =	sbr.rel @p2 .LBB2_10-.Ltmp6, $4  }
0x1c9: {  	[sflag:s14] =	ssyncadd.s32 @!p3 $0xFFFFD800  }
0x1ca: {  	_ =	swait.ge @!p3 [sflag:s14], $0x2800  }
0x1cb: {  	[sflag:s14] =	ssyncset.done @!p3 $0x0  }
0x1cc: {  	[sflag:s14] =	ssyncadd.s32 @!p3 $0xFFFFD800  }
0x1cd: {  	_ =	swait.ge [sflag:s31], $0x500  }
0x1ce: {  	[sflag:s31] =	ssyncset.done $0x0  }
0x1cf: {  	[sflag:s31] =	ssyncadd.s32 $0xFFFFFB00  }
0x1d0: {  	_ =	swait.ge [sflag:s31], $0x500  }
0x1d1: {  	[sflag:s31] =	ssyncset.done $0x0  }
0x1d2: {  	[sflag:s31] =	ssyncadd.s32 $0xFFFFFB00  }
0x1d3: {  	_ =	swait.ge [sflag:s31], $0x500  }
0x1d4: {  	[sflag:s31] =	ssyncset.done $0x0  }
0x1d5: {  	[sflag:s31] =	ssyncadd.s32 $0xFFFFFB00  }
0x1d6: {  	_ =	swait.ge [sflag:s31], $0x500  }
0x1d7: {  	[sflag:s31] =	ssyncset.done $0x0  }
0x1d8: {  	[sflag:s31] =	ssyncadd.s32 $0xFFFFFB00  }
0x1d9: {  	_ =	swait.ge [sflag:s31], $0x500  }
0x1da: {  	s13 =	sadd.s32 s18, s13;
	[sflag:s31] =	ssyncset.done $0x0  }
0x1db: {  	p2 =	sgt.u32 s13, $0x9C3;
	[sflag:s31] =	ssyncadd.s32 $0xFFFFFB00  }
0x1dc: {  	s13 =	smul.u32 @!p2 $0xA0, s13;
	_ =	swait.ge [sflag:s31], $0x500  }
0x1dd: {  	s15 =	simm.s32 @!p2 $0x0;
	[sflag:s31] =	ssyncset.done $0x0  }
0x1de: {  	s19 =	simm.s32 @!p2 $0xC150;
	s14 =	sadd.s32 @!p2 s3, s13;
	[sflag:s31] =	ssyncadd.s32 $0xFFFFFB00  }
0x1df: {  	[tilespmem:s19], [sflag:$0x6] =	stream.linear.gather @!p2 [hbm4b:s14+s15], $0x500, $0x38;
	[tilespmem:$0x13950] =	vst v63  }
0x1e0: {  	s13 =	sadd.s32 @!p2 s4, s13;
	s14 =	simm.s32 @!p2 $0xC650  }
0x1e1: {  	[tilespmem:s14], [sflag:$0x6] =	stream.linear.gather @!p2 [hbm4b:s13+s15], $0x500, $0x38;
	[tilespmem:$0x13950] =	vst v63  }
0x1e2: {  	s13 =	simm.s32 $0x0;
	s14 =	simm.s32 $0x30;
	s15 =	simm.s32 $0x0  }
.LBB2_8:
0x1e3: {  	s19 =	sshra.s32 s15, $0x2  }
0x1e4: {  	v0 =	vld [tilespmem:s19+$0xCB50]  }
0x1e5: {  	v1 =	vld [tilespmem:s19+$0xDA50]  }
0x1e6: {  	v2 =	vld [tilespmem:s19+$0xD050]  }
0x1e7: {  	v3 =	vld [tilespmem:s19+$0xDF50]  }
0x1e8: {  	v4 =	vld [tilespmem:s19+$0xD550]  }
0x1e9: {  	v5 =	vld [tilespmem:s19+$0xE450];
	_ =	sdelay $0x2  }
0x1ea: {  	v0 =	vsub.f32 v0, v1;
	v35 =	vsub.f32 v2, v3;
	_ =	sdelay $0x1  }
0x1eb: {  	v36 =	vsub.f32 v4, v5;
	v0 =	vmul.f32 v0, v0;
	v1 =	vmul.f32 v35, v35;
	_ =	sdelay $0x1  }
0x1ec: {  	v37 =	vmul.f32 v36, v36;
	v0 =	vadd.f32 v1, v0;
	_ =	sdelay $0x1  }
0x1ed: {  	v0 =	vadd.f32 v37, v0;
	_ =	sdelay $0x1  }
0x1ee: {  	v0 =	vmax.f32 v0, $1.000000000e-30  }
0x1ef: {  	v38 =	vshra.s32 v0, $0x1;
	v39 =	vmul.f32 $5.000000000e-01, v0  }
0x1f0: {  	v1 =	vsub.s32 $0x5F3759DF, v38  }
0x1f1: {  	v40 =	vmul.f32 v1, v39;
	_ =	sdelay $0x1  }
0x1f2: {  	v3 =	vmul.f32 v1, v40;
	_ =	sdelay $0x1  }
0x1f3: {  	v3 =	vsub.f32 $1.500000000e+00, v3;
	_ =	sdelay $0x1  }
0x1f4: {  	v1 =	vmul.f32 v1, v3;
	_ =	sdelay $0x1  }
0x1f5: {  	v3 =	vmul.f32 v1, v39;
	_ =	sdelay $0x1  }
0x1f6: {  	v3 =	vmul.f32 v3, v1;
	_ =	sdelay $0x1  }
0x1f7: {  	v3 =	vsub.f32 $1.500000000e+00, v3;
	_ =	sdelay $0x1  }
0x1f8: {  	v1 =	vmul.f32 v3, v1;
	_ =	sdelay $0x1  }
0x1f9: {  	v2 =	vmul.f32 v1, v39;
	_ =	sdelay $0x1  }
0x1fa: {  	v2 =	vmul.f32 v2, v1;
	_ =	sdelay $0x1  }
0x1fb: {  	v2 =	vsub.f32 $1.500000000e+00, v2;
	_ =	sdelay $0x1  }
0x1fc: {  	v1 =	vmul.f32 v2, v1;
	_ =	sdelay $0x1  }
0x1fd: {  	v0 =	vmul.f32 v1, v0;
	_ =	sdelay $0x1  }
0x1fe: {  	v1 =	vadd.f32 $-3.333333430e-01, v0;
	v42 =	vadd.f32 $-6.666666860e-01, v0  }
0x1ff: {  	v43 =	vadd.f32 $-1.000000000e+00, v0;
	v45 =	vadd.f32 $-1.333333370e+00, v0  }
0x200: {  	v47 =	vadd.f32 $-1.666666630e+00, v0;
	v49 =	vadd.f32 $-2.000000000e+00, v0  }
0x201: {  	v51 =	vadd.f32 $-2.333333250e+00, v0;
	v53 =	vadd.f32 $-2.666666750e+00, v0  }
0x202: {  	v41 =	vmul.f32 v0, v0;
	v55 =	vadd.f32 $-3.000000000e+00, v0;
	v57 =	vadd.f32 $-3.333333250e+00, v0  }
0x203: {  	v59 =	vadd.f32 $-3.666666750e+00, v0;
	v61 =	vadd.f32 $-4.000000000e+00, v0;
	v1 =	vmul.f32 v1, v1  }
0x204: {  	v63 =	vadd.f32 $-4.333333490e+00, v0;
	v2 =	vmul.f32 $-4.500000000e+00, v41;
	v3 =	vmul.f32 v42, v42  }
0x205: {  	v8 =	vadd.f32 $-4.666666510e+00, v0;
	v4 =	vmul.f32 v43, v43;
	v48 =	vmul.f32 v45, v45  }
0x206: {  	v0 =	vadd.f32 $-5.000000000e+00, v0;
	v50 =	vmul.f32 v47, v47;
	v56 =	vmul.f32 v53, v53  }
0x207: {  	v58 =	vmul.f32 v55, v55;
	v7 =	vmul.f32 v61, v61  }
0x208: {  	v9 =	vmul.f32 v63, v63;
	v0 =	vmul.f32 v0, v0  }
0x209: {  	v1 =	vmul.f32 $-4.500000000e+00, v1;
	v2 =	vmul.f32 $1.442695020e+00, v2  }
0x20a: {  	v3 =	vmul.f32 $-4.500000000e+00, v3;
	v4 =	vmul.f32 $-4.500000000e+00, v4  }
0x20b: {  	v0 =	vmul.f32 $-4.500000000e+00, v0;
	v1 =	vmul.f32 $1.442695020e+00, v1  }
0x20c: {  	(erf) = vpow2.f32 v2;
	v44 =	vmul.f32 $1.442695020e+00, v3  }
0x20d: {  	v46 =	vmul.f32 $1.442695020e+00, v4;
	v2 =	vmul.f32 $-4.500000000e+00, v48  }
0x20e: {  	v3 =	vmul.f32 v49, v49;
	v4 =	vmul.f32 v51, v51  }
0x20f: {  	(erf) = vpow2.f32 v1;
	v1 =	vmul.f32 $-4.500000000e+00, v50  }
0x210: {  	v2 =	vmul.f32 $1.442695020e+00, v2;
	v3 =	vmul.f32 $-4.500000000e+00, v3  }
0x211: {  	v4 =	vmul.f32 $-4.500000000e+00, v4;
	(erf) = vpow2.f32 v44  }
0x212: {  	(erf) = vpow2.f32 v46;
	v1 =	vmul.f32 $1.442695020e+00, v1  }
0x213: {  	v52 =	vmul.f32 $1.442695020e+00, v3;
	v54 =	vmul.f32 $1.442695020e+00, v4  }
0x214: {  	v3 =	vmul.f32 v57, v57;
	v4 =	vmul.f32 v59, v59  }
0x215: {  	(erf) = vpow2.f32 v2;
	v2 =	vmul.f32 $-4.500000000e+00, v56  }
0x216: {  	(erf) = vpow2.f32 v1;
	v1 =	vmul.f32 $-4.500000000e+00, v58  }
0x217: {  	v3 =	vmul.f32 $-4.500000000e+00, v3;
	v4 =	vmul.f32 $-4.500000000e+00, v4  }
0x218: {  	(erf) = vpow2.f32 v52;
	v2 =	vmul.f32 $1.442695020e+00, v2  }
0x219: {  	(erf) = vpow2.f32 v54;
	v1 =	vmul.f32 $1.442695020e+00, v1  }
0x21a: {  	v60 =	vmul.f32 $1.442695020e+00, v3;
	v62 =	vmul.f32 $1.442695020e+00, v4  }
0x21b: {  	s21 =	sadd.s32 $0xFFFFFFD0, s14;
	v3 =	vmul.f32 v8, v8;
	(erf) = vpow2.f32 v2  }
0x21c: {  	s20 =	sand.u32 $0x3C00, s13;
	s21 =	sand.u32 $0x40, s21;
	v2 =	vmul.f32 $-4.500000000e+00, v7;
	(erf) = vpow2.f32 v1  }
0x21d: {  	s21 =	sor.u32 s21, s20;
	v10 =	vpop (erf);
	v1 =	vmul.f32 $-4.500000000e+00, v9;
	v3 =	vmul.f32 $-4.500000000e+00, v3  }
0x21e: {  	[tilespmem:s21+$0xE950] =	vst v10;
	(erf) = vpow2.f32 v60;
	v11 =	vpop (erf);
	v2 =	vmul.f32 $1.442695020e+00, v2  }
0x21f: {  	(erf) = vpow2.f32 v62;
	[tilespmem:s21+$0xE9D0] =	vst v11;
	v12 =	vpop (erf);
	v1 =	vmul.f32 $1.442695020e+00, v1  }
0x220: {  	v14 =	vmul.f32 $1.442695020e+00, v3;
	[tilespmem:s21+$0xEA50] =	vst v12;
	v13 =	vpop (erf);
	(erf) = vpow2.f32 v2  }
0x221: {  	v0 =	vmul.f32 $1.442695020e+00, v0;
	[tilespmem:s21+$0xEAD0] =	vst v13;
	v15 =	vpop (erf);
	(erf) = vpow2.f32 v1  }
0x222: {  	[tilespmem:s21+$0xEB50] =	vst v15;
	v16 =	vpop (erf);
	(erf) = vpow2.f32 v14  }
0x223: {  	[tilespmem:s21+$0xEBD0] =	vst v16;
	v17 =	vpop (erf);
	(erf) = vpow2.f32 v0  }
0x224: {  	[tilespmem:s21+$0xEC50] =	vst v17;
	v18 =	vpop (erf)  }
0x225: {  	[tilespmem:s21+$0xECD0] =	vst v18;
	v19 =	vpop (erf)  }
0x226: {  	[tilespmem:s21+$0x11150] =	vst v19;
	v20 =	vpop (erf)  }
0x227: {  	[tilespmem:s21+$0x111D0] =	vst v20;
	v21 =	vpop (erf)  }
0x228: {  	[tilespmem:s21+$0x11250] =	vst v21;
	v22 =	vpop (erf)  }
0x229: {  	[tilespmem:s21+$0x112D0] =	vst v22;
	v23 =	vpop (erf)  }
0x22a: {  	[tilespmem:s21+$0x11350] =	vst v23;
	v24 =	vpop (erf)  }
0x22b: {  	[tilespmem:s21+$0x113D0] =	vst v24;
	v25 =	vpop (erf)  }
0x22c: {  	[tilespmem:s21+$0x11450] =	vst v25;
	v26 =	vpop (erf)  }
0x22d: {  	[tilespmem:s21+$0x114D0] =	vst v26  }
0x22e: {  	v0 =	vld [tilespmem:s19+$0xCB60]  }
0x22f: {  	v1 =	vld [tilespmem:s19+$0xDA60]  }
0x230: {  	v27 =	vld [tilespmem:s19+$0xD060]  }
0x231: {  	v3 =	vld [tilespmem:s19+$0xDF60]  }
0x232: {  	v4 =	vld [tilespmem:s19+$0xD560]  }
0x233: {  	v28 =	vld [tilespmem:s19+$0xE460];
	_ =	sdelay $0x2  }
0x234: {  	v0 =	vsub.f32 v0, v1;
	v29 =	vsub.f32 v27, v3;
	_ =	sdelay $0x1  }
0x235: {  	v30 =	vsub.f32 v4, v28;
	v0 =	vmul.f32 v0, v0;
	v1 =	vmul.f32 v29, v29;
	_ =	sdelay $0x1  }
0x236: {  	v31 =	vmul.f32 v30, v30;
	v0 =	vadd.f32 v1, v0;
	_ =	sdelay $0x1  }
0x237: {  	v0 =	vadd.f32 v31, v0;
	_ =	sdelay $0x1  }
0x238: {  	v0 =	vmax.f32 v0, $1.000000000e-30  }
0x239: {  	v32 =	vshra.s32 v0, $0x1;
	v33 =	vmul.f32 $5.000000000e-01, v0  }
0x23a: {  	v1 =	vsub.s32 $0x5F3759DF, v32  }
0x23b: {  	v34 =	vmul.f32 v1, v33;
	_ =	sdelay $0x1  }
0x23c: {  	v3 =	vmul.f32 v1, v34;
	_ =	sdelay $0x1  }
0x23d: {  	v3 =	vsub.f32 $1.500000000e+00, v3;
	_ =	sdelay $0x1  }
0x23e: {  	v1 =	vmul.f32 v1, v3;
	_ =	sdelay $0x1  }
0x23f: {  	v3 =	vmul.f32 v1, v33;
	_ =	sdelay $0x1  }
0x240: {  	v3 =	vmul.f32 v3, v1;
	_ =	sdelay $0x1  }
0x241: {  	v3 =	vsub.f32 $1.500000000e+00, v3;
	_ =	sdelay $0x1  }
0x242: {  	v1 =	vmul.f32 v3, v1;
	_ =	sdelay $0x1  }
0x243: {  	v2 =	vmul.f32 v1, v33;
	_ =	sdelay $0x1  }
0x244: {  	v2 =	vmul.f32 v2, v1;
	_ =	sdelay $0x1  }
0x245: {  	v2 =	vsub.f32 $1.500000000e+00, v2;
	_ =	sdelay $0x1  }
0x246: {  	v1 =	vmul.f32 v2, v1;
	_ =	sdelay $0x1  }
0x247: {  	v0 =	vmul.f32 v1, v0;
	_ =	sdelay $0x1  }
0x248: {  	v1 =	vadd.f32 $-3.333333430e-01, v0;
	v36 =	vadd.f32 $-6.666666860e-01, v0  }
0x249: {  	v37 =	vadd.f32 $-1.000000000e+00, v0;
	v39 =	vadd.f32 $-1.333333370e+00, v0  }
0x24a: {  	v41 =	vadd.f32 $-1.666666630e+00, v0;
	v43 =	vadd.f32 $-2.000000000e+00, v0  }
0x24b: {  	v45 =	vadd.f32 $-2.333333250e+00, v0;
	v47 =	vadd.f32 $-2.666666750e+00, v0  }
0x24c: {  	v35 =	vmul.f32 v0, v0;
	v49 =	vadd.f32 $-3.000000000e+00, v0;
	v51 =	vadd.f32 $-3.333333250e+00, v0  }
0x24d: {  	v53 =	vadd.f32 $-3.666666750e+00, v0;
	v55 =	vadd.f32 $-4.000000000e+00, v0;
	v1 =	vmul.f32 v1, v1  }
0x24e: {  	v57 =	vadd.f32 $-4.333333490e+00, v0;
	v2 =	vmul.f32 $-4.500000000e+00, v35;
	v3 =	vmul.f32 v36, v36  }
0x24f: {  	v59 =	vadd.f32 $-4.666666510e+00, v0;
	v4 =	vmul.f32 v37, v37;
	v42 =	vmul.f32 v39, v39  }
0x250: {  	v0 =	vadd.f32 $-5.000000000e+00, v0;
	v44 =	vmul.f32 v41, v41;
	v50 =	vmul.f32 v47, v47  }
0x251: {  	v52 =	vmul.f32 v49, v49;
	v58 =	vmul.f32 v55, v55  }
0x252: {  	v60 =	vmul.f32 v57, v57;
	v0 =	vmul.f32 v0, v0  }
0x253: {  	v1 =	vmul.f32 $-4.500000000e+00, v1;
	v2 =	vmul.f32 $1.442695020e+00, v2  }
0x254: {  	v3 =	vmul.f32 $-4.500000000e+00, v3;
	v4 =	vmul.f32 $-4.500000000e+00, v4  }
0x255: {  	v0 =	vmul.f32 $-4.500000000e+00, v0;
	v1 =	vmul.f32 $1.442695020e+00, v1  }
0x256: {  	(erf) = vpow2.f32 v2;
	v38 =	vmul.f32 $1.442695020e+00, v3  }
0x257: {  	v40 =	vmul.f32 $1.442695020e+00, v4;
	v2 =	vmul.f32 $-4.500000000e+00, v42  }
0x258: {  	v3 =	vmul.f32 v43, v43;
	v4 =	vmul.f32 v45, v45  }
0x259: {  	(erf) = vpow2.f32 v1;
	v1 =	vmul.f32 $-4.500000000e+00, v44  }
0x25a: {  	v2 =	vmul.f32 $1.442695020e+00, v2;
	v3 =	vmul.f32 $-4.500000000e+00, v3  }
0x25b: {  	v4 =	vmul.f32 $-4.500000000e+00, v4;
	(erf) = vpow2.f32 v38  }
0x25c: {  	(erf) = vpow2.f32 v40;
	v1 =	vmul.f32 $1.442695020e+00, v1  }
0x25d: {  	v46 =	vmul.f32 $1.442695020e+00, v3;
	v48 =	vmul.f32 $1.442695020e+00, v4  }
0x25e: {  	v3 =	vmul.f32 v51, v51;
	v4 =	vmul.f32 v53, v53  }
0x25f: {  	(erf) = vpow2.f32 v2;
	v2 =	vmul.f32 $-4.500000000e+00, v50  }
0x260: {  	(erf) = vpow2.f32 v1;
	v1 =	vmul.f32 $-4.500000000e+00, v52  }
0x261: {  	v3 =	vmul.f32 $-4.500000000e+00, v3;
	v4 =	vmul.f32 $-4.500000000e+00, v4  }
0x262: {  	(erf) = vpow2.f32 v46;
	v2 =	vmul.f32 $1.442695020e+00, v2  }
0x263: {  	(erf) = vpow2.f32 v48;
	v1 =	vmul.f32 $1.442695020e+00, v1  }
0x264: {  	v54 =	vmul.f32 $1.442695020e+00, v3;
	v56 =	vmul.f32 $1.442695020e+00, v4  }
0x265: {  	s23 =	sadd.s32 $0xFFFFFFE0, s14;
	v3 =	vmul.f32 v59, v59;
	(erf) = vpow2.f32 v2  }
0x266: {  	s21 =	sand.u32 $0x50, s23;
	v2 =	vmul.f32 $-4.500000000e+00, v58;
	(erf) = vpow2.f32 v1  }
0x267: {  	s21 =	sor.u32 s20, s21;
	v61 =	vpop (erf);
	v1 =	vmul.f32 $-4.500000000e+00, v60;
	v3 =	vmul.f32 $-4.500000000e+00, v3  }
0x268: {  	[tilespmem:s21+$0xE950] =	vst v61;
	(erf) = vpow2.f32 v54;
	v62 =	vpop (erf);
	v2 =	vmul.f32 $1.442695020e+00, v2  }
0x269: {  	(erf) = vpow2.f32 v56;
	[tilespmem:s21+$0xE9D0] =	vst v62;
	v63 =	vpop (erf);
	v1 =	vmul.f32 $1.442695020e+00, v1  }
0x26a: {  	v9 =	vmul.f32 $1.442695020e+00, v3;
	[tilespmem:s21+$0xEA50] =	vst v63;
	v8 =	vpop (erf);
	(erf) = vpow2.f32 v2  }
0x26b: {  	v0 =	vmul.f32 $1.442695020e+00, v0;
	[tilespmem:s21+$0xEAD0] =	vst v8;
	v10 =	vpop (erf);
	(erf) = vpow2.f32 v1  }
0x26c: {  	[tilespmem:s21+$0xEB50] =	vst v10;
	v11 =	vpop (erf);
	(erf) = vpow2.f32 v9  }
0x26d: {  	[tilespmem:s21+$0xEBD0] =	vst v11;
	v12 =	vpop (erf);
	(erf) = vpow2.f32 v0  }
0x26e: {  	[tilespmem:s21+$0xEC50] =	vst v12;
	v13 =	vpop (erf)  }
0x26f: {  	[tilespmem:s21+$0xECD0] =	vst v13;
	v14 =	vpop (erf)  }
0x270: {  	[tilespmem:s21+$0x11150] =	vst v14;
	v15 =	vpop (erf)  }
0x271: {  	[tilespmem:s21+$0x111D0] =	vst v15;
	v16 =	vpop (erf)  }
0x272: {  	[tilespmem:s21+$0x11250] =	vst v16;
	v17 =	vpop (erf)  }
0x273: {  	[tilespmem:s21+$0x112D0] =	vst v17;
	v18 =	vpop (erf)  }
0x274: {  	[tilespmem:s21+$0x11350] =	vst v18;
	v19 =	vpop (erf)  }
0x275: {  	[tilespmem:s21+$0x113D0] =	vst v19;
	v20 =	vpop (erf)  }
0x276: {  	[tilespmem:s21+$0x11450] =	vst v20;
	v21 =	vpop (erf)  }
0x277: {  	[tilespmem:s21+$0x114D0] =	vst v21  }
0x278: {  	v0 =	vld [tilespmem:s19+$0xCB70]  }
0x279: {  	v1 =	vld [tilespmem:s19+$0xDA70]  }
0x27a: {  	v22 =	vld [tilespmem:s19+$0xD070]  }
0x27b: {  	v3 =	vld [tilespmem:s19+$0xDF70]  }
0x27c: {  	v4 =	vld [tilespmem:s19+$0xD570]  }
0x27d: {  	v23 =	vld [tilespmem:s19+$0xE470];
	_ =	sdelay $0x2  }
0x27e: {  	v0 =	vsub.f32 v0, v1;
	v24 =	vsub.f32 v22, v3;
	_ =	sdelay $0x1  }
0x27f: {  	v25 =	vsub.f32 v4, v23;
	v0 =	vmul.f32 v0, v0;
	v1 =	vmul.f32 v24, v24;
	_ =	sdelay $0x1  }
0x280: {  	v26 =	vmul.f32 v25, v25;
	v0 =	vadd.f32 v1, v0;
	_ =	sdelay $0x1  }
0x281: {  	v0 =	vadd.f32 v26, v0;
	_ =	sdelay $0x1  }
0x282: {  	v0 =	vmax.f32 v0, $1.000000000e-30  }
0x283: {  	v27 =	vshra.s32 v0, $0x1;
	v28 =	vmul.f32 $5.000000000e-01, v0  }
0x284: {  	v1 =	vsub.s32 $0x5F3759DF, v27  }
0x285: {  	v29 =	vmul.f32 v1, v28;
	_ =	sdelay $0x1  }
0x286: {  	v3 =	vmul.f32 v1, v29;
	_ =	sdelay $0x1  }
0x287: {  	v3 =	vsub.f32 $1.500000000e+00, v3;
	_ =	sdelay $0x1  }
0x288: {  	v1 =	vmul.f32 v1, v3;
	_ =	sdelay $0x1  }
0x289: {  	v3 =	vmul.f32 v1, v28;
	_ =	sdelay $0x1  }
0x28a: {  	v3 =	vmul.f32 v3, v1;
	_ =	sdelay $0x1  }
0x28b: {  	v3 =	vsub.f32 $1.500000000e+00, v3;
	_ =	sdelay $0x1  }
0x28c: {  	v1 =	vmul.f32 v3, v1;
	_ =	sdelay $0x1  }
0x28d: {  	v2 =	vmul.f32 v1, v28;
	_ =	sdelay $0x1  }
0x28e: {  	v2 =	vmul.f32 v2, v1;
	_ =	sdelay $0x1  }
0x28f: {  	v2 =	vsub.f32 $1.500000000e+00, v2;
	_ =	sdelay $0x1  }
0x290: {  	v1 =	vmul.f32 v2, v1;
	_ =	sdelay $0x1  }
0x291: {  	v0 =	vmul.f32 v1, v0;
	_ =	sdelay $0x1  }
0x292: {  	v1 =	vadd.f32 $-3.333333430e-01, v0;
	v31 =	vadd.f32 $-6.666666860e-01, v0  }
0x293: {  	v32 =	vadd.f32 $-1.000000000e+00, v0;
	v34 =	vadd.f32 $-1.333333370e+00, v0  }
0x294: {  	v36 =	vadd.f32 $-1.666666630e+00, v0;
	v38 =	vadd.f32 $-2.000000000e+00, v0  }
0x295: {  	v40 =	vadd.f32 $-2.333333250e+00, v0;
	v42 =	vadd.f32 $-2.666666750e+00, v0  }
0x296: {  	v30 =	vmul.f32 v0, v0;
	v44 =	vadd.f32 $-3.000000000e+00, v0;
	v46 =	vadd.f32 $-3.333333250e+00, v0  }
0x297: {  	v48 =	vadd.f32 $-3.666666750e+00, v0;
	v50 =	vadd.f32 $-4.000000000e+00, v0;
	v1 =	vmul.f32 v1, v1  }
0x298: {  	v52 =	vadd.f32 $-4.333333490e+00, v0;
	v2 =	vmul.f32 $-4.500000000e+00, v30;
	v3 =	vmul.f32 v31, v31  }
0x299: {  	v54 =	vadd.f32 $-4.666666510e+00, v0;
	v4 =	vmul.f32 v32, v32;
	v37 =	vmul.f32 v34, v34  }
0x29a: {  	v0 =	vadd.f32 $-5.000000000e+00, v0;
	v39 =	vmul.f32 v36, v36;
	v45 =	vmul.f32 v42, v42  }
0x29b: {  	v47 =	vmul.f32 v44, v44;
	v53 =	vmul.f32 v50, v50  }
0x29c: {  	v55 =	vmul.f32 v52, v52;
	v0 =	vmul.f32 v0, v0  }
0x29d: {  	v1 =	vmul.f32 $-4.500000000e+00, v1;
	v2 =	vmul.f32 $1.442695020e+00, v2  }
0x29e: {  	v3 =	vmul.f32 $-4.500000000e+00, v3;
	v4 =	vmul.f32 $-4.500000000e+00, v4  }
0x29f: {  	v0 =	vmul.f32 $-4.500000000e+00, v0;
	v1 =	vmul.f32 $1.442695020e+00, v1  }
0x2a0: {  	(erf) = vpow2.f32 v2;
	v33 =	vmul.f32 $1.442695020e+00, v3  }
0x2a1: {  	v35 =	vmul.f32 $1.442695020e+00, v4;
	v2 =	vmul.f32 $-4.500000000e+00, v37  }
0x2a2: {  	v3 =	vmul.f32 v38, v38;
	v4 =	vmul.f32 v40, v40  }
0x2a3: {  	(erf) = vpow2.f32 v1;
	v1 =	vmul.f32 $-4.500000000e+00, v39  }
0x2a4: {  	v2 =	vmul.f32 $1.442695020e+00, v2;
	v3 =	vmul.f32 $-4.500000000e+00, v3  }
0x2a5: {  	v4 =	vmul.f32 $-4.500000000e+00, v4;
	(erf) = vpow2.f32 v33  }
0x2a6: {  	(erf) = vpow2.f32 v35;
	v1 =	vmul.f32 $1.442695020e+00, v1  }
0x2a7: {  	v41 =	vmul.f32 $1.442695020e+00, v3;
	v43 =	vmul.f32 $1.442695020e+00, v4  }
0x2a8: {  	v3 =	vmul.f32 v46, v46;
	v4 =	vmul.f32 v48, v48  }
0x2a9: {  	(erf) = vpow2.f32 v2;
	v2 =	vmul.f32 $-4.500000000e+00, v45  }
0x2aa: {  	(erf) = vpow2.f32 v1;
	v1 =	vmul.f32 $-4.500000000e+00, v47  }
0x2ab: {  	v3 =	vmul.f32 $-4.500000000e+00, v3;
	v4 =	vmul.f32 $-4.500000000e+00, v4  }
0x2ac: {  	(erf) = vpow2.f32 v41;
	v2 =	vmul.f32 $1.442695020e+00, v2  }
0x2ad: {  	(erf) = vpow2.f32 v43;
	v1 =	vmul.f32 $1.442695020e+00, v1  }
0x2ae: {  	v49 =	vmul.f32 $1.442695020e+00, v3;
	v51 =	vmul.f32 $1.442695020e+00, v4  }
0x2af: {  	s22 =	sadd.s32 $0xFFFFFFF0, s14;
	v3 =	vmul.f32 v54, v54;
	(erf) = vpow2.f32 v2  }
0x2b0: {  	s21 =	sand.u32 $0x60, s22;
	v2 =	vmul.f32 $-4.500000000e+00, v53;
	(erf) = vpow2.f32 v1  }
0x2b1: {  	s21 =	sor.u32 s20, s21;
	v56 =	vpop (erf);
	v1 =	vmul.f32 $-4.500000000e+00, v55;
	v3 =	vmul.f32 $-4.500000000e+00, v3  }
0x2b2: {  	[tilespmem:s21+$0xE950] =	vst v56;
	(erf) = vpow2.f32 v49;
	v57 =	vpop (erf);
	v2 =	vmul.f32 $1.442695020e+00, v2  }
0x2b3: {  	(erf) = vpow2.f32 v51;
	[tilespmem:s21+$0xE9D0] =	vst v57;
	v58 =	vpop (erf);
	v1 =	vmul.f32 $1.442695020e+00, v1  }
0x2b4: {  	v60 =	vmul.f32 $1.442695020e+00, v3;
	[tilespmem:s21+$0xEA50] =	vst v58;
	v59 =	vpop (erf);
	(erf) = vpow2.f32 v2  }
0x2b5: {  	v0 =	vmul.f32 $1.442695020e+00, v0;
	[tilespmem:s21+$0xEAD0] =	vst v59;
	v61 =	vpop (erf);
	(erf) = vpow2.f32 v1  }
0x2b6: {  	[tilespmem:s21+$0xEB50] =	vst v61;
	v62 =	vpop (erf);
	(erf) = vpow2.f32 v60  }
0x2b7: {  	[tilespmem:s21+$0xEBD0] =	vst v62;
	v63 =	vpop (erf);
	(erf) = vpow2.f32 v0  }
0x2b8: {  	[tilespmem:s21+$0xEC50] =	vst v63;
	v4 =	vpop (erf)  }
0x2b9: {  	[tilespmem:s21+$0xECD0] =	vst v4;
	v5 =	vpop (erf)  }
0x2ba: {  	[tilespmem:s21+$0x11150] =	vst v5;
	v6 =	vpop (erf)  }
0x2bb: {  	[tilespmem:s21+$0x111D0] =	vst v6;
	v7 =	vpop (erf)  }
0x2bc: {  	[tilespmem:s21+$0x11250] =	vst v7;
	v8 =	vpop (erf)  }
0x2bd: {  	[tilespmem:s21+$0x112D0] =	vst v8;
	v9 =	vpop (erf)  }
0x2be: {  	[tilespmem:s21+$0x11350] =	vst v9;
	v10 =	vpop (erf)  }
0x2bf: {  	[tilespmem:s21+$0x113D0] =	vst v10;
	v11 =	vpop (erf)  }
0x2c0: {  	[tilespmem:s21+$0x11450] =	vst v11;
	v12 =	vpop (erf)  }
0x2c1: {  	[tilespmem:s21+$0x114D0] =	vst v12  }
0x2c2: {  	v0 =	vld [tilespmem:s19+$0xCB80]  }
0x2c3: {  	v1 =	vld [tilespmem:s19+$0xDA80]  }
0x2c4: {  	v13 =	vld [tilespmem:s19+$0xD080]  }
0x2c5: {  	v3 =	vld [tilespmem:s19+$0xDF80]  }
0x2c6: {  	v4 =	vld [tilespmem:s19+$0xD580]  }
0x2c7: {  	v14 =	vld [tilespmem:s19+$0xE480];
	_ =	sdelay $0x2  }
0x2c8: {  	v0 =	vsub.f32 v0, v1;
	v15 =	vsub.f32 v13, v3;
	_ =	sdelay $0x1  }
0x2c9: {  	v16 =	vsub.f32 v4, v14;
	v0 =	vmul.f32 v0, v0;
	v1 =	vmul.f32 v15, v15;
	_ =	sdelay $0x1  }
0x2ca: {  	v17 =	vmul.f32 v16, v16;
	v0 =	vadd.f32 v1, v0;
	_ =	sdelay $0x1  }
0x2cb: {  	v0 =	vadd.f32 v17, v0;
	_ =	sdelay $0x1  }
0x2cc: {  	v0 =	vmax.f32 v0, $1.000000000e-30  }
0x2cd: {  	v18 =	vshra.s32 v0, $0x1;
	v19 =	vmul.f32 $5.000000000e-01, v0  }
0x2ce: {  	v1 =	vsub.s32 $0x5F3759DF, v18  }
0x2cf: {  	v20 =	vmul.f32 v1, v19;
	_ =	sdelay $0x1  }
0x2d0: {  	v3 =	vmul.f32 v1, v20;
	_ =	sdelay $0x1  }
0x2d1: {  	v3 =	vsub.f32 $1.500000000e+00, v3;
	_ =	sdelay $0x1  }
0x2d2: {  	v1 =	vmul.f32 v1, v3;
	_ =	sdelay $0x1  }
0x2d3: {  	v3 =	vmul.f32 v1, v19;
	_ =	sdelay $0x1  }
0x2d4: {  	v3 =	vmul.f32 v3, v1;
	_ =	sdelay $0x1  }
0x2d5: {  	v3 =	vsub.f32 $1.500000000e+00, v3;
	_ =	sdelay $0x1  }
0x2d6: {  	v1 =	vmul.f32 v3, v1;
	_ =	sdelay $0x1  }
0x2d7: {  	v2 =	vmul.f32 v1, v19;
	_ =	sdelay $0x1  }
0x2d8: {  	v2 =	vmul.f32 v2, v1;
	_ =	sdelay $0x1  }
0x2d9: {  	v2 =	vsub.f32 $1.500000000e+00, v2;
	_ =	sdelay $0x1  }
0x2da: {  	v1 =	vmul.f32 v2, v1;
	_ =	sdelay $0x1  }
0x2db: {  	v0 =	vmul.f32 v1, v0;
	_ =	sdelay $0x1  }
0x2dc: {  	v1 =	vadd.f32 $-3.333333430e-01, v0;
	v22 =	vadd.f32 $-6.666666860e-01, v0  }
0x2dd: {  	v23 =	vadd.f32 $-1.000000000e+00, v0;
	v25 =	vadd.f32 $-1.333333370e+00, v0  }
0x2de: {  	v27 =	vadd.f32 $-1.666666630e+00, v0;
	v29 =	vadd.f32 $-2.000000000e+00, v0  }
0x2df: {  	v31 =	vadd.f32 $-2.333333250e+00, v0;
	v33 =	vadd.f32 $-2.666666750e+00, v0  }
0x2e0: {  	v21 =	vmul.f32 v0, v0;
	v35 =	vadd.f32 $-3.000000000e+00, v0;
	v37 =	vadd.f32 $-3.333333250e+00, v0  }
0x2e1: {  	v39 =	vadd.f32 $-3.666666750e+00, v0;
	v41 =	vadd.f32 $-4.000000000e+00, v0;
	v1 =	vmul.f32 v1, v1  }
0x2e2: {  	v43 =	vadd.f32 $-4.333333490e+00, v0;
	v2 =	vmul.f32 $-4.500000000e+00, v21;
	v3 =	vmul.f32 v22, v22  }
0x2e3: {  	v45 =	vadd.f32 $-4.666666510e+00, v0;
	v4 =	vmul.f32 v23, v23;
	v28 =	vmul.f32 v25, v25  }
0x2e4: {  	v0 =	vadd.f32 $-5.000000000e+00, v0;
	v30 =	vmul.f32 v27, v27;
	v36 =	vmul.f32 v33, v33  }
0x2e5: {  	v38 =	vmul.f32 v35, v35;
	v44 =	vmul.f32 v41, v41  }
0x2e6: {  	v46 =	vmul.f32 v43, v43;
	v0 =	vmul.f32 v0, v0  }
0x2e7: {  	v1 =	vmul.f32 $-4.500000000e+00, v1;
	v2 =	vmul.f32 $1.442695020e+00, v2  }
0x2e8: {  	v3 =	vmul.f32 $-4.500000000e+00, v3;
	v4 =	vmul.f32 $-4.500000000e+00, v4  }
0x2e9: {  	v0 =	vmul.f32 $-4.500000000e+00, v0;
	v1 =	vmul.f32 $1.442695020e+00, v1  }
0x2ea: {  	(erf) = vpow2.f32 v2;
	v24 =	vmul.f32 $1.442695020e+00, v3  }
0x2eb: {  	v26 =	vmul.f32 $1.442695020e+00, v4;
	v2 =	vmul.f32 $-4.500000000e+00, v28  }
0x2ec: {  	v3 =	vmul.f32 v29, v29;
	v4 =	vmul.f32 v31, v31  }
0x2ed: {  	(erf) = vpow2.f32 v1;
	v1 =	vmul.f32 $-4.500000000e+00, v30  }
0x2ee: {  	v2 =	vmul.f32 $1.442695020e+00, v2;
	v3 =	vmul.f32 $-4.500000000e+00, v3  }
0x2ef: {  	v4 =	vmul.f32 $-4.500000000e+00, v4;
	(erf) = vpow2.f32 v24  }
0x2f0: {  	(erf) = vpow2.f32 v26;
	v1 =	vmul.f32 $1.442695020e+00, v1  }
0x2f1: {  	v32 =	vmul.f32 $1.442695020e+00, v3;
	v34 =	vmul.f32 $1.442695020e+00, v4  }
0x2f2: {  	v3 =	vmul.f32 v37, v37;
	v4 =	vmul.f32 v39, v39  }
0x2f3: {  	(erf) = vpow2.f32 v2;
	v2 =	vmul.f32 $-4.500000000e+00, v36  }
0x2f4: {  	(erf) = vpow2.f32 v1;
	v1 =	vmul.f32 $-4.500000000e+00, v38  }
0x2f5: {  	v3 =	vmul.f32 $-4.500000000e+00, v3;
	v4 =	vmul.f32 $-4.500000000e+00, v4  }
0x2f6: {  	(erf) = vpow2.f32 v32;
	v2 =	vmul.f32 $1.442695020e+00, v2  }
0x2f7: {  	(erf) = vpow2.f32 v34;
	v1 =	vmul.f32 $1.442695020e+00, v1  }
0x2f8: {  	v40 =	vmul.f32 $1.442695020e+00, v3;
	v42 =	vmul.f32 $1.442695020e+00, v4  }
0x2f9: {  	v3 =	vmul.f32 v45, v45;
	(erf) = vpow2.f32 v2  }
0x2fa: {  	s23 =	sand.u32 $0x70, s14;
	v2 =	vmul.f32 $-4.500000000e+00, v44;
	(erf) = vpow2.f32 v1  }
0x2fb: {  	s19 =	sor.u32 s20, s23;
	v47 =	vpop (erf);
	v1 =	vmul.f32 $-4.500000000e+00, v46;
	v3 =	vmul.f32 $-4.500000000e+00, v3  }
0x2fc: {  	[tilespmem:s19+$0xE950] =	vst v47;
	(erf) = vpow2.f32 v40;
	v48 =	vpop (erf);
	v2 =	vmul.f32 $1.442695020e+00, v2  }
0x2fd: {  	(erf) = vpow2.f32 v42;
	v49 =	vpop (erf);
	[tilespmem:s19+$0xE9D0] =	vst v48;
	v1 =	vmul.f32 $1.442695020e+00, v1  }
0x2fe: {  	v51 =	vmul.f32 $1.442695020e+00, v3;
	[tilespmem:s19+$0xEA50] =	vst v49;
	v50 =	vpop (erf);
	(erf) = vpow2.f32 v2  }
0x2ff: {  	v0 =	vmul.f32 $1.442695020e+00, v0;
	[tilespmem:s19+$0xEAD0] =	vst v50;
	v52 =	vpop (erf);
	(erf) = vpow2.f32 v1  }
0x300: {  	[tilespmem:s19+$0xEB50] =	vst v52;
	v53 =	vpop (erf);
	(erf) = vpow2.f32 v51  }
0x301: {  	[tilespmem:s19+$0xEBD0] =	vst v53;
	v54 =	vpop (erf);
	(erf) = vpow2.f32 v0  }
0x302: {  	v55 =	vpop (erf);
	[tilespmem:s19+$0xEC50] =	vst v54  }
0x303: {  	v56 =	vpop (erf);
	[tilespmem:s19+$0xECD0] =	vst v55  }
0x304: {  	v57 =	vpop (erf);
	[tilespmem:s19+$0x11150] =	vst v56  }
0x305: {  	v58 =	vpop (erf);
	[tilespmem:s19+$0x111D0] =	vst v57  }
0x306: {  	p2 =	sne.s32 s15, $0x1300;
	v59 =	vpop (erf);
	[tilespmem:s19+$0x11250] =	vst v58  }
.Ltmp7:
0x307: {  	v60 =	vpop (erf);
	[tilespmem:s19+$0x112D0] =	vst v59;
	(pc) =	sbr.rel @p2 .LBB2_8-.Ltmp7, $4  }
0x308: {  	v61 =	vpop (erf);
	[tilespmem:s19+$0x11350] =	vst v60  }
0x309: {  	v62 =	vpop (erf);
	[tilespmem:s19+$0x113D0] =	vst v61  }
0x30a: {  	[tilespmem:s19+$0x11450] =	vst v62;
	v63 =	vpop (erf)  }
0x30b: {  	s13 =	sadd.s32 $0x200, s13;
	s15 =	sadd.s32 $0x100, s15;
	s14 =	sadd.s32 $0x40, s14;
	[tilespmem:s19+$0x114D0] =	vst v63  }
0x30c: {  	s12 =	smul.u32 $0x2800, s12;
	_ =	sdelay $0x1  }
.Ltmp8:
0x30d: {  	s12 =	sshrl.u32 s12, $0x3;
	(pc) =	sbr.rel .LBB2_10-.Ltmp8, $4  }
0x30e: {  	s12 =	sadd.s32 s5, s12  }
0x30f: {  	[hbm4b:s12+s11] =	stream.linear.scatter [tilespmem:s8], [sflag:$0x4], $0x2800, $0x38;
	[tilespmem:$0x13950] =	vst v63  }
0x310: {  	s12 =	sadd.s32 $0x30D400, s12  }
0x311: {  	[hbm4b:s12+s11] =	stream.linear.scatter [tilespmem:s0], [sflag:$0x4], $0x2800, $0x38;
	[tilespmem:$0x13950] =	vst v63  }
.LBB2_12:
0x312: {  	_ =	sfence.sel $0x180000  }
0x313: {  	[bflag:$0x0] =	sbarrier.arrive $0xFFFF  }
0x314: {  	_ =	strace $0x90000047  }
0x315: {  	[bflag:$0x2] =	sbarrier.arrive $0xFFFF  }
0x316: {  	s0 =	rddreg [dreg:$0x9]  }
0x317: {  	s0 =	sadd.s32 @!p0 $0x100000, s0  }
0x318: {  	[sflag:s0] =	ssyncadd.tile.s32 @!p0 $0x1;
	_ =	shalt  }
.Lfunc_end2:
_tile_overlayer_lowered:
.L_overlay_start_2:
0x319: {  	(tag) =	ssettag $0x2  }
0x31a: {  	s0 =	rddreg [dreg:$0x0];
	s2 =	stileid.u32  }
0x31b: {  	s1 =	rddreg [dreg:$0x1];
	p0 =	sne.s32 s2, $0x0  }
0x31c: {  	s3 =	rddreg [dreg:$0x2];
	[bflag:$0x3] =	sbarrier.arrive $0xFFFF;
	s2 =	simm.s32 @!p0 $0x1C07  }
0x31d: {  	[timem:s3], [sflag:s2] =	dma.local @!p0 [hbm:s0], s1  }
0x31e: {  	s0 =	simm.s32 @!p0 $0x7  }
0x31f: {  	_ =	swait.ge @!p0 [sflag:s0], s1  }
0x320: {  	s1 =	ssub.s32 @!p0 $0x0, s1;
	[sflag:s0] =	ssyncset.done @!p0 $0x0  }
0x321: {  	[sflag:s0] =	ssyncadd.s32 @!p0 s1  }
0x322: {  	[bflag:$0x3] =	sbarrier.arrive $0xFFFF  }
0x323: {  	_ =	shalt  }

</sc_bundles>
